<compile_context>
chip_gen: v7x
topology: tpu7x:2x2x1
jax: 0.10.2.dev20260603
libtpu: 0.0.44.dev20260713+nightly
codegen_flags: <defaults>
</compile_context>

<pallas_src>
import functools

import jax
import jax.numpy as jnp
from jax import lax
from jax.experimental import pallas as pl
from jax.experimental.pallas import tpu as pltpu
from jax.experimental.pallas import tpu_sc as plsc

N = 10000
E = 320000
D_IN = 128
D_HID = 20
D_OUT = 7

NC = 2
NS = 16
NW = NC * NS
CHUNK = 128
NCHR = E // CHUNK
SPLITS = {"deg": (105, 55), "p1": (88, 72), "p2": (97, 63)}
NPAD = 10112
SLAB = NPAD // NS
DP1 = 24
DP2 = 8

_MESH = plsc.VectorSubcoreMesh(core_axis_name="c", subcore_axis_name="s")
_SC_PARAMS = pltpu.CompilerParams(use_tc_tiling_on_sc=False)


def _slab(sid):
    return pl.ds(sid * SLAB, SLAB)


NBUF = 12
GAHEAD = 6


TSLAB = N // NS


def _msg_pass_body(dp, m0, m1, table, rowp, colp, zeros, out,
                   rowidx, colidx, zslab, tslab, gbuf, tbl, acc, gsem, ssem):
    c = lax.axis_index("c")
    s = lax.axis_index("s")
    on0 = c == 0
    m = jnp.where(on0, m0, m1)
    base = jnp.where(on0, s * m0, NS * m0 + s * m1)
    meff = jnp.maximum(jnp.minimum(m, NCHR - base), 0)
    bstage = jnp.minimum(base, NCHR - m0)
    delta = base - bstage
    pltpu.sync_copy(rowp.at[pl.ds(bstage, m0)], rowidx)
    pltpu.sync_copy(colp.at[pl.ds(bstage, m0)], colidx)
    tsl = pl.ds(s * TSLAB, TSLAB)
    pltpu.sync_copy(table.at[tsl], tslab)
    pltpu.sync_copy(tslab, tbl.at[tsl])
    pltpu.sync_copy(zeros, zslab)
    pltpu.sync_copy(zslab, acc.at[_slab(s)])
    plsc.subcore_barrier()

    def _gather(ch):
        b = lax.rem(ch, NBUF)
        pltpu.async_copy(tbl.at[rowidx.at[ch + delta]], gbuf.at[b], gsem.at[b])

    def _gather_wait(ch):
        b = lax.rem(ch, NBUF)
        pltpu.make_async_copy(
            tbl.at[rowidx.at[ch + delta]], gbuf.at[b], gsem.at[b]).wait()

    def _scatter(ch):
        b = lax.rem(ch, NBUF)
        pltpu.async_copy(
            gbuf.at[b], acc.at[colidx.at[ch + delta]], ssem.at[b], add=True)

    def _scatter_wait(ch):
        b = lax.rem(ch, NBUF)
        pltpu.make_async_copy(
            gbuf.at[b], acc.at[colidx.at[ch + delta]], ssem.at[b]).wait()

    for ch in range(GAHEAD):
        @pl.when(ch < meff)
        def _():
            _gather(ch)

    @pl.loop(0, meff)
    def _step(j):
        @pl.when(j >= GAHEAD)
        def _():
            _scatter_wait(j - GAHEAD)

        @pl.when(j + GAHEAD < meff)
        def _():
            _gather(j + GAHEAD)

        _gather_wait(j)
        _scatter(j)

    @pl.loop(jnp.maximum(meff - GAHEAD, 0), meff)
    def _drain(j):
        _scatter_wait(j)

    plsc.subcore_barrier()
    pltpu.sync_copy(acc.at[_slab(s)], zslab)
    pltpu.sync_copy(zslab, out.at[c, _slab(s)])


def _make_msg_pass(dp, m0, m1):
    return functools.partial(
        pl.kernel,
        out_type=jax.ShapeDtypeStruct((NC, NPAD, dp), jnp.float32),
        mesh=_MESH,
        scratch_types=[
            pltpu.VMEM((m0, CHUNK), jnp.int32),
            pltpu.VMEM((m0, CHUNK), jnp.int32),
            pltpu.VMEM((SLAB, dp), jnp.float32),
            pltpu.VMEM((TSLAB, dp), jnp.float32),
            pltpu.VMEM((NBUF, CHUNK, dp), jnp.float32),
            pltpu.VMEM_SHARED((N, dp), jnp.float32),
            pltpu.VMEM_SHARED((NPAD, dp), jnp.float32),
            pltpu.SemaphoreType.DMA((NBUF,)),
            pltpu.SemaphoreType.DMA((NBUF,)),
        ],
        compiler_params=_SC_PARAMS,
    )(functools.partial(_msg_pass_body, dp, m0, m1))


_msg_pass1 = _make_msg_pass(DP1, *SPLITS["p1"])
_msg_pass2 = _make_msg_pass(DP2, *SPLITS["p2"])

_M0_DEG, _M1_DEG = SPLITS["deg"]


@functools.partial(
    pl.kernel,
    out_type=jax.ShapeDtypeStruct((NC, NPAD, DP2), jnp.float32),
    mesh=_MESH,
    scratch_types=[
        pltpu.VMEM((SPLITS["deg"][0], CHUNK), jnp.int32),
        pltpu.VMEM((SLAB, DP2), jnp.float32),
        pltpu.VMEM((CHUNK, DP2), jnp.float32),
        pltpu.VMEM_SHARED((NPAD, DP2), jnp.float32),
        pltpu.SemaphoreType.DMA,
    ],
    compiler_params=_SC_PARAMS,
)
def _deg_pass(colp, ones, zeros, out, colidx, zslab, onesbuf, acc, ssem):
    c = lax.axis_index("c")
    s = lax.axis_index("s")
    on0 = c == 0
    m = jnp.where(on0, _M0_DEG, _M1_DEG)
    base = jnp.where(on0, s * _M0_DEG, NS * _M0_DEG + s * _M1_DEG)
    meff = jnp.maximum(jnp.minimum(m, NCHR - base), 0)
    bstage = jnp.minimum(base, NCHR - _M0_DEG)
    delta = base - bstage
    pltpu.sync_copy(colp.at[pl.ds(bstage, _M0_DEG)], colidx)
    pltpu.sync_copy(ones, onesbuf)
    pltpu.sync_copy(zeros, zslab)
    pltpu.sync_copy(zslab, acc.at[_slab(s)])
    plsc.subcore_barrier()

    @pl.loop(0, meff)
    def _fire(j):
        pltpu.async_copy(onesbuf, acc.at[colidx.at[j + delta]], ssem, add=True)

    @pl.loop(0, meff)
    def _drain(j):
        pltpu.make_async_copy(onesbuf, acc.at[colidx.at[j + delta]], ssem).wait()

    plsc.subcore_barrier()
    pltpu.sync_copy(acc.at[_slab(s)], zslab)
    pltpu.sync_copy(zslab, out.at[c, _slab(s)])


_TC_ROWS = 2528
_TC_GRID = NPAD // _TC_ROWS


def _dinv_of(degp):
    deg = degp[0][:, 0:1] + degp[1][:, 0:1] + 1.0
    return lax.rsqrt(deg)


def _tc1_body(x_ref, degp_ref, w1_ref, out_ref):
    h = jnp.dot(x_ref[...], w1_ref[...], preferred_element_type=jnp.float32)
    h1n = h * _dinv_of(degp_ref)
    out_ref[...] = jnp.concatenate(
        [h1n, jnp.zeros((_TC_ROWS, DP1 - D_HID), jnp.float32)], axis=1)


def _tc1(x, degp, W1):
    return pl.pallas_call(
        _tc1_body,
        grid=(_TC_GRID,),
        in_specs=[
            pl.BlockSpec((_TC_ROWS, D_IN), lambda i: (i, 0)),
            pl.BlockSpec((NC, _TC_ROWS, DP2), lambda i: (0, i, 0)),
            pl.BlockSpec((D_IN, D_HID), lambda i: (0, 0)),
        ],
        out_specs=pl.BlockSpec((_TC_ROWS, DP1), lambda i: (i, 0)),
        out_shape=jax.ShapeDtypeStruct((N, DP1), jnp.float32),
    )(x, degp, W1)


def _tc2_body(accp_ref, h1n_ref, degp_ref, b1_ref, w2_ref, out_ref):
    dinv = _dinv_of(degp_ref)
    s1 = (accp_ref[0] + accp_ref[1] + h1n_ref[...])[:, :D_HID]
    out1 = jnp.maximum(dinv * s1 + b1_ref[...], 0.0)
    h2 = jnp.dot(out1, w2_ref[...], preferred_element_type=jnp.float32)
    h2n = h2 * dinv
    out_ref[...] = jnp.concatenate(
        [h2n, jnp.zeros((_TC_ROWS, DP2 - D_OUT), jnp.float32)], axis=1)


def _tc2(accp1, h1n, degp, b1, W2):
    return pl.pallas_call(
        _tc2_body,
        grid=(_TC_GRID,),
        in_specs=[
            pl.BlockSpec((NC, _TC_ROWS, DP1), lambda i: (0, i, 0)),
            pl.BlockSpec((_TC_ROWS, DP1), lambda i: (i, 0)),
            pl.BlockSpec((NC, _TC_ROWS, DP2), lambda i: (0, i, 0)),
            pl.BlockSpec((1, D_HID), lambda i: (0, 0)),
            pl.BlockSpec((D_HID, D_OUT), lambda i: (0, 0)),
        ],
        out_specs=pl.BlockSpec((_TC_ROWS, DP2), lambda i: (i, 0)),
        out_shape=jax.ShapeDtypeStruct((N, DP2), jnp.float32),
    )(accp1, h1n, degp, b1, W2)


def _tc3_body(accp_ref, h2n_ref, degp_ref, b2_ref, out_ref):
    dinv = _dinv_of(degp_ref)
    z = dinv * (accp_ref[0] + accp_ref[1] + h2n_ref[...])[:, :D_OUT] + b2_ref[...]
    m = jnp.max(z, axis=1, keepdims=True)
    lse = jnp.log(jnp.sum(jnp.exp(z - m), axis=1, keepdims=True)) + m
    out_ref[...] = z - lse


def _tc3(accp2, h2n, degp, b2):
    return pl.pallas_call(
        _tc3_body,
        grid=(_TC_GRID,),
        in_specs=[
            pl.BlockSpec((NC, _TC_ROWS, DP2), lambda i: (0, i, 0)),
            pl.BlockSpec((_TC_ROWS, DP2), lambda i: (i, 0)),
            pl.BlockSpec((NC, _TC_ROWS, DP2), lambda i: (0, i, 0)),
            pl.BlockSpec((1, D_OUT), lambda i: (0, 0)),
        ],
        out_specs=pl.BlockSpec((_TC_ROWS, D_OUT), lambda i: (i, 0)),
        out_shape=jax.ShapeDtypeStruct((N, D_OUT), jnp.float32),
    )(accp2, h2n, degp, b2)


def kernel(x, edge, W1, b1, W2, b2):
    rowp = edge[0].astype(jnp.int32).reshape(NCHR, CHUNK)
    colp = edge[1].astype(jnp.int32).reshape(NCHR, CHUNK)
    zeros1 = jnp.zeros((SLAB, DP1), jnp.float32)
    zeros2 = jnp.zeros((SLAB, DP2), jnp.float32)
    ones = jnp.ones((CHUNK, DP2), jnp.float32)

    degp = _deg_pass(colp, ones, zeros2)
    h1n = _tc1(x, degp, W1)
    accp1 = _msg_pass1(h1n, rowp, colp, zeros1)
    h2n = _tc2(accp1, h1n, degp, b1.reshape(1, D_HID), W2)
    accp2 = _msg_pass2(h2n, rowp, colp, zeros2)
    return _tc3(accp2, h2n, degp, b2.reshape(1, D_OUT))

# --- scband reference (transcript-rebuilt; emitter-appended) ---
"""Pipeline reference for scband-method-gcn-48756468744279 (READ-ONLY COPY).

The authoritative reference and input builder live on the scoring server;
editing this copy changes nothing except your own understanding.
"""

import jax, jax.numpy as jnp
import numpy as np

N_NODES = 10000
N_EDGES = 320000
D_IN = 128
D_HID = 20
D_OUT = 7


def gcn_conv(x, edge_index, W, b):
    # PyG-style GCNConv: symmetric normalization with added self-loops.
    N = x.shape[0]
    row = edge_index[0]
    col = edge_index[1]
    loop = jnp.arange(N, dtype=row.dtype)
    row = jnp.concatenate([row, loop])
    col = jnp.concatenate([col, loop])
    deg = jnp.zeros((N,), x.dtype).at[col].add(1.0)
    dinv = jnp.where(deg > 0, jax.lax.rsqrt(deg), 0.0)
    norm = dinv[row] * dinv[col]
    h = x @ W
    msg = h[row] * norm[:, None]
    out = jnp.zeros((N, W.shape[1]), x.dtype).at[col].add(msg)
    return out + b


def setup_inputs(seed: int = 0) -> dict:
    key = jax.random.key(seed)
    k1, k2, k3, k4 = jax.random.split(key, 4)
    x = jax.random.normal(k1, (N_NODES, D_IN), dtype=jnp.float32)
    edge = jax.random.randint(k2, (2, N_EDGES), 0, N_NODES, dtype=jnp.int64)
    W1 = jax.random.normal(k3, (D_IN, D_HID), dtype=jnp.float32) * (1.0 / np.sqrt(D_IN))
    b1 = jnp.zeros((D_HID,), dtype=jnp.float32)
    W2 = jax.random.normal(k4, (D_HID, D_OUT), dtype=jnp.float32) * (1.0 / np.sqrt(D_HID))
    b2 = jnp.zeros((D_OUT,), dtype=jnp.float32)
    return {"x": x, "edge": edge, "W1": W1, "b1": b1, "W2": W2, "b2": b2}


def reference(x, edge, W1, b1, W2, b2):
    # forward: log_softmax(gcn2(dropout(relu(gcn1(x, edge))), edge), dim=1)
    # dropout(p=0.2) is identity in eval/deterministic mode.
    out1 = jax.nn.relu(gcn_conv(x, edge, W1, b1))
    out2 = gcn_conv(out1, edge, W2, b2)
    return jax.nn.log_softmax(out2, axis=1)

if __name__ == "__main__":
    import jax
    _d = setup_inputs()
    print(jax.jit(kernel)(*tuple(_d.values())))

</pallas_src>

<mosaic_0001>
#map = affine_map<(d0, d1) -> (0, 0)>
#map1 = affine_map<(d0, d1) -> (0, 0, 0)>
module attributes {stable_mosaic.version = 14 : i64} {
  func.func @_deg_pass(%arg0: i32, %arg1: i32, %arg2: memref<2500x128xi32, #tpu.memory_space<hbm>>, %arg3: memref<128x8xf32, #tpu.memory_space<hbm>>, %arg4: memref<632x8xf32, #tpu.memory_space<hbm>>, %arg5: memref<2x10112x8xf32, #tpu.memory_space<hbm>>, %arg6: memref<105x128xi32, #tpu.memory_space<vmem>>, %arg7: memref<632x8xf32, #tpu.memory_space<vmem>>, %arg8: memref<128x8xf32, #tpu.memory_space<vmem>>, %arg9: memref<10112x8xf32, #tpu.memory_space<vmem_shared>>, %arg10: memref<!tpu.dma_semaphore, #tpu.memory_space<semaphore_mem>>) attributes {dimension_semantics = [#tpu.dimension_semantics<core_parallel>, #tpu.dimension_semantics<subcore_parallel>], iteration_bounds = array<i64: 2, 16>, scalar_prefetch = 0 : i64, scratch_operands = 5 : i64, tpu.core_type = #tpu.core_type<sc_vector_subcore>, window_params = [{transform_indices = #map}, {transform_indices = #map}, {transform_indices = #map}, {transform_indices = #map1}]} {
    %eq3A = arith.constant 0 : i32
    %eq3A_0 = arith.cmpi eq, %arg0, %eq3A : i32
    %jit3A = arith.constant 105 : i32
    %jit3A_1 = arith.constant 55 : i32
    %select_n3A = arith.select %eq3A_0, %jit3A, %jit3A_1 : i32
    %mul3A = arith.constant 105 : i32
    %mul3A_2 = arith.muli %arg1, %mul3A : i32
    %mul3A_3 = arith.constant 55 : i32
    %mul3A_4 = arith.muli %arg1, %mul3A_3 : i32
    %add3A = arith.constant 1680 : i32
    %add3A_5 = arith.addi %add3A, %mul3A_4 : i32
    %select_n3A_6 = arith.select %eq3A_0, %mul3A_2, %add3A_5 : i32
    %sub3A = arith.constant 2500 : i32
    %sub3A_7 = arith.subi %sub3A, %select_n3A_6 : i32
    %min3A = arith.minsi %select_n3A, %sub3A_7 : i32
    %max3A = arith.constant 0 : i32
    %max3A_8 = arith.maxsi %min3A, %max3A : i32
    %min3A_9 = arith.constant 2395 : i32
    %min3A_10 = arith.minsi %select_n3A_6, %min3A_9 : i32
    %sub3A_11 = arith.subi %select_n3A_6, %min3A_10 : i32
    "tpu.region"() ({
      %run_scoped3A = tpu.sem_alloc : memref<!tpu.dma_semaphore, #tpu.memory_space<semaphore_mem>>
      %dma_start3A = arith.constant 0 : i32
      %dma_start3A_55 = tpu.memref_slice %arg2[%min3A_10, %dma_start3A] : memref<2500x128xi32, #tpu.memory_space<hbm>> -> memref<105x128xi32, #tpu.memory_space<hbm>>
      %dma_start3A_56 = arith.constant 0 : i32
      %dma_start3A_57 = tpu.memref_slice %arg2[%min3A_10, %dma_start3A_56] : memref<2500x128xi32, #tpu.memory_space<hbm>> -> memref<105x128xi32, #tpu.memory_space<hbm>>
      tpu.enqueue_dma source(%dma_start3A_57 : memref<105x128xi32, #tpu.memory_space<hbm>>) target(%arg6 : memref<105x128xi32, #tpu.memory_space<vmem>>) target_semaphore(%run_scoped3A : memref<!tpu.dma_semaphore, #tpu.memory_space<semaphore_mem>>)
      %dma_wait3A = arith.constant 0 : i32
      %dma_wait3A_58 = tpu.memref_slice %arg2[%min3A_10, %dma_wait3A] : memref<2500x128xi32, #tpu.memory_space<hbm>> -> memref<105x128xi32, #tpu.memory_space<hbm>>
      %dma_wait3A_59 = arith.constant 0 : i32
      %dma_wait3A_60 = tpu.memref_slice %arg2[%min3A_10, %dma_wait3A_59] : memref<2500x128xi32, #tpu.memory_space<hbm>> -> memref<105x128xi32, #tpu.memory_space<hbm>>
      tpu.wait_dma2 semaphore(%run_scoped3A : memref<!tpu.dma_semaphore, #tpu.memory_space<semaphore_mem>>) src(%dma_wait3A_60 : memref<105x128xi32, #tpu.memory_space<hbm>>) dst(%arg6 : memref<105x128xi32, #tpu.memory_space<vmem>>)
      tpu.yield
    }) : () -> ()
    "tpu.region"() ({
      %run_scoped3A = tpu.sem_alloc : memref<!tpu.dma_semaphore, #tpu.memory_space<semaphore_mem>>
      tpu.enqueue_dma source(%arg3 : memref<128x8xf32, #tpu.memory_space<hbm>>) target(%arg8 : memref<128x8xf32, #tpu.memory_space<vmem>>) target_semaphore(%run_scoped3A : memref<!tpu.dma_semaphore, #tpu.memory_space<semaphore_mem>>)
      tpu.wait_dma2 semaphore(%run_scoped3A : memref<!tpu.dma_semaphore, #tpu.memory_space<semaphore_mem>>) src(%arg3 : memref<128x8xf32, #tpu.memory_space<hbm>>) dst(%arg8 : memref<128x8xf32, #tpu.memory_space<vmem>>)
      tpu.yield
    }) : () -> ()
    "tpu.region"() ({
      %run_scoped3A = tpu.sem_alloc : memref<!tpu.dma_semaphore, #tpu.memory_space<semaphore_mem>>
      tpu.enqueue_dma source(%arg4 : memref<632x8xf32, #tpu.memory_space<hbm>>) target(%arg7 : memref<632x8xf32, #tpu.memory_space<vmem>>) target_semaphore(%run_scoped3A : memref<!tpu.dma_semaphore, #tpu.memory_space<semaphore_mem>>)
      tpu.wait_dma2 semaphore(%run_scoped3A : memref<!tpu.dma_semaphore, #tpu.memory_space<semaphore_mem>>) src(%arg4 : memref<632x8xf32, #tpu.memory_space<hbm>>) dst(%arg7 : memref<632x8xf32, #tpu.memory_space<vmem>>)
      tpu.yield
    }) : () -> ()
    %mul3A_12 = arith.constant 632 : i32
    %mul3A_13 = arith.muli %arg1, %mul3A_12 : i32
    "tpu.region"() ({
      %run_scoped3A = tpu.sem_alloc : memref<!tpu.dma_semaphore, #tpu.memory_space<semaphore_mem>>
      %dma_start3A = arith.constant 0 : i32
      %dma_start3A_55 = tpu.memref_slice %arg9[%mul3A_13, %dma_start3A] : memref<10112x8xf32, #tpu.memory_space<vmem_shared>> -> memref<632x8xf32, #tpu.memory_space<vmem_shared>>
      %dma_start3A_56 = arith.constant 0 : i32
      %dma_start3A_57 = tpu.memref_slice %arg9[%mul3A_13, %dma_start3A_56] : memref<10112x8xf32, #tpu.memory_space<vmem_shared>> -> memref<632x8xf32, #tpu.memory_space<vmem_shared>>
      tpu.enqueue_dma source(%arg7 : memref<632x8xf32, #tpu.memory_space<vmem>>) target(%dma_start3A_57 : memref<632x8xf32, #tpu.memory_space<vmem_shared>>) target_semaphore(%run_scoped3A : memref<!tpu.dma_semaphore, #tpu.memory_space<semaphore_mem>>)
      %dma_wait3A = arith.constant 0 : i32
      %dma_wait3A_58 = tpu.memref_slice %arg9[%mul3A_13, %dma_wait3A] : memref<10112x8xf32, #tpu.memory_space<vmem_shared>> -> memref<632x8xf32, #tpu.memory_space<vmem_shared>>
      %dma_wait3A_59 = arith.constant 0 : i32
      %dma_wait3A_60 = tpu.memref_slice %arg9[%mul3A_13, %dma_wait3A_59] : memref<10112x8xf32, #tpu.memory_space<vmem_shared>> -> memref<632x8xf32, #tpu.memory_space<vmem_shared>>
      tpu.wait_dma2 semaphore(%run_scoped3A : memref<!tpu.dma_semaphore, #tpu.memory_space<semaphore_mem>>) src(%arg7 : memref<632x8xf32, #tpu.memory_space<vmem>>) dst(%dma_wait3A_60 : memref<632x8xf32, #tpu.memory_space<vmem_shared>>)
      tpu.yield
    }) : () -> ()
    %barrier3A = arith.constant 0 : index
    tpu.barrier barrier_id(%barrier3A)
    %sub3A_14 = arith.constant 0 : i32
    %sub3A_15 = arith.subi %max3A_8, %sub3A_14 : i32
    %sub3A_16 = arith.constant 1 : i32
    %sub3A_17 = arith.constant 1 : i32
    %sub3A_18 = arith.subi %sub3A_16, %sub3A_17 : i32
    %add3A_19 = arith.addi %sub3A_15, %sub3A_18 : i32
    %div3A = arith.constant 1 : i32
    %div3A_20 = arith.divsi %add3A_19, %div3A : i32
    %while3A = arith.constant 1 : i32
    %while3A_21 = arith.constant 0 : i32
    %while3A_22 = arith.constant 0 : i32
    %while3A_23 = arith.subi %div3A_20, %while3A_22 : i32
    %while3A_24 = arith.addi %while3A_22, %while3A_23 : i32
    %while3A_25 = arith.constant 1 : i32
    %while3A_26 = arith.divsi %while3A_23, %while3A_25 : i32
    %while3A_27 = arith.muli %while3A_26, %while3A_25 : i32
    %while3A_28 = arith.addi %while3A_22, %while3A_27 : i32
    %while3A_29 = arith.constant 1 : i32
    scf.for %while3A_55 = %while3A_22 to %while3A_28 step %while3A_29  : i32 {
      %mul3A_56 = arith.muli %while3A_55, %while3A : i32
      %add3A_57 = arith.addi %while3A_21, %mul3A_56 : i32
      %add3A_58 = arith.addi %add3A_57, %sub3A_11 : i32
      %dma_start3A = arith.constant 0 : i32
      %dma_start3A_59 = tpu.memref_slice %arg6[%add3A_58, %dma_start3A] : memref<105x128xi32, #tpu.memory_space<vmem>> -> memref<1x128xi32, #tpu.memory_space<vmem>>
      %dma_start3A_60 = tpu.memref_squeeze %dma_start3A_59 : memref<1x128xi32, #tpu.memory_space<vmem>> -> memref<128xi32, #tpu.memory_space<vmem>>
      %dma_start3A_61 = arith.constant 0 : i32
      %dma_start3A_62 = arith.constant 0 : i32
      %dma_start3A_63 = tpu.memref_slice %arg9[%dma_start3A_61, %dma_start3A_62] : memref<10112x8xf32, #tpu.memory_space<vmem_shared>> -> memref<10112x8xf32, #tpu.memory_space<vmem_shared>>
      tpu.enqueue_indirect_dma source(%arg8 : memref<128x8xf32, #tpu.memory_space<vmem>>) target(%dma_start3A_63 : memref<10112x8xf32, #tpu.memory_space<vmem_shared>>) offsets(%dma_start3A_60 : memref<128xi32, #tpu.memory_space<vmem>>) semaphore(%arg10 : memref<!tpu.dma_semaphore, #tpu.memory_space<semaphore_mem>>) {add = true}
    }
    %while3A_30 = arith.constant 1 : i32
    scf.for %while3A_55 = %while3A_28 to %while3A_24 step %while3A_30  : i32 {
      %mul3A_56 = arith.muli %while3A_55, %while3A : i32
      %add3A_57 = arith.addi %while3A_21, %mul3A_56 : i32
      %add3A_58 = arith.addi %add3A_57, %sub3A_11 : i32
      %dma_start3A = arith.constant 0 : i32
      %dma_start3A_59 = tpu.memref_slice %arg6[%add3A_58, %dma_start3A] : memref<105x128xi32, #tpu.memory_space<vmem>> -> memref<1x128xi32, #tpu.memory_space<vmem>>
      %dma_start3A_60 = tpu.memref_squeeze %dma_start3A_59 : memref<1x128xi32, #tpu.memory_space<vmem>> -> memref<128xi32, #tpu.memory_space<vmem>>
      %dma_start3A_61 = arith.constant 0 : i32
      %dma_start3A_62 = arith.constant 0 : i32
      %dma_start3A_63 = tpu.memref_slice %arg9[%dma_start3A_61, %dma_start3A_62] : memref<10112x8xf32, #tpu.memory_space<vmem_shared>> -> memref<10112x8xf32, #tpu.memory_space<vmem_shared>>
      tpu.enqueue_indirect_dma source(%arg8 : memref<128x8xf32, #tpu.memory_space<vmem>>) target(%dma_start3A_63 : memref<10112x8xf32, #tpu.memory_space<vmem_shared>>) offsets(%dma_start3A_60 : memref<128xi32, #tpu.memory_space<vmem>>) semaphore(%arg10 : memref<!tpu.dma_semaphore, #tpu.memory_space<semaphore_mem>>) {add = true}
    }
    %sub3A_31 = arith.constant 0 : i32
    %sub3A_32 = arith.subi %max3A_8, %sub3A_31 : i32
    %sub3A_33 = arith.constant 1 : i32
    %sub3A_34 = arith.constant 1 : i32
    %sub3A_35 = arith.subi %sub3A_33, %sub3A_34 : i32
    %add3A_36 = arith.addi %sub3A_32, %sub3A_35 : i32
    %div3A_37 = arith.constant 1 : i32
    %div3A_38 = arith.divsi %add3A_36, %div3A_37 : i32
    %while3A_39 = arith.constant 1 : i32
    %while3A_40 = arith.constant 0 : i32
    %while3A_41 = arith.constant 0 : i32
    %while3A_42 = arith.subi %div3A_38, %while3A_41 : i32
    %while3A_43 = arith.addi %while3A_41, %while3A_42 : i32
    %while3A_44 = arith.constant 1 : i32
    %while3A_45 = arith.divsi %while3A_42, %while3A_44 : i32
    %while3A_46 = arith.muli %while3A_45, %while3A_44 : i32
    %while3A_47 = arith.addi %while3A_41, %while3A_46 : i32
    %while3A_48 = arith.constant 1 : i32
    scf.for %while3A_55 = %while3A_41 to %while3A_47 step %while3A_48  : i32 {
      %mul3A_56 = arith.muli %while3A_55, %while3A_39 : i32
      %add3A_57 = arith.addi %while3A_40, %mul3A_56 : i32
      %add3A_58 = arith.addi %add3A_57, %sub3A_11 : i32
      %dma_wait3A = arith.constant 0 : i32
      %dma_wait3A_59 = tpu.memref_slice %arg6[%add3A_58, %dma_wait3A] : memref<105x128xi32, #tpu.memory_space<vmem>> -> memref<1x128xi32, #tpu.memory_space<vmem>>
      %dma_wait3A_60 = tpu.memref_squeeze %dma_wait3A_59 : memref<1x128xi32, #tpu.memory_space<vmem>> -> memref<128xi32, #tpu.memory_space<vmem>>
      %dma_wait3A_61 = arith.constant 0 : i32
      %dma_wait3A_62 = arith.constant 0 : i32
      %dma_wait3A_63 = tpu.memref_slice %arg9[%dma_wait3A_61, %dma_wait3A_62] : memref<10112x8xf32, #tpu.memory_space<vmem_shared>> -> memref<10112x8xf32, #tpu.memory_space<vmem_shared>>
      tpu.wait_indirect_dma semaphore(%arg10 : memref<!tpu.dma_semaphore, #tpu.memory_space<semaphore_mem>>) src(%arg8 : memref<128x8xf32, #tpu.memory_space<vmem>>) dst(%dma_wait3A_63 : memref<10112x8xf32, #tpu.memory_space<vmem_shared>>)
    }
    %while3A_49 = arith.constant 1 : i32
    scf.for %while3A_55 = %while3A_47 to %while3A_43 step %while3A_49  : i32 {
      %mul3A_56 = arith.muli %while3A_55, %while3A_39 : i32
      %add3A_57 = arith.addi %while3A_40, %mul3A_56 : i32
      %add3A_58 = arith.addi %add3A_57, %sub3A_11 : i32
      %dma_wait3A = arith.constant 0 : i32
      %dma_wait3A_59 = tpu.memref_slice %arg6[%add3A_58, %dma_wait3A] : memref<105x128xi32, #tpu.memory_space<vmem>> -> memref<1x128xi32, #tpu.memory_space<vmem>>
      %dma_wait3A_60 = tpu.memref_squeeze %dma_wait3A_59 : memref<1x128xi32, #tpu.memory_space<vmem>> -> memref<128xi32, #tpu.memory_space<vmem>>
      %dma_wait3A_61 = arith.constant 0 : i32
      %dma_wait3A_62 = arith.constant 0 : i32
      %dma_wait3A_63 = tpu.memref_slice %arg9[%dma_wait3A_61, %dma_wait3A_62] : memref<10112x8xf32, #tpu.memory_space<vmem_shared>> -> memref<10112x8xf32, #tpu.memory_space<vmem_shared>>
      tpu.wait_indirect_dma semaphore(%arg10 : memref<!tpu.dma_semaphore, #tpu.memory_space<semaphore_mem>>) src(%arg8 : memref<128x8xf32, #tpu.memory_space<vmem>>) dst(%dma_wait3A_63 : memref<10112x8xf32, #tpu.memory_space<vmem_shared>>)
    }
    %barrier3A_50 = arith.constant 0 : index
    tpu.barrier barrier_id(%barrier3A_50)
    %mul3A_51 = arith.constant 632 : i32
    %mul3A_52 = arith.muli %arg1, %mul3A_51 : i32
    "tpu.region"() ({
      %run_scoped3A = tpu.sem_alloc : memref<!tpu.dma_semaphore, #tpu.memory_space<semaphore_mem>>
      %dma_start3A = arith.constant 0 : i32
      %dma_start3A_55 = tpu.memref_slice %arg9[%mul3A_52, %dma_start3A] : memref<10112x8xf32, #tpu.memory_space<vmem_shared>> -> memref<632x8xf32, #tpu.memory_space<vmem_shared>>
      %dma_start3A_56 = arith.constant 0 : i32
      %dma_start3A_57 = tpu.memref_slice %arg9[%mul3A_52, %dma_start3A_56] : memref<10112x8xf32, #tpu.memory_space<vmem_shared>> -> memref<632x8xf32, #tpu.memory_space<vmem_shared>>
      tpu.enqueue_dma source(%dma_start3A_57 : memref<632x8xf32, #tpu.memory_space<vmem_shared>>) target(%arg7 : memref<632x8xf32, #tpu.memory_space<vmem>>) target_semaphore(%run_scoped3A : memref<!tpu.dma_semaphore, #tpu.memory_space<semaphore_mem>>)
      %dma_wait3A = arith.constant 0 : i32
      %dma_wait3A_58 = tpu.memref_slice %arg9[%mul3A_52, %dma_wait3A] : memref<10112x8xf32, #tpu.memory_space<vmem_shared>> -> memref<632x8xf32, #tpu.memory_space<vmem_shared>>
      %dma_wait3A_59 = arith.constant 0 : i32
      %dma_wait3A_60 = tpu.memref_slice %arg9[%mul3A_52, %dma_wait3A_59] : memref<10112x8xf32, #tpu.memory_space<vmem_shared>> -> memref<632x8xf32, #tpu.memory_space<vmem_shared>>
      tpu.wait_dma2 semaphore(%run_scoped3A : memref<!tpu.dma_semaphore, #tpu.memory_space<semaphore_mem>>) src(%dma_wait3A_60 : memref<632x8xf32, #tpu.memory_space<vmem_shared>>) dst(%arg7 : memref<632x8xf32, #tpu.memory_space<vmem>>)
      tpu.yield
    }) : () -> ()
    %mul3A_53 = arith.constant 632 : i32
    %mul3A_54 = arith.muli %arg1, %mul3A_53 : i32
    "tpu.region"() ({
      %run_scoped3A = tpu.sem_alloc : memref<!tpu.dma_semaphore, #tpu.memory_space<semaphore_mem>>
      %dma_start3A = arith.constant 0 : i32
      %dma_start3A_55 = tpu.memref_slice %arg5[%arg0, %mul3A_54, %dma_start3A] : memref<2x10112x8xf32, #tpu.memory_space<hbm>> -> memref<1x632x8xf32, #tpu.memory_space<hbm>>
      %dma_start3A_56 = tpu.memref_squeeze %dma_start3A_55 : memref<1x632x8xf32, #tpu.memory_space<hbm>> -> memref<632x8xf32, #tpu.memory_space<hbm>>
      %dma_start3A_57 = arith.constant 0 : i32
      %dma_start3A_58 = tpu.memref_slice %arg5[%arg0, %mul3A_54, %dma_start3A_57] : memref<2x10112x8xf32, #tpu.memory_space<hbm>> -> memref<1x632x8xf32, #tpu.memory_space<hbm>>
      %dma_start3A_59 = tpu.memref_squeeze %dma_start3A_58 : memref<1x632x8xf32, #tpu.memory_space<hbm>> -> memref<632x8xf32, #tpu.memory_space<hbm>>
      tpu.enqueue_dma source(%arg7 : memref<632x8xf32, #tpu.memory_space<vmem>>) target(%dma_start3A_59 : memref<632x8xf32, #tpu.memory_space<hbm>>) target_semaphore(%run_scoped3A : memref<!tpu.dma_semaphore, #tpu.memory_space<semaphore_mem>>)
      %dma_wait3A = arith.constant 0 : i32
      %dma_wait3A_60 = tpu.memref_slice %arg5[%arg0, %mul3A_54, %dma_wait3A] : memref<2x10112x8xf32, #tpu.memory_space<hbm>> -> memref<1x632x8xf32, #tpu.memory_space<hbm>>
      %dma_wait3A_61 = tpu.memref_squeeze %dma_wait3A_60 : memref<1x632x8xf32, #tpu.memory_space<hbm>> -> memref<632x8xf32, #tpu.memory_space<hbm>>
      %dma_wait3A_62 = arith.constant 0 : i32
      %dma_wait3A_63 = tpu.memref_slice %arg5[%arg0, %mul3A_54, %dma_wait3A_62] : memref<2x10112x8xf32, #tpu.memory_space<hbm>> -> memref<1x632x8xf32, #tpu.memory_space<hbm>>
      %dma_wait3A_64 = tpu.memref_squeeze %dma_wait3A_63 : memref<1x632x8xf32, #tpu.memory_space<hbm>> -> memref<632x8xf32, #tpu.memory_space<hbm>>
      tpu.wait_dma2 semaphore(%run_scoped3A : memref<!tpu.dma_semaphore, #tpu.memory_space<semaphore_mem>>) src(%arg7 : memref<632x8xf32, #tpu.memory_space<vmem>>) dst(%dma_wait3A_64 : memref<632x8xf32, #tpu.memory_space<hbm>>)
      tpu.yield
    }) : () -> ()
    return
  }
}

#map = affine_map<(d0, d1) -> (0, 0)>
#map1 = affine_map<(d0, d1) -> (0, 0, 0)>
module attributes {stable_mosaic.version = 14 : i64} {
  func.func @_msg_pass_body(%arg0: i32, %arg1: i32, %arg2: memref<10000x24xf32, #tpu.memory_space<hbm>>, %arg3: memref<2500x128xi32, #tpu.memory_space<hbm>>, %arg4: memref<2500x128xi32, #tpu.memory_space<hbm>>, %arg5: memref<632x24xf32, #tpu.memory_space<hbm>>, %arg6: memref<2x10112x24xf32, #tpu.memory_space<hbm>>, %arg7: memref<88x128xi32, #tpu.memory_space<vmem>>, %arg8: memref<88x128xi32, #tpu.memory_space<vmem>>, %arg9: memref<632x24xf32, #tpu.memory_space<vmem>>, %arg10: memref<625x24xf32, #tpu.memory_space<vmem>>, %arg11: memref<12x128x24xf32, #tpu.memory_space<vmem>>, %arg12: memref<10000x24xf32, #tpu.memory_space<vmem_shared>>, %arg13: memref<10112x24xf32, #tpu.memory_space<vmem_shared>>, %arg14: memref<12x!tpu.dma_semaphore, #tpu.memory_space<semaphore_mem>>, %arg15: memref<12x!tpu.dma_semaphore, #tpu.memory_space<semaphore_mem>>) attributes {dimension_semantics = [#tpu.dimension_semantics<core_parallel>, #tpu.dimension_semantics<subcore_parallel>], iteration_bounds = array<i64: 2, 16>, scalar_prefetch = 0 : i64, scratch_operands = 9 : i64, tpu.core_type = #tpu.core_type<sc_vector_subcore>, window_params = [{transform_indices = #map}, {transform_indices = #map}, {transform_indices = #map}, {transform_indices = #map}, {transform_indices = #map1}]} {
    %eq3A = arith.constant 0 : i32
    %eq3A_0 = arith.cmpi eq, %arg0, %eq3A : i32
    %jit3A = arith.constant 88 : i32
    %jit3A_1 = arith.constant 72 : i32
    %select_n3A = arith.select %eq3A_0, %jit3A, %jit3A_1 : i32
    %mul3A = arith.constant 88 : i32
    %mul3A_2 = arith.muli %arg1, %mul3A : i32
    %mul3A_3 = arith.constant 72 : i32
    %mul3A_4 = arith.muli %arg1, %mul3A_3 : i32
    %add3A = arith.constant 1408 : i32
    %add3A_5 = arith.addi %add3A, %mul3A_4 : i32
    %select_n3A_6 = arith.select %eq3A_0, %mul3A_2, %add3A_5 : i32
    %sub3A = arith.constant 2500 : i32
    %sub3A_7 = arith.subi %sub3A, %select_n3A_6 : i32
    %min3A = arith.minsi %select_n3A, %sub3A_7 : i32
    %max3A = arith.constant 0 : i32
    %max3A_8 = arith.maxsi %min3A, %max3A : i32
    %min3A_9 = arith.constant 2412 : i32
    %min3A_10 = arith.minsi %select_n3A_6, %min3A_9 : i32
    %sub3A_11 = arith.subi %select_n3A_6, %min3A_10 : i32
    "tpu.region"() ({
      %run_scoped3A = tpu.sem_alloc : memref<!tpu.dma_semaphore, #tpu.memory_space<semaphore_mem>>
      %dma_start3A = arith.constant 0 : i32
      %dma_start3A_86 = tpu.memref_slice %arg3[%min3A_10, %dma_start3A] : memref<2500x128xi32, #tpu.memory_space<hbm>> -> memref<88x128xi32, #tpu.memory_space<hbm>>
      %dma_start3A_87 = arith.constant 0 : i32
      %dma_start3A_88 = tpu.memref_slice %arg3[%min3A_10, %dma_start3A_87] : memref<2500x128xi32, #tpu.memory_space<hbm>> -> memref<88x128xi32, #tpu.memory_space<hbm>>
      tpu.enqueue_dma source(%dma_start3A_88 : memref<88x128xi32, #tpu.memory_space<hbm>>) target(%arg7 : memref<88x128xi32, #tpu.memory_space<vmem>>) target_semaphore(%run_scoped3A : memref<!tpu.dma_semaphore, #tpu.memory_space<semaphore_mem>>)
      %dma_wait3A = arith.constant 0 : i32
      %dma_wait3A_89 = tpu.memref_slice %arg3[%min3A_10, %dma_wait3A] : memref<2500x128xi32, #tpu.memory_space<hbm>> -> memref<88x128xi32, #tpu.memory_space<hbm>>
      %dma_wait3A_90 = arith.constant 0 : i32
      %dma_wait3A_91 = tpu.memref_slice %arg3[%min3A_10, %dma_wait3A_90] : memref<2500x128xi32, #tpu.memory_space<hbm>> -> memref<88x128xi32, #tpu.memory_space<hbm>>
      tpu.wait_dma2 semaphore(%run_scoped3A : memref<!tpu.dma_semaphore, #tpu.memory_space<semaphore_mem>>) src(%dma_wait3A_91 : memref<88x128xi32, #tpu.memory_space<hbm>>) dst(%arg7 : memref<88x128xi32, #tpu.memory_space<vmem>>)
      tpu.yield
    }) : () -> ()
    "tpu.region"() ({
      %run_scoped3A = tpu.sem_alloc : memref<!tpu.dma_semaphore, #tpu.memory_space<semaphore_mem>>
      %dma_start3A = arith.constant 0 : i32
      %dma_start3A_86 = tpu.memref_slice %arg4[%min3A_10, %dma_start3A] : memref<2500x128xi32, #tpu.memory_space<hbm>> -> memref<88x128xi32, #tpu.memory_space<hbm>>
      %dma_start3A_87 = arith.constant 0 : i32
      %dma_start3A_88 = tpu.memref_slice %arg4[%min3A_10, %dma_start3A_87] : memref<2500x128xi32, #tpu.memory_space<hbm>> -> memref<88x128xi32, #tpu.memory_space<hbm>>
      tpu.enqueue_dma source(%dma_start3A_88 : memref<88x128xi32, #tpu.memory_space<hbm>>) target(%arg8 : memref<88x128xi32, #tpu.memory_space<vmem>>) target_semaphore(%run_scoped3A : memref<!tpu.dma_semaphore, #tpu.memory_space<semaphore_mem>>)
      %dma_wait3A = arith.constant 0 : i32
      %dma_wait3A_89 = tpu.memref_slice %arg4[%min3A_10, %dma_wait3A] : memref<2500x128xi32, #tpu.memory_space<hbm>> -> memref<88x128xi32, #tpu.memory_space<hbm>>
      %dma_wait3A_90 = arith.constant 0 : i32
      %dma_wait3A_91 = tpu.memref_slice %arg4[%min3A_10, %dma_wait3A_90] : memref<2500x128xi32, #tpu.memory_space<hbm>> -> memref<88x128xi32, #tpu.memory_space<hbm>>
      tpu.wait_dma2 semaphore(%run_scoped3A : memref<!tpu.dma_semaphore, #tpu.memory_space<semaphore_mem>>) src(%dma_wait3A_91 : memref<88x128xi32, #tpu.memory_space<hbm>>) dst(%arg8 : memref<88x128xi32, #tpu.memory_space<vmem>>)
      tpu.yield
    }) : () -> ()
    %mul3A_12 = arith.constant 625 : i32
    %mul3A_13 = arith.muli %arg1, %mul3A_12 : i32
    "tpu.region"() ({
      %run_scoped3A = tpu.sem_alloc : memref<!tpu.dma_semaphore, #tpu.memory_space<semaphore_mem>>
      %dma_start3A = arith.constant 0 : i32
      %dma_start3A_86 = tpu.memref_slice %arg2[%mul3A_13, %dma_start3A] : memref<10000x24xf32, #tpu.memory_space<hbm>> -> memref<625x24xf32, #tpu.memory_space<hbm>>
      %dma_start3A_87 = arith.constant 0 : i32
      %dma_start3A_88 = tpu.memref_slice %arg2[%mul3A_13, %dma_start3A_87] : memref<10000x24xf32, #tpu.memory_space<hbm>> -> memref<625x24xf32, #tpu.memory_space<hbm>>
      tpu.enqueue_dma source(%dma_start3A_88 : memref<625x24xf32, #tpu.memory_space<hbm>>) target(%arg10 : memref<625x24xf32, #tpu.memory_space<vmem>>) target_semaphore(%run_scoped3A : memref<!tpu.dma_semaphore, #tpu.memory_space<semaphore_mem>>)
      %dma_wait3A = arith.constant 0 : i32
      %dma_wait3A_89 = tpu.memref_slice %arg2[%mul3A_13, %dma_wait3A] : memref<10000x24xf32, #tpu.memory_space<hbm>> -> memref<625x24xf32, #tpu.memory_space<hbm>>
      %dma_wait3A_90 = arith.constant 0 : i32
      %dma_wait3A_91 = tpu.memref_slice %arg2[%mul3A_13, %dma_wait3A_90] : memref<10000x24xf32, #tpu.memory_space<hbm>> -> memref<625x24xf32, #tpu.memory_space<hbm>>
      tpu.wait_dma2 semaphore(%run_scoped3A : memref<!tpu.dma_semaphore, #tpu.memory_space<semaphore_mem>>) src(%dma_wait3A_91 : memref<625x24xf32, #tpu.memory_space<hbm>>) dst(%arg10 : memref<625x24xf32, #tpu.memory_space<vmem>>)
      tpu.yield
    }) : () -> ()
    "tpu.region"() ({
      %run_scoped3A = tpu.sem_alloc : memref<!tpu.dma_semaphore, #tpu.memory_space<semaphore_mem>>
      %dma_start3A = arith.constant 0 : i32
      %dma_start3A_86 = tpu.memref_slice %arg12[%mul3A_13, %dma_start3A] : memref<10000x24xf32, #tpu.memory_space<vmem_shared>> -> memref<625x24xf32, #tpu.memory_space<vmem_shared>>
      %dma_start3A_87 = arith.constant 0 : i32
      %dma_start3A_88 = tpu.memref_slice %arg12[%mul3A_13, %dma_start3A_87] : memref<10000x24xf32, #tpu.memory_space<vmem_shared>> -> memref<625x24xf32, #tpu.memory_space<vmem_shared>>
      tpu.enqueue_dma source(%arg10 : memref<625x24xf32, #tpu.memory_space<vmem>>) target(%dma_start3A_88 : memref<625x24xf32, #tpu.memory_space<vmem_shared>>) target_semaphore(%run_scoped3A : memref<!tpu.dma_semaphore, #tpu.memory_space<semaphore_mem>>)
      %dma_wait3A = arith.constant 0 : i32
      %dma_wait3A_89 = tpu.memref_slice %arg12[%mul3A_13, %dma_wait3A] : memref<10000x24xf32, #tpu.memory_space<vmem_shared>> -> memref<625x24xf32, #tpu.memory_space<vmem_shared>>
      %dma_wait3A_90 = arith.constant 0 : i32
      %dma_wait3A_91 = tpu.memref_slice %arg12[%mul3A_13, %dma_wait3A_90] : memref<10000x24xf32, #tpu.memory_space<vmem_shared>> -> memref<625x24xf32, #tpu.memory_space<vmem_shared>>
      tpu.wait_dma2 semaphore(%run_scoped3A : memref<!tpu.dma_semaphore, #tpu.memory_space<semaphore_mem>>) src(%arg10 : memref<625x24xf32, #tpu.memory_space<vmem>>) dst(%dma_wait3A_91 : memref<625x24xf32, #tpu.memory_space<vmem_shared>>)
      tpu.yield
    }) : () -> ()
    "tpu.region"() ({
      %run_scoped3A = tpu.sem_alloc : memref<!tpu.dma_semaphore, #tpu.memory_space<semaphore_mem>>
      tpu.enqueue_dma source(%arg5 : memref<632x24xf32, #tpu.memory_space<hbm>>) target(%arg9 : memref<632x24xf32, #tpu.memory_space<vmem>>) target_semaphore(%run_scoped3A : memref<!tpu.dma_semaphore, #tpu.memory_space<semaphore_mem>>)
      tpu.wait_dma2 semaphore(%run_scoped3A : memref<!tpu.dma_semaphore, #tpu.memory_space<semaphore_mem>>) src(%arg5 : memref<632x24xf32, #tpu.memory_space<hbm>>) dst(%arg9 : memref<632x24xf32, #tpu.memory_space<vmem>>)
      tpu.yield
    }) : () -> ()
    %mul3A_14 = arith.constant 632 : i32
    %mul3A_15 = arith.muli %arg1, %mul3A_14 : i32
    "tpu.region"() ({
      %run_scoped3A = tpu.sem_alloc : memref<!tpu.dma_semaphore, #tpu.memory_space<semaphore_mem>>
      %dma_start3A = arith.constant 0 : i32
      %dma_start3A_86 = tpu.memref_slice %arg13[%mul3A_15, %dma_start3A] : memref<10112x24xf32, #tpu.memory_space<vmem_shared>> -> memref<632x24xf32, #tpu.memory_space<vmem_shared>>
      %dma_start3A_87 = arith.constant 0 : i32
      %dma_start3A_88 = tpu.memref_slice %arg13[%mul3A_15, %dma_start3A_87] : memref<10112x24xf32, #tpu.memory_space<vmem_shared>> -> memref<632x24xf32, #tpu.memory_space<vmem_shared>>
      tpu.enqueue_dma source(%arg9 : memref<632x24xf32, #tpu.memory_space<vmem>>) target(%dma_start3A_88 : memref<632x24xf32, #tpu.memory_space<vmem_shared>>) target_semaphore(%run_scoped3A : memref<!tpu.dma_semaphore, #tpu.memory_space<semaphore_mem>>)
      %dma_wait3A = arith.constant 0 : i32
      %dma_wait3A_89 = tpu.memref_slice %arg13[%mul3A_15, %dma_wait3A] : memref<10112x24xf32, #tpu.memory_space<vmem_shared>> -> memref<632x24xf32, #tpu.memory_space<vmem_shared>>
      %dma_wait3A_90 = arith.constant 0 : i32
      %dma_wait3A_91 = tpu.memref_slice %arg13[%mul3A_15, %dma_wait3A_90] : memref<10112x24xf32, #tpu.memory_space<vmem_shared>> -> memref<632x24xf32, #tpu.memory_space<vmem_shared>>
      tpu.wait_dma2 semaphore(%run_scoped3A : memref<!tpu.dma_semaphore, #tpu.memory_space<semaphore_mem>>) src(%arg9 : memref<632x24xf32, #tpu.memory_space<vmem>>) dst(%dma_wait3A_91 : memref<632x24xf32, #tpu.memory_space<vmem_shared>>)
      tpu.yield
    }) : () -> ()
    %barrier3A = arith.constant 0 : index
    tpu.barrier barrier_id(%barrier3A)
    %gt3A = arith.constant 0 : i32
    %gt3A_16 = arith.cmpi sgt, %max3A_8, %gt3A : i32
    %convert_element_type3A = arith.extui %gt3A_16 : i1 to i32
    %cond3A = arith.constant 0 : i32
    %cond3A_17 = arith.cmpi ne, %convert_element_type3A, %cond3A : i32
    scf.if %cond3A_17 {
      %rem3A = arith.constant 0 : i32
      %rem3A_86 = arith.constant 12 : i32
      %rem3A_87 = arith.remsi %rem3A, %rem3A_86 : i32
      %add3A_88 = arith.constant 0 : i32
      %add3A_89 = arith.addi %add3A_88, %sub3A_11 : i32
      %dma_start3A = arith.constant 0 : i32
      %dma_start3A_90 = arith.constant 0 : i32
      %dma_start3A_91 = tpu.memref_slice %arg11[%rem3A_87, %dma_start3A, %dma_start3A_90] : memref<12x128x24xf32, #tpu.memory_space<vmem>> -> memref<1x128x24xf32, #tpu.memory_space<vmem>>
      %dma_start3A_92 = tpu.memref_squeeze %dma_start3A_91 : memref<1x128x24xf32, #tpu.memory_space<vmem>> -> memref<128x24xf32, #tpu.memory_space<vmem>>
      %dma_start3A_93 = arith.constant 0 : i32
      %dma_start3A_94 = tpu.memref_slice %arg7[%add3A_89, %dma_start3A_93] : memref<88x128xi32, #tpu.memory_space<vmem>> -> memref<1x128xi32, #tpu.memory_space<vmem>>
      %dma_start3A_95 = tpu.memref_squeeze %dma_start3A_94 : memref<1x128xi32, #tpu.memory_space<vmem>> -> memref<128xi32, #tpu.memory_space<vmem>>
      %dma_start3A_96 = arith.constant 0 : i32
      %dma_start3A_97 = arith.constant 0 : i32
      %dma_start3A_98 = tpu.memref_slice %arg12[%dma_start3A_96, %dma_start3A_97] : memref<10000x24xf32, #tpu.memory_space<vmem_shared>> -> memref<10000x24xf32, #tpu.memory_space<vmem_shared>>
      %dma_start3A_99 = tpu.memref_slice %arg14[%rem3A_87] : memref<12x!tpu.dma_semaphore, #tpu.memory_space<semaphore_mem>> -> memref<1x!tpu.dma_semaphore, #tpu.memory_space<semaphore_mem>>
      %dma_start3A_100 = tpu.memref_squeeze %dma_start3A_99 : memref<1x!tpu.dma_semaphore, #tpu.memory_space<semaphore_mem>> -> memref<!tpu.dma_semaphore, #tpu.memory_space<semaphore_mem>>
      tpu.enqueue_indirect_dma source(%dma_start3A_98 : memref<10000x24xf32, #tpu.memory_space<vmem_shared>>) target(%dma_start3A_92 : memref<128x24xf32, #tpu.memory_space<vmem>>) offsets(%dma_start3A_95 : memref<128xi32, #tpu.memory_space<vmem>>) semaphore(%dma_start3A_100 : memref<!tpu.dma_semaphore, #tpu.memory_space<semaphore_mem>>)
    } else {
    }
    %gt3A_18 = arith.constant 1 : i32
    %gt3A_19 = arith.cmpi sgt, %max3A_8, %gt3A_18 : i32
    %convert_element_type3A_20 = arith.extui %gt3A_19 : i1 to i32
    %cond3A_21 = arith.constant 0 : i32
    %cond3A_22 = arith.cmpi ne, %convert_element_type3A_20, %cond3A_21 : i32
    scf.if %cond3A_22 {
      %rem3A = arith.constant 1 : i32
      %rem3A_86 = arith.constant 12 : i32
      %rem3A_87 = arith.remsi %rem3A, %rem3A_86 : i32
      %add3A_88 = arith.constant 1 : i32
      %add3A_89 = arith.addi %add3A_88, %sub3A_11 : i32
      %dma_start3A = arith.constant 0 : i32
      %dma_start3A_90 = arith.constant 0 : i32
      %dma_start3A_91 = tpu.memref_slice %arg11[%rem3A_87, %dma_start3A, %dma_start3A_90] : memref<12x128x24xf32, #tpu.memory_space<vmem>> -> memref<1x128x24xf32, #tpu.memory_space<vmem>>
      %dma_start3A_92 = tpu.memref_squeeze %dma_start3A_91 : memref<1x128x24xf32, #tpu.memory_space<vmem>> -> memref<128x24xf32, #tpu.memory_space<vmem>>
      %dma_start3A_93 = arith.constant 0 : i32
      %dma_start3A_94 = tpu.memref_slice %arg7[%add3A_89, %dma_start3A_93] : memref<88x128xi32, #tpu.memory_space<vmem>> -> memref<1x128xi32, #tpu.memory_space<vmem>>
      %dma_start3A_95 = tpu.memref_squeeze %dma_start3A_94 : memref<1x128xi32, #tpu.memory_space<vmem>> -> memref<128xi32, #tpu.memory_space<vmem>>
      %dma_start3A_96 = arith.constant 0 : i32
      %dma_start3A_97 = arith.constant 0 : i32
      %dma_start3A_98 = tpu.memref_slice %arg12[%dma_start3A_96, %dma_start3A_97] : memref<10000x24xf32, #tpu.memory_space<vmem_shared>> -> memref<10000x24xf32, #tpu.memory_space<vmem_shared>>
      %dma_start3A_99 = tpu.memref_slice %arg14[%rem3A_87] : memref<12x!tpu.dma_semaphore, #tpu.memory_space<semaphore_mem>> -> memref<1x!tpu.dma_semaphore, #tpu.memory_space<semaphore_mem>>
      %dma_start3A_100 = tpu.memref_squeeze %dma_start3A_99 : memref<1x!tpu.dma_semaphore, #tpu.memory_space<semaphore_mem>> -> memref<!tpu.dma_semaphore, #tpu.memory_space<semaphore_mem>>
      tpu.enqueue_indirect_dma source(%dma_start3A_98 : memref<10000x24xf32, #tpu.memory_space<vmem_shared>>) target(%dma_start3A_92 : memref<128x24xf32, #tpu.memory_space<vmem>>) offsets(%dma_start3A_95 : memref<128xi32, #tpu.memory_space<vmem>>) semaphore(%dma_start3A_100 : memref<!tpu.dma_semaphore, #tpu.memory_space<semaphore_mem>>)
    } else {
    }
    %gt3A_23 = arith.constant 2 : i32
    %gt3A_24 = arith.cmpi sgt, %max3A_8, %gt3A_23 : i32
    %convert_element_type3A_25 = arith.extui %gt3A_24 : i1 to i32
    %cond3A_26 = arith.constant 0 : i32
    %cond3A_27 = arith.cmpi ne, %convert_element_type3A_25, %cond3A_26 : i32
    scf.if %cond3A_27 {
      %rem3A = arith.constant 2 : i32
      %rem3A_86 = arith.constant 12 : i32
      %rem3A_87 = arith.remsi %rem3A, %rem3A_86 : i32
      %add3A_88 = arith.constant 2 : i32
      %add3A_89 = arith.addi %add3A_88, %sub3A_11 : i32
      %dma_start3A = arith.constant 0 : i32
      %dma_start3A_90 = arith.constant 0 : i32
      %dma_start3A_91 = tpu.memref_slice %arg11[%rem3A_87, %dma_start3A, %dma_start3A_90] : memref<12x128x24xf32, #tpu.memory_space<vmem>> -> memref<1x128x24xf32, #tpu.memory_space<vmem>>
      %dma_start3A_92 = tpu.memref_squeeze %dma_start3A_91 : memref<1x128x24xf32, #tpu.memory_space<vmem>> -> memref<128x24xf32, #tpu.memory_space<vmem>>
      %dma_start3A_93 = arith.constant 0 : i32
      %dma_start3A_94 = tpu.memref_slice %arg7[%add3A_89, %dma_start3A_93] : memref<88x128xi32, #tpu.memory_space<vmem>> -> memref<1x128xi32, #tpu.memory_space<vmem>>
      %dma_start3A_95 = tpu.memref_squeeze %dma_start3A_94 : memref<1x128xi32, #tpu.memory_space<vmem>> -> memref<128xi32, #tpu.memory_space<vmem>>
      %dma_start3A_96 = arith.constant 0 : i32
      %dma_start3A_97 = arith.constant 0 : i32
      %dma_start3A_98 = tpu.memref_slice %arg12[%dma_start3A_96, %dma_start3A_97] : memref<10000x24xf32, #tpu.memory_space<vmem_shared>> -> memref<10000x24xf32, #tpu.memory_space<vmem_shared>>
      %dma_start3A_99 = tpu.memref_slice %arg14[%rem3A_87] : memref<12x!tpu.dma_semaphore, #tpu.memory_space<semaphore_mem>> -> memref<1x!tpu.dma_semaphore, #tpu.memory_space<semaphore_mem>>
      %dma_start3A_100 = tpu.memref_squeeze %dma_start3A_99 : memref<1x!tpu.dma_semaphore, #tpu.memory_space<semaphore_mem>> -> memref<!tpu.dma_semaphore, #tpu.memory_space<semaphore_mem>>
      tpu.enqueue_indirect_dma source(%dma_start3A_98 : memref<10000x24xf32, #tpu.memory_space<vmem_shared>>) target(%dma_start3A_92 : memref<128x24xf32, #tpu.memory_space<vmem>>) offsets(%dma_start3A_95 : memref<128xi32, #tpu.memory_space<vmem>>) semaphore(%dma_start3A_100 : memref<!tpu.dma_semaphore, #tpu.memory_space<semaphore_mem>>)
    } else {
    }
    %gt3A_28 = arith.constant 3 : i32
    %gt3A_29 = arith.cmpi sgt, %max3A_8, %gt3A_28 : i32
    %convert_element_type3A_30 = arith.extui %gt3A_29 : i1 to i32
    %cond3A_31 = arith.constant 0 : i32
    %cond3A_32 = arith.cmpi ne, %convert_element_type3A_30, %cond3A_31 : i32
    scf.if %cond3A_32 {
      %rem3A = arith.constant 3 : i32
      %rem3A_86 = arith.constant 12 : i32
      %rem3A_87 = arith.remsi %rem3A, %rem3A_86 : i32
      %add3A_88 = arith.constant 3 : i32
      %add3A_89 = arith.addi %add3A_88, %sub3A_11 : i32
      %dma_start3A = arith.constant 0 : i32
      %dma_start3A_90 = arith.constant 0 : i32
      %dma_start3A_91 = tpu.memref_slice %arg11[%rem3A_87, %dma_start3A, %dma_start3A_90] : memref<12x128x24xf32, #tpu.memory_space<vmem>> -> memref<1x128x24xf32, #tpu.memory_space<vmem>>
      %dma_start3A_92 = tpu.memref_squeeze %dma_start3A_91 : memref<1x128x24xf32, #tpu.memory_space<vmem>> -> memref<128x24xf32, #tpu.memory_space<vmem>>
      %dma_start3A_93 = arith.constant 0 : i32
      %dma_start3A_94 = tpu.memref_slice %arg7[%add3A_89, %dma_start3A_93] : memref<88x128xi32, #tpu.memory_space<vmem>> -> memref<1x128xi32, #tpu.memory_space<vmem>>
      %dma_start3A_95 = tpu.memref_squeeze %dma_start3A_94 : memref<1x128xi32, #tpu.memory_space<vmem>> -> memref<128xi32, #tpu.memory_space<vmem>>
      %dma_start3A_96 = arith.constant 0 : i32
      %dma_start3A_97 = arith.constant 0 : i32
      %dma_start3A_98 = tpu.memref_slice %arg12[%dma_start3A_96, %dma_start3A_97] : memref<10000x24xf32, #tpu.memory_space<vmem_shared>> -> memref<10000x24xf32, #tpu.memory_space<vmem_shared>>
      %dma_start3A_99 = tpu.memref_slice %arg14[%rem3A_87] : memref<12x!tpu.dma_semaphore, #tpu.memory_space<semaphore_mem>> -> memref<1x!tpu.dma_semaphore, #tpu.memory_space<semaphore_mem>>
      %dma_start3A_100 = tpu.memref_squeeze %dma_start3A_99 : memref<1x!tpu.dma_semaphore, #tpu.memory_space<semaphore_mem>> -> memref<!tpu.dma_semaphore, #tpu.memory_space<semaphore_mem>>
      tpu.enqueue_indirect_dma source(%dma_start3A_98 : memref<10000x24xf32, #tpu.memory_space<vmem_shared>>) target(%dma_start3A_92 : memref<128x24xf32, #tpu.memory_space<vmem>>) offsets(%dma_start3A_95 : memref<128xi32, #tpu.memory_space<vmem>>) semaphore(%dma_start3A_100 : memref<!tpu.dma_semaphore, #tpu.memory_space<semaphore_mem>>)
    } else {
    }
    %gt3A_33 = arith.constant 4 : i32
    %gt3A_34 = arith.cmpi sgt, %max3A_8, %gt3A_33 : i32
    %convert_element_type3A_35 = arith.extui %gt3A_34 : i1 to i32
    %cond3A_36 = arith.constant 0 : i32
    %cond3A_37 = arith.cmpi ne, %convert_element_type3A_35, %cond3A_36 : i32
    scf.if %cond3A_37 {
      %rem3A = arith.constant 4 : i32
      %rem3A_86 = arith.constant 12 : i32
      %rem3A_87 = arith.remsi %rem3A, %rem3A_86 : i32
      %add3A_88 = arith.constant 4 : i32
      %add3A_89 = arith.addi %add3A_88, %sub3A_11 : i32
      %dma_start3A = arith.constant 0 : i32
      %dma_start3A_90 = arith.constant 0 : i32
      %dma_start3A_91 = tpu.memref_slice %arg11[%rem3A_87, %dma_start3A, %dma_start3A_90] : memref<12x128x24xf32, #tpu.memory_space<vmem>> -> memref<1x128x24xf32, #tpu.memory_space<vmem>>
      %dma_start3A_92 = tpu.memref_squeeze %dma_start3A_91 : memref<1x128x24xf32, #tpu.memory_space<vmem>> -> memref<128x24xf32, #tpu.memory_space<vmem>>
      %dma_start3A_93 = arith.constant 0 : i32
      %dma_start3A_94 = tpu.memref_slice %arg7[%add3A_89, %dma_start3A_93] : memref<88x128xi32, #tpu.memory_space<vmem>> -> memref<1x128xi32, #tpu.memory_space<vmem>>
      %dma_start3A_95 = tpu.memref_squeeze %dma_start3A_94 : memref<1x128xi32, #tpu.memory_space<vmem>> -> memref<128xi32, #tpu.memory_space<vmem>>
      %dma_start3A_96 = arith.constant 0 : i32
      %dma_start3A_97 = arith.constant 0 : i32
      %dma_start3A_98 = tpu.memref_slice %arg12[%dma_start3A_96, %dma_start3A_97] : memref<10000x24xf32, #tpu.memory_space<vmem_shared>> -> memref<10000x24xf32, #tpu.memory_space<vmem_shared>>
      %dma_start3A_99 = tpu.memref_slice %arg14[%rem3A_87] : memref<12x!tpu.dma_semaphore, #tpu.memory_space<semaphore_mem>> -> memref<1x!tpu.dma_semaphore, #tpu.memory_space<semaphore_mem>>
      %dma_start3A_100 = tpu.memref_squeeze %dma_start3A_99 : memref<1x!tpu.dma_semaphore, #tpu.memory_space<semaphore_mem>> -> memref<!tpu.dma_semaphore, #tpu.memory_space<semaphore_mem>>
      tpu.enqueue_indirect_dma source(%dma_start3A_98 : memref<10000x24xf32, #tpu.memory_space<vmem_shared>>) target(%dma_start3A_92 : memref<128x24xf32, #tpu.memory_space<vmem>>) offsets(%dma_start3A_95 : memref<128xi32, #tpu.memory_space<vmem>>) semaphore(%dma_start3A_100 : memref<!tpu.dma_semaphore, #tpu.memory_space<semaphore_mem>>)
    } else {
    }
    %gt3A_38 = arith.constant 5 : i32
    %gt3A_39 = arith.cmpi sgt, %max3A_8, %gt3A_38 : i32
    %convert_element_type3A_40 = arith.extui %gt3A_39 : i1 to i32
    %cond3A_41 = arith.constant 0 : i32
    %cond3A_42 = arith.cmpi ne, %convert_element_type3A_40, %cond3A_41 : i32
    scf.if %cond3A_42 {
      %rem3A = arith.constant 5 : i32
      %rem3A_86 = arith.constant 12 : i32
      %rem3A_87 = arith.remsi %rem3A, %rem3A_86 : i32
      %add3A_88 = arith.constant 5 : i32
      %add3A_89 = arith.addi %add3A_88, %sub3A_11 : i32
      %dma_start3A = arith.constant 0 : i32
      %dma_start3A_90 = arith.constant 0 : i32
      %dma_start3A_91 = tpu.memref_slice %arg11[%rem3A_87, %dma_start3A, %dma_start3A_90] : memref<12x128x24xf32, #tpu.memory_space<vmem>> -> memref<1x128x24xf32, #tpu.memory_space<vmem>>
      %dma_start3A_92 = tpu.memref_squeeze %dma_start3A_91 : memref<1x128x24xf32, #tpu.memory_space<vmem>> -> memref<128x24xf32, #tpu.memory_space<vmem>>
      %dma_start3A_93 = arith.constant 0 : i32
      %dma_start3A_94 = tpu.memref_slice %arg7[%add3A_89, %dma_start3A_93] : memref<88x128xi32, #tpu.memory_space<vmem>> -> memref<1x128xi32, #tpu.memory_space<vmem>>
      %dma_start3A_95 = tpu.memref_squeeze %dma_start3A_94 : memref<1x128xi32, #tpu.memory_space<vmem>> -> memref<128xi32, #tpu.memory_space<vmem>>
      %dma_start3A_96 = arith.constant 0 : i32
      %dma_start3A_97 = arith.constant 0 : i32
      %dma_start3A_98 = tpu.memref_slice %arg12[%dma_start3A_96, %dma_start3A_97] : memref<10000x24xf32, #tpu.memory_space<vmem_shared>> -> memref<10000x24xf32, #tpu.memory_space<vmem_shared>>
      %dma_start3A_99 = tpu.memref_slice %arg14[%rem3A_87] : memref<12x!tpu.dma_semaphore, #tpu.memory_space<semaphore_mem>> -> memref<1x!tpu.dma_semaphore, #tpu.memory_space<semaphore_mem>>
      %dma_start3A_100 = tpu.memref_squeeze %dma_start3A_99 : memref<1x!tpu.dma_semaphore, #tpu.memory_space<semaphore_mem>> -> memref<!tpu.dma_semaphore, #tpu.memory_space<semaphore_mem>>
      tpu.enqueue_indirect_dma source(%dma_start3A_98 : memref<10000x24xf32, #tpu.memory_space<vmem_shared>>) target(%dma_start3A_92 : memref<128x24xf32, #tpu.memory_space<vmem>>) offsets(%dma_start3A_95 : memref<128xi32, #tpu.memory_space<vmem>>) semaphore(%dma_start3A_100 : memref<!tpu.dma_semaphore, #tpu.memory_space<semaphore_mem>>)
    } else {
    }
    %sub3A_43 = arith.constant 0 : i32
    %sub3A_44 = arith.subi %max3A_8, %sub3A_43 : i32
    %sub3A_45 = arith.constant 1 : i32
    %sub3A_46 = arith.constant 1 : i32
    %sub3A_47 = arith.subi %sub3A_45, %sub3A_46 : i32
    %add3A_48 = arith.addi %sub3A_44, %sub3A_47 : i32
    %div3A = arith.constant 1 : i32
    %div3A_49 = arith.divsi %add3A_48, %div3A : i32
    %while3A = arith.constant 1 : i32
    %while3A_50 = arith.constant 0 : i32
    %while3A_51 = arith.constant 0 : i32
    %while3A_52 = arith.subi %div3A_49, %while3A_51 : i32
    %while3A_53 = arith.addi %while3A_51, %while3A_52 : i32
    %while3A_54 = arith.constant 1 : i32
    %while3A_55 = arith.divsi %while3A_52, %while3A_54 : i32
    %while3A_56 = arith.muli %while3A_55, %while3A_54 : i32
    %while3A_57 = arith.addi %while3A_51, %while3A_56 : i32
    %while3A_58 = arith.constant 1 : i32
    scf.for %while3A_86 = %while3A_51 to %while3A_57 step %while3A_58  : i32 {
      %mul3A_87 = arith.muli %while3A_86, %while3A : i32
      %add3A_88 = arith.addi %while3A_50, %mul3A_87 : i32
      %ge3A = arith.constant 6 : i32
      %ge3A_89 = arith.cmpi sge, %add3A_88, %ge3A : i32
      %convert_element_type3A_90 = arith.extui %ge3A_89 : i1 to i32
      %cond3A_91 = arith.constant 0 : i32
      %cond3A_92 = arith.cmpi ne, %convert_element_type3A_90, %cond3A_91 : i32
      scf.if %cond3A_92 {
        %sub3A_125 = arith.constant 6 : i32
        %sub3A_126 = arith.subi %add3A_88, %sub3A_125 : i32
        %rem3A_127 = arith.constant 12 : i32
        %rem3A_128 = arith.remsi %sub3A_126, %rem3A_127 : i32
        %add3A_129 = arith.addi %sub3A_126, %sub3A_11 : i32
        %dma_wait3A_130 = arith.constant 0 : i32
        %dma_wait3A_131 = arith.constant 0 : i32
        %dma_wait3A_132 = tpu.memref_slice %arg11[%rem3A_128, %dma_wait3A_130, %dma_wait3A_131] : memref<12x128x24xf32, #tpu.memory_space<vmem>> -> memref<1x128x24xf32, #tpu.memory_space<vmem>>
        %dma_wait3A_133 = tpu.memref_squeeze %dma_wait3A_132 : memref<1x128x24xf32, #tpu.memory_space<vmem>> -> memref<128x24xf32, #tpu.memory_space<vmem>>
        %dma_wait3A_134 = arith.constant 0 : i32
        %dma_wait3A_135 = tpu.memref_slice %arg8[%add3A_129, %dma_wait3A_134] : memref<88x128xi32, #tpu.memory_space<vmem>> -> memref<1x128xi32, #tpu.memory_space<vmem>>
        %dma_wait3A_136 = tpu.memref_squeeze %dma_wait3A_135 : memref<1x128xi32, #tpu.memory_space<vmem>> -> memref<128xi32, #tpu.memory_space<vmem>>
        %dma_wait3A_137 = arith.constant 0 : i32
        %dma_wait3A_138 = arith.constant 0 : i32
        %dma_wait3A_139 = tpu.memref_slice %arg13[%dma_wait3A_137, %dma_wait3A_138] : memref<10112x24xf32, #tpu.memory_space<vmem_shared>> -> memref<10112x24xf32, #tpu.memory_space<vmem_shared>>
        %dma_wait3A_140 = tpu.memref_slice %arg15[%rem3A_128] : memref<12x!tpu.dma_semaphore, #tpu.memory_space<semaphore_mem>> -> memref<1x!tpu.dma_semaphore, #tpu.memory_space<semaphore_mem>>
        %dma_wait3A_141 = tpu.memref_squeeze %dma_wait3A_140 : memref<1x!tpu.dma_semaphore, #tpu.memory_space<semaphore_mem>> -> memref<!tpu.dma_semaphore, #tpu.memory_space<semaphore_mem>>
        tpu.wait_indirect_dma semaphore(%dma_wait3A_141 : memref<!tpu.dma_semaphore, #tpu.memory_space<semaphore_mem>>) src(%dma_wait3A_133 : memref<128x24xf32, #tpu.memory_space<vmem>>) dst(%dma_wait3A_139 : memref<10112x24xf32, #tpu.memory_space<vmem_shared>>)
      } else {
      }
      %add3A_93 = arith.constant 6 : i32
      %add3A_94 = arith.addi %add3A_88, %add3A_93 : i32
      %lt3A = arith.cmpi slt, %add3A_94, %max3A_8 : i32
      %convert_element_type3A_95 = arith.extui %lt3A : i1 to i32
      %cond3A_96 = arith.constant 0 : i32
      %cond3A_97 = arith.cmpi ne, %convert_element_type3A_95, %cond3A_96 : i32
      scf.if %cond3A_97 {
        %add3A_125 = arith.constant 6 : i32
        %add3A_126 = arith.addi %add3A_88, %add3A_125 : i32
        %rem3A_127 = arith.constant 12 : i32
        %rem3A_128 = arith.remsi %add3A_126, %rem3A_127 : i32
        %add3A_129 = arith.addi %add3A_126, %sub3A_11 : i32
        %dma_start3A_130 = arith.constant 0 : i32
        %dma_start3A_131 = arith.constant 0 : i32
        %dma_start3A_132 = tpu.memref_slice %arg11[%rem3A_128, %dma_start3A_130, %dma_start3A_131] : memref<12x128x24xf32, #tpu.memory_space<vmem>> -> memref<1x128x24xf32, #tpu.memory_space<vmem>>
        %dma_start3A_133 = tpu.memref_squeeze %dma_start3A_132 : memref<1x128x24xf32, #tpu.memory_space<vmem>> -> memref<128x24xf32, #tpu.memory_space<vmem>>
        %dma_start3A_134 = arith.constant 0 : i32
        %dma_start3A_135 = tpu.memref_slice %arg7[%add3A_129, %dma_start3A_134] : memref<88x128xi32, #tpu.memory_space<vmem>> -> memref<1x128xi32, #tpu.memory_space<vmem>>
        %dma_start3A_136 = tpu.memref_squeeze %dma_start3A_135 : memref<1x128xi32, #tpu.memory_space<vmem>> -> memref<128xi32, #tpu.memory_space<vmem>>
        %dma_start3A_137 = arith.constant 0 : i32
        %dma_start3A_138 = arith.constant 0 : i32
        %dma_start3A_139 = tpu.memref_slice %arg12[%dma_start3A_137, %dma_start3A_138] : memref<10000x24xf32, #tpu.memory_space<vmem_shared>> -> memref<10000x24xf32, #tpu.memory_space<vmem_shared>>
        %dma_start3A_140 = tpu.memref_slice %arg14[%rem3A_128] : memref<12x!tpu.dma_semaphore, #tpu.memory_space<semaphore_mem>> -> memref<1x!tpu.dma_semaphore, #tpu.memory_space<semaphore_mem>>
        %dma_start3A_141 = tpu.memref_squeeze %dma_start3A_140 : memref<1x!tpu.dma_semaphore, #tpu.memory_space<semaphore_mem>> -> memref<!tpu.dma_semaphore, #tpu.memory_space<semaphore_mem>>
        tpu.enqueue_indirect_dma source(%dma_start3A_139 : memref<10000x24xf32, #tpu.memory_space<vmem_shared>>) target(%dma_start3A_133 : memref<128x24xf32, #tpu.memory_space<vmem>>) offsets(%dma_start3A_136 : memref<128xi32, #tpu.memory_space<vmem>>) semaphore(%dma_start3A_141 : memref<!tpu.dma_semaphore, #tpu.memory_space<semaphore_mem>>)
      } else {
      }
      %rem3A = arith.constant 12 : i32
      %rem3A_98 = arith.remsi %add3A_88, %rem3A : i32
      %add3A_99 = arith.addi %add3A_88, %sub3A_11 : i32
      %dma_wait3A = arith.constant 0 : i32
      %dma_wait3A_100 = arith.constant 0 : i32
      %dma_wait3A_101 = tpu.memref_slice %arg11[%rem3A_98, %dma_wait3A, %dma_wait3A_100] : memref<12x128x24xf32, #tpu.memory_space<vmem>> -> memref<1x128x24xf32, #tpu.memory_space<vmem>>
      %dma_wait3A_102 = tpu.memref_squeeze %dma_wait3A_101 : memref<1x128x24xf32, #tpu.memory_space<vmem>> -> memref<128x24xf32, #tpu.memory_space<vmem>>
      %dma_wait3A_103 = arith.constant 0 : i32
      %dma_wait3A_104 = tpu.memref_slice %arg7[%add3A_99, %dma_wait3A_103] : memref<88x128xi32, #tpu.memory_space<vmem>> -> memref<1x128xi32, #tpu.memory_space<vmem>>
      %dma_wait3A_105 = tpu.memref_squeeze %dma_wait3A_104 : memref<1x128xi32, #tpu.memory_space<vmem>> -> memref<128xi32, #tpu.memory_space<vmem>>
      %dma_wait3A_106 = arith.constant 0 : i32
      %dma_wait3A_107 = arith.constant 0 : i32
      %dma_wait3A_108 = tpu.memref_slice %arg12[%dma_wait3A_106, %dma_wait3A_107] : memref<10000x24xf32, #tpu.memory_space<vmem_shared>> -> memref<10000x24xf32, #tpu.memory_space<vmem_shared>>
      %dma_wait3A_109 = tpu.memref_slice %arg14[%rem3A_98] : memref<12x!tpu.dma_semaphore, #tpu.memory_space<semaphore_mem>> -> memref<1x!tpu.dma_semaphore, #tpu.memory_space<semaphore_mem>>
      %dma_wait3A_110 = tpu.memref_squeeze %dma_wait3A_109 : memref<1x!tpu.dma_semaphore, #tpu.memory_space<semaphore_mem>> -> memref<!tpu.dma_semaphore, #tpu.memory_space<semaphore_mem>>
      tpu.wait_indirect_dma semaphore(%dma_wait3A_110 : memref<!tpu.dma_semaphore, #tpu.memory_space<semaphore_mem>>) src(%dma_wait3A_108 : memref<10000x24xf32, #tpu.memory_space<vmem_shared>>) dst(%dma_wait3A_102 : memref<128x24xf32, #tpu.memory_space<vmem>>)
      %rem3A_111 = arith.constant 12 : i32
      %rem3A_112 = arith.remsi %add3A_88, %rem3A_111 : i32
      %add3A_113 = arith.addi %add3A_88, %sub3A_11 : i32
      %dma_start3A = arith.constant 0 : i32
      %dma_start3A_114 = arith.constant 0 : i32
      %dma_start3A_115 = tpu.memref_slice %arg11[%rem3A_112, %dma_start3A, %dma_start3A_114] : memref<12x128x24xf32, #tpu.memory_space<vmem>> -> memref<1x128x24xf32, #tpu.memory_space<vmem>>
      %dma_start3A_116 = tpu.memref_squeeze %dma_start3A_115 : memref<1x128x24xf32, #tpu.memory_space<vmem>> -> memref<128x24xf32, #tpu.memory_space<vmem>>
      %dma_start3A_117 = arith.constant 0 : i32
      %dma_start3A_118 = tpu.memref_slice %arg8[%add3A_113, %dma_start3A_117] : memref<88x128xi32, #tpu.memory_space<vmem>> -> memref<1x128xi32, #tpu.memory_space<vmem>>
      %dma_start3A_119 = tpu.memref_squeeze %dma_start3A_118 : memref<1x128xi32, #tpu.memory_space<vmem>> -> memref<128xi32, #tpu.memory_space<vmem>>
      %dma_start3A_120 = arith.constant 0 : i32
      %dma_start3A_121 = arith.constant 0 : i32
      %dma_start3A_122 = tpu.memref_slice %arg13[%dma_start3A_120, %dma_start3A_121] : memref<10112x24xf32, #tpu.memory_space<vmem_shared>> -> memref<10112x24xf32, #tpu.memory_space<vmem_shared>>
      %dma_start3A_123 = tpu.memref_slice %arg15[%rem3A_112] : memref<12x!tpu.dma_semaphore, #tpu.memory_space<semaphore_mem>> -> memref<1x!tpu.dma_semaphore, #tpu.memory_space<semaphore_mem>>
      %dma_start3A_124 = tpu.memref_squeeze %dma_start3A_123 : memref<1x!tpu.dma_semaphore, #tpu.memory_space<semaphore_mem>> -> memref<!tpu.dma_semaphore, #tpu.memory_space<semaphore_mem>>
      tpu.enqueue_indirect_dma source(%dma_start3A_116 : memref<128x24xf32, #tpu.memory_space<vmem>>) target(%dma_start3A_122 : memref<10112x24xf32, #tpu.memory_space<vmem_shared>>) offsets(%dma_start3A_119 : memref<128xi32, #tpu.memory_space<vmem>>) semaphore(%dma_start3A_124 : memref<!tpu.dma_semaphore, #tpu.memory_space<semaphore_mem>>) {add = true}
    }
    %while3A_59 = arith.constant 1 : i32
    scf.for %while3A_86 = %while3A_57 to %while3A_53 step %while3A_59  : i32 {
      %mul3A_87 = arith.muli %while3A_86, %while3A : i32
      %add3A_88 = arith.addi %while3A_50, %mul3A_87 : i32
      %ge3A = arith.constant 6 : i32
      %ge3A_89 = arith.cmpi sge, %add3A_88, %ge3A : i32
      %convert_element_type3A_90 = arith.extui %ge3A_89 : i1 to i32
      %cond3A_91 = arith.constant 0 : i32
      %cond3A_92 = arith.cmpi ne, %convert_element_type3A_90, %cond3A_91 : i32
      scf.if %cond3A_92 {
        %sub3A_125 = arith.constant 6 : i32
        %sub3A_126 = arith.subi %add3A_88, %sub3A_125 : i32
        %rem3A_127 = arith.constant 12 : i32
        %rem3A_128 = arith.remsi %sub3A_126, %rem3A_127 : i32
        %add3A_129 = arith.addi %sub3A_126, %sub3A_11 : i32
        %dma_wait3A_130 = arith.constant 0 : i32
        %dma_wait3A_131 = arith.constant 0 : i32
        %dma_wait3A_132 = tpu.memref_slice %arg11[%rem3A_128, %dma_wait3A_130, %dma_wait3A_131] : memref<12x128x24xf32, #tpu.memory_space<vmem>> -> memref<1x128x24xf32, #tpu.memory_space<vmem>>
        %dma_wait3A_133 = tpu.memref_squeeze %dma_wait3A_132 : memref<1x128x24xf32, #tpu.memory_space<vmem>> -> memref<128x24xf32, #tpu.memory_space<vmem>>
        %dma_wait3A_134 = arith.constant 0 : i32
        %dma_wait3A_135 = tpu.memref_slice %arg8[%add3A_129, %dma_wait3A_134] : memref<88x128xi32, #tpu.memory_space<vmem>> -> memref<1x128xi32, #tpu.memory_space<vmem>>
        %dma_wait3A_136 = tpu.memref_squeeze %dma_wait3A_135 : memref<1x128xi32, #tpu.memory_space<vmem>> -> memref<128xi32, #tpu.memory_space<vmem>>
        %dma_wait3A_137 = arith.constant 0 : i32
        %dma_wait3A_138 = arith.constant 0 : i32
        %dma_wait3A_139 = tpu.memref_slice %arg13[%dma_wait3A_137, %dma_wait3A_138] : memref<10112x24xf32, #tpu.memory_space<vmem_shared>> -> memref<10112x24xf32, #tpu.memory_space<vmem_shared>>
        %dma_wait3A_140 = tpu.memref_slice %arg15[%rem3A_128] : memref<12x!tpu.dma_semaphore, #tpu.memory_space<semaphore_mem>> -> memref<1x!tpu.dma_semaphore, #tpu.memory_space<semaphore_mem>>
        %dma_wait3A_141 = tpu.memref_squeeze %dma_wait3A_140 : memref<1x!tpu.dma_semaphore, #tpu.memory_space<semaphore_mem>> -> memref<!tpu.dma_semaphore, #tpu.memory_space<semaphore_mem>>
        tpu.wait_indirect_dma semaphore(%dma_wait3A_141 : memref<!tpu.dma_semaphore, #tpu.memory_space<semaphore_mem>>) src(%dma_wait3A_133 : memref<128x24xf32, #tpu.memory_space<vmem>>) dst(%dma_wait3A_139 : memref<10112x24xf32, #tpu.memory_space<vmem_shared>>)
      } else {
      }
      %add3A_93 = arith.constant 6 : i32
      %add3A_94 = arith.addi %add3A_88, %add3A_93 : i32
      %lt3A = arith.cmpi slt, %add3A_94, %max3A_8 : i32
      %convert_element_type3A_95 = arith.extui %lt3A : i1 to i32
      %cond3A_96 = arith.constant 0 : i32
      %cond3A_97 = arith.cmpi ne, %convert_element_type3A_95, %cond3A_96 : i32
      scf.if %cond3A_97 {
        %add3A_125 = arith.constant 6 : i32
        %add3A_126 = arith.addi %add3A_88, %add3A_125 : i32
        %rem3A_127 = arith.constant 12 : i32
        %rem3A_128 = arith.remsi %add3A_126, %rem3A_127 : i32
        %add3A_129 = arith.addi %add3A_126, %sub3A_11 : i32
        %dma_start3A_130 = arith.constant 0 : i32
        %dma_start3A_131 = arith.constant 0 : i32
        %dma_start3A_132 = tpu.memref_slice %arg11[%rem3A_128, %dma_start3A_130, %dma_start3A_131] : memref<12x128x24xf32, #tpu.memory_space<vmem>> -> memref<1x128x24xf32, #tpu.memory_space<vmem>>
        %dma_start3A_133 = tpu.memref_squeeze %dma_start3A_132 : memref<1x128x24xf32, #tpu.memory_space<vmem>> -> memref<128x24xf32, #tpu.memory_space<vmem>>
        %dma_start3A_134 = arith.constant 0 : i32
        %dma_start3A_135 = tpu.memref_slice %arg7[%add3A_129, %dma_start3A_134] : memref<88x128xi32, #tpu.memory_space<vmem>> -> memref<1x128xi32, #tpu.memory_space<vmem>>
        %dma_start3A_136 = tpu.memref_squeeze %dma_start3A_135 : memref<1x128xi32, #tpu.memory_space<vmem>> -> memref<128xi32, #tpu.memory_space<vmem>>
        %dma_start3A_137 = arith.constant 0 : i32
        %dma_start3A_138 = arith.constant 0 : i32
        %dma_start3A_139 = tpu.memref_slice %arg12[%dma_start3A_137, %dma_start3A_138] : memref<10000x24xf32, #tpu.memory_space<vmem_shared>> -> memref<10000x24xf32, #tpu.memory_space<vmem_shared>>
        %dma_start3A_140 = tpu.memref_slice %arg14[%rem3A_128] : memref<12x!tpu.dma_semaphore, #tpu.memory_space<semaphore_mem>> -> memref<1x!tpu.dma_semaphore, #tpu.memory_space<semaphore_mem>>
        %dma_start3A_141 = tpu.memref_squeeze %dma_start3A_140 : memref<1x!tpu.dma_semaphore, #tpu.memory_space<semaphore_mem>> -> memref<!tpu.dma_semaphore, #tpu.memory_space<semaphore_mem>>
        tpu.enqueue_indirect_dma source(%dma_start3A_139 : memref<10000x24xf32, #tpu.memory_space<vmem_shared>>) target(%dma_start3A_133 : memref<128x24xf32, #tpu.memory_space<vmem>>) offsets(%dma_start3A_136 : memref<128xi32, #tpu.memory_space<vmem>>) semaphore(%dma_start3A_141 : memref<!tpu.dma_semaphore, #tpu.memory_space<semaphore_mem>>)
      } else {
      }
      %rem3A = arith.constant 12 : i32
      %rem3A_98 = arith.remsi %add3A_88, %rem3A : i32
      %add3A_99 = arith.addi %add3A_88, %sub3A_11 : i32
      %dma_wait3A = arith.constant 0 : i32
      %dma_wait3A_100 = arith.constant 0 : i32
      %dma_wait3A_101 = tpu.memref_slice %arg11[%rem3A_98, %dma_wait3A, %dma_wait3A_100] : memref<12x128x24xf32, #tpu.memory_space<vmem>> -> memref<1x128x24xf32, #tpu.memory_space<vmem>>
      %dma_wait3A_102 = tpu.memref_squeeze %dma_wait3A_101 : memref<1x128x24xf32, #tpu.memory_space<vmem>> -> memref<128x24xf32, #tpu.memory_space<vmem>>
      %dma_wait3A_103 = arith.constant 0 : i32
      %dma_wait3A_104 = tpu.memref_slice %arg7[%add3A_99, %dma_wait3A_103] : memref<88x128xi32, #tpu.memory_space<vmem>> -> memref<1x128xi32, #tpu.memory_space<vmem>>
      %dma_wait3A_105 = tpu.memref_squeeze %dma_wait3A_104 : memref<1x128xi32, #tpu.memory_space<vmem>> -> memref<128xi32, #tpu.memory_space<vmem>>
      %dma_wait3A_106 = arith.constant 0 : i32
      %dma_wait3A_107 = arith.constant 0 : i32
      %dma_wait3A_108 = tpu.memref_slice %arg12[%dma_wait3A_106, %dma_wait3A_107] : memref<10000x24xf32, #tpu.memory_space<vmem_shared>> -> memref<10000x24xf32, #tpu.memory_space<vmem_shared>>
      %dma_wait3A_109 = tpu.memref_slice %arg14[%rem3A_98] : memref<12x!tpu.dma_semaphore, #tpu.memory_space<semaphore_mem>> -> memref<1x!tpu.dma_semaphore, #tpu.memory_space<semaphore_mem>>
      %dma_wait3A_110 = tpu.memref_squeeze %dma_wait3A_109 : memref<1x!tpu.dma_semaphore, #tpu.memory_space<semaphore_mem>> -> memref<!tpu.dma_semaphore, #tpu.memory_space<semaphore_mem>>
      tpu.wait_indirect_dma semaphore(%dma_wait3A_110 : memref<!tpu.dma_semaphore, #tpu.memory_space<semaphore_mem>>) src(%dma_wait3A_108 : memref<10000x24xf32, #tpu.memory_space<vmem_shared>>) dst(%dma_wait3A_102 : memref<128x24xf32, #tpu.memory_space<vmem>>)
      %rem3A_111 = arith.constant 12 : i32
      %rem3A_112 = arith.remsi %add3A_88, %rem3A_111 : i32
      %add3A_113 = arith.addi %add3A_88, %sub3A_11 : i32
      %dma_start3A = arith.constant 0 : i32
      %dma_start3A_114 = arith.constant 0 : i32
      %dma_start3A_115 = tpu.memref_slice %arg11[%rem3A_112, %dma_start3A, %dma_start3A_114] : memref<12x128x24xf32, #tpu.memory_space<vmem>> -> memref<1x128x24xf32, #tpu.memory_space<vmem>>
      %dma_start3A_116 = tpu.memref_squeeze %dma_start3A_115 : memref<1x128x24xf32, #tpu.memory_space<vmem>> -> memref<128x24xf32, #tpu.memory_space<vmem>>
      %dma_start3A_117 = arith.constant 0 : i32
      %dma_start3A_118 = tpu.memref_slice %arg8[%add3A_113, %dma_start3A_117] : memref<88x128xi32, #tpu.memory_space<vmem>> -> memref<1x128xi32, #tpu.memory_space<vmem>>
      %dma_start3A_119 = tpu.memref_squeeze %dma_start3A_118 : memref<1x128xi32, #tpu.memory_space<vmem>> -> memref<128xi32, #tpu.memory_space<vmem>>
      %dma_start3A_120 = arith.constant 0 : i32
      %dma_start3A_121 = arith.constant 0 : i32
      %dma_start3A_122 = tpu.memref_slice %arg13[%dma_start3A_120, %dma_start3A_121] : memref<10112x24xf32, #tpu.memory_space<vmem_shared>> -> memref<10112x24xf32, #tpu.memory_space<vmem_shared>>
      %dma_start3A_123 = tpu.memref_slice %arg15[%rem3A_112] : memref<12x!tpu.dma_semaphore, #tpu.memory_space<semaphore_mem>> -> memref<1x!tpu.dma_semaphore, #tpu.memory_space<semaphore_mem>>
      %dma_start3A_124 = tpu.memref_squeeze %dma_start3A_123 : memref<1x!tpu.dma_semaphore, #tpu.memory_space<semaphore_mem>> -> memref<!tpu.dma_semaphore, #tpu.memory_space<semaphore_mem>>
      tpu.enqueue_indirect_dma source(%dma_start3A_116 : memref<128x24xf32, #tpu.memory_space<vmem>>) target(%dma_start3A_122 : memref<10112x24xf32, #tpu.memory_space<vmem_shared>>) offsets(%dma_start3A_119 : memref<128xi32, #tpu.memory_space<vmem>>) semaphore(%dma_start3A_124 : memref<!tpu.dma_semaphore, #tpu.memory_space<semaphore_mem>>) {add = true}
    }
    %sub3A_60 = arith.constant 6 : i32
    %sub3A_61 = arith.subi %max3A_8, %sub3A_60 : i32
    %max3A_62 = arith.constant 0 : i32
    %max3A_63 = arith.maxsi %sub3A_61, %max3A_62 : i32
    %sub3A_64 = arith.subi %max3A_8, %max3A_63 : i32
    %sub3A_65 = arith.constant 1 : i32
    %sub3A_66 = arith.constant 1 : i32
    %sub3A_67 = arith.subi %sub3A_65, %sub3A_66 : i32
    %add3A_68 = arith.addi %sub3A_64, %sub3A_67 : i32
    %div3A_69 = arith.constant 1 : i32
    %div3A_70 = arith.divsi %add3A_68, %div3A_69 : i32
    %while3A_71 = arith.constant 1 : i32
    %while3A_72 = arith.constant 0 : i32
    %while3A_73 = arith.subi %div3A_70, %while3A_72 : i32
    %while3A_74 = arith.addi %while3A_72, %while3A_73 : i32
    %while3A_75 = arith.constant 1 : i32
    %while3A_76 = arith.divsi %while3A_73, %while3A_75 : i32
    %while3A_77 = arith.muli %while3A_76, %while3A_75 : i32
    %while3A_78 = arith.addi %while3A_72, %while3A_77 : i32
    %while3A_79 = arith.constant 1 : i32
    scf.for %while3A_86 = %while3A_72 to %while3A_78 step %while3A_79  : i32 {
      %mul3A_87 = arith.muli %while3A_86, %while3A_71 : i32
      %add3A_88 = arith.addi %max3A_63, %mul3A_87 : i32
      %rem3A = arith.constant 12 : i32
      %rem3A_89 = arith.remsi %add3A_88, %rem3A : i32
      %add3A_90 = arith.addi %add3A_88, %sub3A_11 : i32
      %dma_wait3A = arith.constant 0 : i32
      %dma_wait3A_91 = arith.constant 0 : i32
      %dma_wait3A_92 = tpu.memref_slice %arg11[%rem3A_89, %dma_wait3A, %dma_wait3A_91] : memref<12x128x24xf32, #tpu.memory_space<vmem>> -> memref<1x128x24xf32, #tpu.memory_space<vmem>>
      %dma_wait3A_93 = tpu.memref_squeeze %dma_wait3A_92 : memref<1x128x24xf32, #tpu.memory_space<vmem>> -> memref<128x24xf32, #tpu.memory_space<vmem>>
      %dma_wait3A_94 = arith.constant 0 : i32
      %dma_wait3A_95 = tpu.memref_slice %arg8[%add3A_90, %dma_wait3A_94] : memref<88x128xi32, #tpu.memory_space<vmem>> -> memref<1x128xi32, #tpu.memory_space<vmem>>
      %dma_wait3A_96 = tpu.memref_squeeze %dma_wait3A_95 : memref<1x128xi32, #tpu.memory_space<vmem>> -> memref<128xi32, #tpu.memory_space<vmem>>
      %dma_wait3A_97 = arith.constant 0 : i32
      %dma_wait3A_98 = arith.constant 0 : i32
      %dma_wait3A_99 = tpu.memref_slice %arg13[%dma_wait3A_97, %dma_wait3A_98] : memref<10112x24xf32, #tpu.memory_space<vmem_shared>> -> memref<10112x24xf32, #tpu.memory_space<vmem_shared>>
      %dma_wait3A_100 = tpu.memref_slice %arg15[%rem3A_89] : memref<12x!tpu.dma_semaphore, #tpu.memory_space<semaphore_mem>> -> memref<1x!tpu.dma_semaphore, #tpu.memory_space<semaphore_mem>>
      %dma_wait3A_101 = tpu.memref_squeeze %dma_wait3A_100 : memref<1x!tpu.dma_semaphore, #tpu.memory_space<semaphore_mem>> -> memref<!tpu.dma_semaphore, #tpu.memory_space<semaphore_mem>>
      tpu.wait_indirect_dma semaphore(%dma_wait3A_101 : memref<!tpu.dma_semaphore, #tpu.memory_space<semaphore_mem>>) src(%dma_wait3A_93 : memref<128x24xf32, #tpu.memory_space<vmem>>) dst(%dma_wait3A_99 : memref<10112x24xf32, #tpu.memory_space<vmem_shared>>)
    }
    %while3A_80 = arith.constant 1 : i32
    scf.for %while3A_86 = %while3A_78 to %while3A_74 step %while3A_80  : i32 {
      %mul3A_87 = arith.muli %while3A_86, %while3A_71 : i32
      %add3A_88 = arith.addi %max3A_63, %mul3A_87 : i32
      %rem3A = arith.constant 12 : i32
      %rem3A_89 = arith.remsi %add3A_88, %rem3A : i32
      %add3A_90 = arith.addi %add3A_88, %sub3A_11 : i32
      %dma_wait3A = arith.constant 0 : i32
      %dma_wait3A_91 = arith.constant 0 : i32
      %dma_wait3A_92 = tpu.memref_slice %arg11[%rem3A_89, %dma_wait3A, %dma_wait3A_91] : memref<12x128x24xf32, #tpu.memory_space<vmem>> -> memref<1x128x24xf32, #tpu.memory_space<vmem>>
      %dma_wait3A_93 = tpu.memref_squeeze %dma_wait3A_92 : memref<1x128x24xf32, #tpu.memory_space<vmem>> -> memref<128x24xf32, #tpu.memory_space<vmem>>
      %dma_wait3A_94 = arith.constant 0 : i32
      %dma_wait3A_95 = tpu.memref_slice %arg8[%add3A_90, %dma_wait3A_94] : memref<88x128xi32, #tpu.memory_space<vmem>> -> memref<1x128xi32, #tpu.memory_space<vmem>>
      %dma_wait3A_96 = tpu.memref_squeeze %dma_wait3A_95 : memref<1x128xi32, #tpu.memory_space<vmem>> -> memref<128xi32, #tpu.memory_space<vmem>>
      %dma_wait3A_97 = arith.constant 0 : i32
      %dma_wait3A_98 = arith.constant 0 : i32
      %dma_wait3A_99 = tpu.memref_slice %arg13[%dma_wait3A_97, %dma_wait3A_98] : memref<10112x24xf32, #tpu.memory_space<vmem_shared>> -> memref<10112x24xf32, #tpu.memory_space<vmem_shared>>
      %dma_wait3A_100 = tpu.memref_slice %arg15[%rem3A_89] : memref<12x!tpu.dma_semaphore, #tpu.memory_space<semaphore_mem>> -> memref<1x!tpu.dma_semaphore, #tpu.memory_space<semaphore_mem>>
      %dma_wait3A_101 = tpu.memref_squeeze %dma_wait3A_100 : memref<1x!tpu.dma_semaphore, #tpu.memory_space<semaphore_mem>> -> memref<!tpu.dma_semaphore, #tpu.memory_space<semaphore_mem>>
      tpu.wait_indirect_dma semaphore(%dma_wait3A_101 : memref<!tpu.dma_semaphore, #tpu.memory_space<semaphore_mem>>) src(%dma_wait3A_93 : memref<128x24xf32, #tpu.memory_space<vmem>>) dst(%dma_wait3A_99 : memref<10112x24xf32, #tpu.memory_space<vmem_shared>>)
    }
    %barrier3A_81 = arith.constant 0 : index
    tpu.barrier barrier_id(%barrier3A_81)
    %mul3A_82 = arith.constant 632 : i32
    %mul3A_83 = arith.muli %arg1, %mul3A_82 : i32
    "tpu.region"() ({
      %run_scoped3A = tpu.sem_alloc : memref<!tpu.dma_semaphore, #tpu.memory_space<semaphore_mem>>
      %dma_start3A = arith.constant 0 : i32
      %dma_start3A_86 = tpu.memref_slice %arg13[%mul3A_83, %dma_start3A] : memref<10112x24xf32, #tpu.memory_space<vmem_shared>> -> memref<632x24xf32, #tpu.memory_space<vmem_shared>>
      %dma_start3A_87 = arith.constant 0 : i32
      %dma_start3A_88 = tpu.memref_slice %arg13[%mul3A_83, %dma_start3A_87] : memref<10112x24xf32, #tpu.memory_space<vmem_shared>> -> memref<632x24xf32, #tpu.memory_space<vmem_shared>>
      tpu.enqueue_dma source(%dma_start3A_88 : memref<632x24xf32, #tpu.memory_space<vmem_shared>>) target(%arg9 : memref<632x24xf32, #tpu.memory_space<vmem>>) target_semaphore(%run_scoped3A : memref<!tpu.dma_semaphore, #tpu.memory_space<semaphore_mem>>)
      %dma_wait3A = arith.constant 0 : i32
      %dma_wait3A_89 = tpu.memref_slice %arg13[%mul3A_83, %dma_wait3A] : memref<10112x24xf32, #tpu.memory_space<vmem_shared>> -> memref<632x24xf32, #tpu.memory_space<vmem_shared>>
      %dma_wait3A_90 = arith.constant 0 : i32
      %dma_wait3A_91 = tpu.memref_slice %arg13[%mul3A_83, %dma_wait3A_90] : memref<10112x24xf32, #tpu.memory_space<vmem_shared>> -> memref<632x24xf32, #tpu.memory_space<vmem_shared>>
      tpu.wait_dma2 semaphore(%run_scoped3A : memref<!tpu.dma_semaphore, #tpu.memory_space<semaphore_mem>>) src(%dma_wait3A_91 : memref<632x24xf32, #tpu.memory_space<vmem_shared>>) dst(%arg9 : memref<632x24xf32, #tpu.memory_space<vmem>>)
      tpu.yield
    }) : () -> ()
    %mul3A_84 = arith.constant 632 : i32
    %mul3A_85 = arith.muli %arg1, %mul3A_84 : i32
    "tpu.region"() ({
      %run_scoped3A = tpu.sem_alloc : memref<!tpu.dma_semaphore, #tpu.memory_space<semaphore_mem>>
      %dma_start3A = arith.constant 0 : i32
      %dma_start3A_86 = tpu.memref_slice %arg6[%arg0, %mul3A_85, %dma_start3A] : memref<2x10112x24xf32, #tpu.memory_space<hbm>> -> memref<1x632x24xf32, #tpu.memory_space<hbm>>
      %dma_start3A_87 = tpu.memref_squeeze %dma_start3A_86 : memref<1x632x24xf32, #tpu.memory_space<hbm>> -> memref<632x24xf32, #tpu.memory_space<hbm>>
      %dma_start3A_88 = arith.constant 0 : i32
      %dma_start3A_89 = tpu.memref_slice %arg6[%arg0, %mul3A_85, %dma_start3A_88] : memref<2x10112x24xf32, #tpu.memory_space<hbm>> -> memref<1x632x24xf32, #tpu.memory_space<hbm>>
      %dma_start3A_90 = tpu.memref_squeeze %dma_start3A_89 : memref<1x632x24xf32, #tpu.memory_space<hbm>> -> memref<632x24xf32, #tpu.memory_space<hbm>>
      tpu.enqueue_dma source(%arg9 : memref<632x24xf32, #tpu.memory_space<vmem>>) target(%dma_start3A_90 : memref<632x24xf32, #tpu.memory_space<hbm>>) target_semaphore(%run_scoped3A : memref<!tpu.dma_semaphore, #tpu.memory_space<semaphore_mem>>)
      %dma_wait3A = arith.constant 0 : i32
      %dma_wait3A_91 = tpu.memref_slice %arg6[%arg0, %mul3A_85, %dma_wait3A] : memref<2x10112x24xf32, #tpu.memory_space<hbm>> -> memref<1x632x24xf32, #tpu.memory_space<hbm>>
      %dma_wait3A_92 = tpu.memref_squeeze %dma_wait3A_91 : memref<1x632x24xf32, #tpu.memory_space<hbm>> -> memref<632x24xf32, #tpu.memory_space<hbm>>
      %dma_wait3A_93 = arith.constant 0 : i32
      %dma_wait3A_94 = tpu.memref_slice %arg6[%arg0, %mul3A_85, %dma_wait3A_93] : memref<2x10112x24xf32, #tpu.memory_space<hbm>> -> memref<1x632x24xf32, #tpu.memory_space<hbm>>
      %dma_wait3A_95 = tpu.memref_squeeze %dma_wait3A_94 : memref<1x632x24xf32, #tpu.memory_space<hbm>> -> memref<632x24xf32, #tpu.memory_space<hbm>>
      tpu.wait_dma2 semaphore(%run_scoped3A : memref<!tpu.dma_semaphore, #tpu.memory_space<semaphore_mem>>) src(%arg9 : memref<632x24xf32, #tpu.memory_space<vmem>>) dst(%dma_wait3A_95 : memref<632x24xf32, #tpu.memory_space<hbm>>)
      tpu.yield
    }) : () -> ()
    return
  }
}

#map = affine_map<(d0, d1) -> (0, 0)>
#map1 = affine_map<(d0, d1) -> (0, 0, 0)>
module attributes {stable_mosaic.version = 14 : i64} {
  func.func @_msg_pass_body(%arg0: i32, %arg1: i32, %arg2: memref<10000x8xf32, #tpu.memory_space<hbm>>, %arg3: memref<2500x128xi32, #tpu.memory_space<hbm>>, %arg4: memref<2500x128xi32, #tpu.memory_space<hbm>>, %arg5: memref<632x8xf32, #tpu.memory_space<hbm>>, %arg6: memref<2x10112x8xf32, #tpu.memory_space<hbm>>, %arg7: memref<97x128xi32, #tpu.memory_space<vmem>>, %arg8: memref<97x128xi32, #tpu.memory_space<vmem>>, %arg9: memref<632x8xf32, #tpu.memory_space<vmem>>, %arg10: memref<625x8xf32, #tpu.memory_space<vmem>>, %arg11: memref<12x128x8xf32, #tpu.memory_space<vmem>>, %arg12: memref<10000x8xf32, #tpu.memory_space<vmem_shared>>, %arg13: memref<10112x8xf32, #tpu.memory_space<vmem_shared>>, %arg14: memref<12x!tpu.dma_semaphore, #tpu.memory_space<semaphore_mem>>, %arg15: memref<12x!tpu.dma_semaphore, #tpu.memory_space<semaphore_mem>>) attributes {dimension_semantics = [#tpu.dimension_semantics<core_parallel>, #tpu.dimension_semantics<subcore_parallel>], iteration_bounds = array<i64: 2, 16>, scalar_prefetch = 0 : i64, scratch_operands = 9 : i64, tpu.core_type = #tpu.core_type<sc_vector_subcore>, window_params = [{transform_indices = #map}, {transform_indices = #map}, {transform_indices = #map}, {transform_indices = #map}, {transform_indices = #map1}]} {
    %eq3A = arith.constant 0 : i32
    %eq3A_0 = arith.cmpi eq, %arg0, %eq3A : i32
    %jit3A = arith.constant 97 : i32
    %jit3A_1 = arith.constant 63 : i32
    %select_n3A = arith.select %eq3A_0, %jit3A, %jit3A_1 : i32
    %mul3A = arith.constant 97 : i32
    %mul3A_2 = arith.muli %arg1, %mul3A : i32
    %mul3A_3 = arith.constant 63 : i32
    %mul3A_4 = arith.muli %arg1, %mul3A_3 : i32
    %add3A = arith.constant 1552 : i32
    %add3A_5 = arith.addi %add3A, %mul3A_4 : i32
    %select_n3A_6 = arith.select %eq3A_0, %mul3A_2, %add3A_5 : i32
    %sub3A = arith.constant 2500 : i32
    %sub3A_7 = arith.subi %sub3A, %select_n3A_6 : i32
    %min3A = arith.minsi %select_n3A, %sub3A_7 : i32
    %max3A = arith.constant 0 : i32
    %max3A_8 = arith.maxsi %min3A, %max3A : i32
    %min3A_9 = arith.constant 2403 : i32
    %min3A_10 = arith.minsi %select_n3A_6, %min3A_9 : i32
    %sub3A_11 = arith.subi %select_n3A_6, %min3A_10 : i32
    "tpu.region"() ({
      %run_scoped3A = tpu.sem_alloc : memref<!tpu.dma_semaphore, #tpu.memory_space<semaphore_mem>>
      %dma_start3A = arith.constant 0 : i32
      %dma_start3A_86 = tpu.memref_slice %arg3[%min3A_10, %dma_start3A] : memref<2500x128xi32, #tpu.memory_space<hbm>> -> memref<97x128xi32, #tpu.memory_space<hbm>>
      %dma_start3A_87 = arith.constant 0 : i32
      %dma_start3A_88 = tpu.memref_slice %arg3[%min3A_10, %dma_start3A_87] : memref<2500x128xi32, #tpu.memory_space<hbm>> -> memref<97x128xi32, #tpu.memory_space<hbm>>
      tpu.enqueue_dma source(%dma_start3A_88 : memref<97x128xi32, #tpu.memory_space<hbm>>) target(%arg7 : memref<97x128xi32, #tpu.memory_space<vmem>>) target_semaphore(%run_scoped3A : memref<!tpu.dma_semaphore, #tpu.memory_space<semaphore_mem>>)
      %dma_wait3A = arith.constant 0 : i32
      %dma_wait3A_89 = tpu.memref_slice %arg3[%min3A_10, %dma_wait3A] : memref<2500x128xi32, #tpu.memory_space<hbm>> -> memref<97x128xi32, #tpu.memory_space<hbm>>
      %dma_wait3A_90 = arith.constant 0 : i32
      %dma_wait3A_91 = tpu.memref_slice %arg3[%min3A_10, %dma_wait3A_90] : memref<2500x128xi32, #tpu.memory_space<hbm>> -> memref<97x128xi32, #tpu.memory_space<hbm>>
      tpu.wait_dma2 semaphore(%run_scoped3A : memref<!tpu.dma_semaphore, #tpu.memory_space<semaphore_mem>>) src(%dma_wait3A_91 : memref<97x128xi32, #tpu.memory_space<hbm>>) dst(%arg7 : memref<97x128xi32, #tpu.memory_space<vmem>>)
      tpu.yield
    }) : () -> ()
    "tpu.region"() ({
      %run_scoped3A = tpu.sem_alloc : memref<!tpu.dma_semaphore, #tpu.memory_space<semaphore_mem>>
      %dma_start3A = arith.constant 0 : i32
      %dma_start3A_86 = tpu.memref_slice %arg4[%min3A_10, %dma_start3A] : memref<2500x128xi32, #tpu.memory_space<hbm>> -> memref<97x128xi32, #tpu.memory_space<hbm>>
      %dma_start3A_87 = arith.constant 0 : i32
      %dma_start3A_88 = tpu.memref_slice %arg4[%min3A_10, %dma_start3A_87] : memref<2500x128xi32, #tpu.memory_space<hbm>> -> memref<97x128xi32, #tpu.memory_space<hbm>>
      tpu.enqueue_dma source(%dma_start3A_88 : memref<97x128xi32, #tpu.memory_space<hbm>>) target(%arg8 : memref<97x128xi32, #tpu.memory_space<vmem>>) target_semaphore(%run_scoped3A : memref<!tpu.dma_semaphore, #tpu.memory_space<semaphore_mem>>)
      %dma_wait3A = arith.constant 0 : i32
      %dma_wait3A_89 = tpu.memref_slice %arg4[%min3A_10, %dma_wait3A] : memref<2500x128xi32, #tpu.memory_space<hbm>> -> memref<97x128xi32, #tpu.memory_space<hbm>>
      %dma_wait3A_90 = arith.constant 0 : i32
      %dma_wait3A_91 = tpu.memref_slice %arg4[%min3A_10, %dma_wait3A_90] : memref<2500x128xi32, #tpu.memory_space<hbm>> -> memref<97x128xi32, #tpu.memory_space<hbm>>
      tpu.wait_dma2 semaphore(%run_scoped3A : memref<!tpu.dma_semaphore, #tpu.memory_space<semaphore_mem>>) src(%dma_wait3A_91 : memref<97x128xi32, #tpu.memory_space<hbm>>) dst(%arg8 : memref<97x128xi32, #tpu.memory_space<vmem>>)
      tpu.yield
    }) : () -> ()
    %mul3A_12 = arith.constant 625 : i32
    %mul3A_13 = arith.muli %arg1, %mul3A_12 : i32
    "tpu.region"() ({
      %run_scoped3A = tpu.sem_alloc : memref<!tpu.dma_semaphore, #tpu.memory_space<semaphore_mem>>
      %dma_start3A = arith.constant 0 : i32
      %dma_start3A_86 = tpu.memref_slice %arg2[%mul3A_13, %dma_start3A] : memref<10000x8xf32, #tpu.memory_space<hbm>> -> memref<625x8xf32, #tpu.memory_space<hbm>>
      %dma_start3A_87 = arith.constant 0 : i32
      %dma_start3A_88 = tpu.memref_slice %arg2[%mul3A_13, %dma_start3A_87] : memref<10000x8xf32, #tpu.memory_space<hbm>> -> memref<625x8xf32, #tpu.memory_space<hbm>>
      tpu.enqueue_dma source(%dma_start3A_88 : memref<625x8xf32, #tpu.memory_space<hbm>>) target(%arg10 : memref<625x8xf32, #tpu.memory_space<vmem>>) target_semaphore(%run_scoped3A : memref<!tpu.dma_semaphore, #tpu.memory_space<semaphore_mem>>)
      %dma_wait3A = arith.constant 0 : i32
      %dma_wait3A_89 = tpu.memref_slice %arg2[%mul3A_13, %dma_wait3A] : memref<10000x8xf32, #tpu.memory_space<hbm>> -> memref<625x8xf32, #tpu.memory_space<hbm>>
      %dma_wait3A_90 = arith.constant 0 : i32
      %dma_wait3A_91 = tpu.memref_slice %arg2[%mul3A_13, %dma_wait3A_90] : memref<10000x8xf32, #tpu.memory_space<hbm>> -> memref<625x8xf32, #tpu.memory_space<hbm>>
      tpu.wait_dma2 semaphore(%run_scoped3A : memref<!tpu.dma_semaphore, #tpu.memory_space<semaphore_mem>>) src(%dma_wait3A_91 : memref<625x8xf32, #tpu.memory_space<hbm>>) dst(%arg10 : memref<625x8xf32, #tpu.memory_space<vmem>>)
      tpu.yield
    }) : () -> ()
    "tpu.region"() ({
      %run_scoped3A = tpu.sem_alloc : memref<!tpu.dma_semaphore, #tpu.memory_space<semaphore_mem>>
      %dma_start3A = arith.constant 0 : i32
      %dma_start3A_86 = tpu.memref_slice %arg12[%mul3A_13, %dma_start3A] : memref<10000x8xf32, #tpu.memory_space<vmem_shared>> -> memref<625x8xf32, #tpu.memory_space<vmem_shared>>
      %dma_start3A_87 = arith.constant 0 : i32
      %dma_start3A_88 = tpu.memref_slice %arg12[%mul3A_13, %dma_start3A_87] : memref<10000x8xf32, #tpu.memory_space<vmem_shared>> -> memref<625x8xf32, #tpu.memory_space<vmem_shared>>
      tpu.enqueue_dma source(%arg10 : memref<625x8xf32, #tpu.memory_space<vmem>>) target(%dma_start3A_88 : memref<625x8xf32, #tpu.memory_space<vmem_shared>>) target_semaphore(%run_scoped3A : memref<!tpu.dma_semaphore, #tpu.memory_space<semaphore_mem>>)
      %dma_wait3A = arith.constant 0 : i32
      %dma_wait3A_89 = tpu.memref_slice %arg12[%mul3A_13, %dma_wait3A] : memref<10000x8xf32, #tpu.memory_space<vmem_shared>> -> memref<625x8xf32, #tpu.memory_space<vmem_shared>>
      %dma_wait3A_90 = arith.constant 0 : i32
      %dma_wait3A_91 = tpu.memref_slice %arg12[%mul3A_13, %dma_wait3A_90] : memref<10000x8xf32, #tpu.memory_space<vmem_shared>> -> memref<625x8xf32, #tpu.memory_space<vmem_shared>>
      tpu.wait_dma2 semaphore(%run_scoped3A : memref<!tpu.dma_semaphore, #tpu.memory_space<semaphore_mem>>) src(%arg10 : memref<625x8xf32, #tpu.memory_space<vmem>>) dst(%dma_wait3A_91 : memref<625x8xf32, #tpu.memory_space<vmem_shared>>)
      tpu.yield
    }) : () -> ()
    "tpu.region"() ({
      %run_scoped3A = tpu.sem_alloc : memref<!tpu.dma_semaphore, #tpu.memory_space<semaphore_mem>>
      tpu.enqueue_dma source(%arg5 : memref<632x8xf32, #tpu.memory_space<hbm>>) target(%arg9 : memref<632x8xf32, #tpu.memory_space<vmem>>) target_semaphore(%run_scoped3A : memref<!tpu.dma_semaphore, #tpu.memory_space<semaphore_mem>>)
      tpu.wait_dma2 semaphore(%run_scoped3A : memref<!tpu.dma_semaphore, #tpu.memory_space<semaphore_mem>>) src(%arg5 : memref<632x8xf32, #tpu.memory_space<hbm>>) dst(%arg9 : memref<632x8xf32, #tpu.memory_space<vmem>>)
      tpu.yield
    }) : () -> ()
    %mul3A_14 = arith.constant 632 : i32
    %mul3A_15 = arith.muli %arg1, %mul3A_14 : i32
    "tpu.region"() ({
      %run_scoped3A = tpu.sem_alloc : memref<!tpu.dma_semaphore, #tpu.memory_space<semaphore_mem>>
      %dma_start3A = arith.constant 0 : i32
      %dma_start3A_86 = tpu.memref_slice %arg13[%mul3A_15, %dma_start3A] : memref<10112x8xf32, #tpu.memory_space<vmem_shared>> -> memref<632x8xf32, #tpu.memory_space<vmem_shared>>
      %dma_start3A_87 = arith.constant 0 : i32
      %dma_start3A_88 = tpu.memref_slice %arg13[%mul3A_15, %dma_start3A_87] : memref<10112x8xf32, #tpu.memory_space<vmem_shared>> -> memref<632x8xf32, #tpu.memory_space<vmem_shared>>
      tpu.enqueue_dma source(%arg9 : memref<632x8xf32, #tpu.memory_space<vmem>>) target(%dma_start3A_88 : memref<632x8xf32, #tpu.memory_space<vmem_shared>>) target_semaphore(%run_scoped3A : memref<!tpu.dma_semaphore, #tpu.memory_space<semaphore_mem>>)
      %dma_wait3A = arith.constant 0 : i32
      %dma_wait3A_89 = tpu.memref_slice %arg13[%mul3A_15, %dma_wait3A] : memref<10112x8xf32, #tpu.memory_space<vmem_shared>> -> memref<632x8xf32, #tpu.memory_space<vmem_shared>>
      %dma_wait3A_90 = arith.constant 0 : i32
      %dma_wait3A_91 = tpu.memref_slice %arg13[%mul3A_15, %dma_wait3A_90] : memref<10112x8xf32, #tpu.memory_space<vmem_shared>> -> memref<632x8xf32, #tpu.memory_space<vmem_shared>>
      tpu.wait_dma2 semaphore(%run_scoped3A : memref<!tpu.dma_semaphore, #tpu.memory_space<semaphore_mem>>) src(%arg9 : memref<632x8xf32, #tpu.memory_space<vmem>>) dst(%dma_wait3A_91 : memref<632x8xf32, #tpu.memory_space<vmem_shared>>)
      tpu.yield
    }) : () -> ()
    %barrier3A = arith.constant 0 : index
    tpu.barrier barrier_id(%barrier3A)
    %gt3A = arith.constant 0 : i32
    %gt3A_16 = arith.cmpi sgt, %max3A_8, %gt3A : i32
    %convert_element_type3A = arith.extui %gt3A_16 : i1 to i32
    %cond3A = arith.constant 0 : i32
    %cond3A_17 = arith.cmpi ne, %convert_element_type3A, %cond3A : i32
    scf.if %cond3A_17 {
      %rem3A = arith.constant 0 : i32
      %rem3A_86 = arith.constant 12 : i32
      %rem3A_87 = arith.remsi %rem3A, %rem3A_86 : i32
      %add3A_88 = arith.constant 0 : i32
      %add3A_89 = arith.addi %add3A_88, %sub3A_11 : i32
      %dma_start3A = arith.constant 0 : i32
      %dma_start3A_90 = arith.constant 0 : i32
      %dma_start3A_91 = tpu.memref_slice %arg11[%rem3A_87, %dma_start3A, %dma_start3A_90] : memref<12x128x8xf32, #tpu.memory_space<vmem>> -> memref<1x128x8xf32, #tpu.memory_space<vmem>>
      %dma_start3A_92 = tpu.memref_squeeze %dma_start3A_91 : memref<1x128x8xf32, #tpu.memory_space<vmem>> -> memref<128x8xf32, #tpu.memory_space<vmem>>
      %dma_start3A_93 = arith.constant 0 : i32
      %dma_start3A_94 = tpu.memref_slice %arg7[%add3A_89, %dma_start3A_93] : memref<97x128xi32, #tpu.memory_space<vmem>> -> memref<1x128xi32, #tpu.memory_space<vmem>>
      %dma_start3A_95 = tpu.memref_squeeze %dma_start3A_94 : memref<1x128xi32, #tpu.memory_space<vmem>> -> memref<128xi32, #tpu.memory_space<vmem>>
      %dma_start3A_96 = arith.constant 0 : i32
      %dma_start3A_97 = arith.constant 0 : i32
      %dma_start3A_98 = tpu.memref_slice %arg12[%dma_start3A_96, %dma_start3A_97] : memref<10000x8xf32, #tpu.memory_space<vmem_shared>> -> memref<10000x8xf32, #tpu.memory_space<vmem_shared>>
      %dma_start3A_99 = tpu.memref_slice %arg14[%rem3A_87] : memref<12x!tpu.dma_semaphore, #tpu.memory_space<semaphore_mem>> -> memref<1x!tpu.dma_semaphore, #tpu.memory_space<semaphore_mem>>
      %dma_start3A_100 = tpu.memref_squeeze %dma_start3A_99 : memref<1x!tpu.dma_semaphore, #tpu.memory_space<semaphore_mem>> -> memref<!tpu.dma_semaphore, #tpu.memory_space<semaphore_mem>>
      tpu.enqueue_indirect_dma source(%dma_start3A_98 : memref<10000x8xf32, #tpu.memory_space<vmem_shared>>) target(%dma_start3A_92 : memref<128x8xf32, #tpu.memory_space<vmem>>) offsets(%dma_start3A_95 : memref<128xi32, #tpu.memory_space<vmem>>) semaphore(%dma_start3A_100 : memref<!tpu.dma_semaphore, #tpu.memory_space<semaphore_mem>>)
    } else {
    }
    %gt3A_18 = arith.constant 1 : i32
    %gt3A_19 = arith.cmpi sgt, %max3A_8, %gt3A_18 : i32
    %convert_element_type3A_20 = arith.extui %gt3A_19 : i1 to i32
    %cond3A_21 = arith.constant 0 : i32
    %cond3A_22 = arith.cmpi ne, %convert_element_type3A_20, %cond3A_21 : i32
    scf.if %cond3A_22 {
      %rem3A = arith.constant 1 : i32
      %rem3A_86 = arith.constant 12 : i32
      %rem3A_87 = arith.remsi %rem3A, %rem3A_86 : i32
      %add3A_88 = arith.constant 1 : i32
      %add3A_89 = arith.addi %add3A_88, %sub3A_11 : i32
      %dma_start3A = arith.constant 0 : i32
      %dma_start3A_90 = arith.constant 0 : i32
      %dma_start3A_91 = tpu.memref_slice %arg11[%rem3A_87, %dma_start3A, %dma_start3A_90] : memref<12x128x8xf32, #tpu.memory_space<vmem>> -> memref<1x128x8xf32, #tpu.memory_space<vmem>>
      %dma_start3A_92 = tpu.memref_squeeze %dma_start3A_91 : memref<1x128x8xf32, #tpu.memory_space<vmem>> -> memref<128x8xf32, #tpu.memory_space<vmem>>
      %dma_start3A_93 = arith.constant 0 : i32
      %dma_start3A_94 = tpu.memref_slice %arg7[%add3A_89, %dma_start3A_93] : memref<97x128xi32, #tpu.memory_space<vmem>> -> memref<1x128xi32, #tpu.memory_space<vmem>>
      %dma_start3A_95 = tpu.memref_squeeze %dma_start3A_94 : memref<1x128xi32, #tpu.memory_space<vmem>> -> memref<128xi32, #tpu.memory_space<vmem>>
      %dma_start3A_96 = arith.constant 0 : i32
      %dma_start3A_97 = arith.constant 0 : i32
      %dma_start3A_98 = tpu.memref_slice %arg12[%dma_start3A_96, %dma_start3A_97] : memref<10000x8xf32, #tpu.memory_space<vmem_shared>> -> memref<10000x8xf32, #tpu.memory_space<vmem_shared>>
      %dma_start3A_99 = tpu.memref_slice %arg14[%rem3A_87] : memref<12x!tpu.dma_semaphore, #tpu.memory_space<semaphore_mem>> -> memref<1x!tpu.dma_semaphore, #tpu.memory_space<semaphore_mem>>
      %dma_start3A_100 = tpu.memref_squeeze %dma_start3A_99 : memref<1x!tpu.dma_semaphore, #tpu.memory_space<semaphore_mem>> -> memref<!tpu.dma_semaphore, #tpu.memory_space<semaphore_mem>>
      tpu.enqueue_indirect_dma source(%dma_start3A_98 : memref<10000x8xf32, #tpu.memory_space<vmem_shared>>) target(%dma_start3A_92 : memref<128x8xf32, #tpu.memory_space<vmem>>) offsets(%dma_start3A_95 : memref<128xi32, #tpu.memory_space<vmem>>) semaphore(%dma_start3A_100 : memref<!tpu.dma_semaphore, #tpu.memory_space<semaphore_mem>>)
    } else {
    }
    %gt3A_23 = arith.constant 2 : i32
    %gt3A_24 = arith.cmpi sgt, %max3A_8, %gt3A_23 : i32
    %convert_element_type3A_25 = arith.extui %gt3A_24 : i1 to i32
    %cond3A_26 = arith.constant 0 : i32
    %cond3A_27 = arith.cmpi ne, %convert_element_type3A_25, %cond3A_26 : i32
    scf.if %cond3A_27 {
      %rem3A = arith.constant 2 : i32
      %rem3A_86 = arith.constant 12 : i32
      %rem3A_87 = arith.remsi %rem3A, %rem3A_86 : i32
      %add3A_88 = arith.constant 2 : i32
      %add3A_89 = arith.addi %add3A_88, %sub3A_11 : i32
      %dma_start3A = arith.constant 0 : i32
      %dma_start3A_90 = arith.constant 0 : i32
      %dma_start3A_91 = tpu.memref_slice %arg11[%rem3A_87, %dma_start3A, %dma_start3A_90] : memref<12x128x8xf32, #tpu.memory_space<vmem>> -> memref<1x128x8xf32, #tpu.memory_space<vmem>>
      %dma_start3A_92 = tpu.memref_squeeze %dma_start3A_91 : memref<1x128x8xf32, #tpu.memory_space<vmem>> -> memref<128x8xf32, #tpu.memory_space<vmem>>
      %dma_start3A_93 = arith.constant 0 : i32
      %dma_start3A_94 = tpu.memref_slice %arg7[%add3A_89, %dma_start3A_93] : memref<97x128xi32, #tpu.memory_space<vmem>> -> memref<1x128xi32, #tpu.memory_space<vmem>>
      %dma_start3A_95 = tpu.memref_squeeze %dma_start3A_94 : memref<1x128xi32, #tpu.memory_space<vmem>> -> memref<128xi32, #tpu.memory_space<vmem>>
      %dma_start3A_96 = arith.constant 0 : i32
      %dma_start3A_97 = arith.constant 0 : i32
      %dma_start3A_98 = tpu.memref_slice %arg12[%dma_start3A_96, %dma_start3A_97] : memref<10000x8xf32, #tpu.memory_space<vmem_shared>> -> memref<10000x8xf32, #tpu.memory_space<vmem_shared>>
      %dma_start3A_99 = tpu.memref_slice %arg14[%rem3A_87] : memref<12x!tpu.dma_semaphore, #tpu.memory_space<semaphore_mem>> -> memref<1x!tpu.dma_semaphore, #tpu.memory_space<semaphore_mem>>
      %dma_start3A_100 = tpu.memref_squeeze %dma_start3A_99 : memref<1x!tpu.dma_semaphore, #tpu.memory_space<semaphore_mem>> -> memref<!tpu.dma_semaphore, #tpu.memory_space<semaphore_mem>>
      tpu.enqueue_indirect_dma source(%dma_start3A_98 : memref<10000x8xf32, #tpu.memory_space<vmem_shared>>) target(%dma_start3A_92 : memref<128x8xf32, #tpu.memory_space<vmem>>) offsets(%dma_start3A_95 : memref<128xi32, #tpu.memory_space<vmem>>) semaphore(%dma_start3A_100 : memref<!tpu.dma_semaphore, #tpu.memory_space<semaphore_mem>>)
    } else {
    }
    %gt3A_28 = arith.constant 3 : i32
    %gt3A_29 = arith.cmpi sgt, %max3A_8, %gt3A_28 : i32
    %convert_element_type3A_30 = arith.extui %gt3A_29 : i1 to i32
    %cond3A_31 = arith.constant 0 : i32
    %cond3A_32 = arith.cmpi ne, %convert_element_type3A_30, %cond3A_31 : i32
    scf.if %cond3A_32 {
      %rem3A = arith.constant 3 : i32
      %rem3A_86 = arith.constant 12 : i32
      %rem3A_87 = arith.remsi %rem3A, %rem3A_86 : i32
      %add3A_88 = arith.constant 3 : i32
      %add3A_89 = arith.addi %add3A_88, %sub3A_11 : i32
      %dma_start3A = arith.constant 0 : i32
      %dma_start3A_90 = arith.constant 0 : i32
      %dma_start3A_91 = tpu.memref_slice %arg11[%rem3A_87, %dma_start3A, %dma_start3A_90] : memref<12x128x8xf32, #tpu.memory_space<vmem>> -> memref<1x128x8xf32, #tpu.memory_space<vmem>>
      %dma_start3A_92 = tpu.memref_squeeze %dma_start3A_91 : memref<1x128x8xf32, #tpu.memory_space<vmem>> -> memref<128x8xf32, #tpu.memory_space<vmem>>
      %dma_start3A_93 = arith.constant 0 : i32
      %dma_start3A_94 = tpu.memref_slice %arg7[%add3A_89, %dma_start3A_93] : memref<97x128xi32, #tpu.memory_space<vmem>> -> memref<1x128xi32, #tpu.memory_space<vmem>>
      %dma_start3A_95 = tpu.memref_squeeze %dma_start3A_94 : memref<1x128xi32, #tpu.memory_space<vmem>> -> memref<128xi32, #tpu.memory_space<vmem>>
      %dma_start3A_96 = arith.constant 0 : i32
      %dma_start3A_97 = arith.constant 0 : i32
      %dma_start3A_98 = tpu.memref_slice %arg12[%dma_start3A_96, %dma_start3A_97] : memref<10000x8xf32, #tpu.memory_space<vmem_shared>> -> memref<10000x8xf32, #tpu.memory_space<vmem_shared>>
      %dma_start3A_99 = tpu.memref_slice %arg14[%rem3A_87] : memref<12x!tpu.dma_semaphore, #tpu.memory_space<semaphore_mem>> -> memref<1x!tpu.dma_semaphore, #tpu.memory_space<semaphore_mem>>
      %dma_start3A_100 = tpu.memref_squeeze %dma_start3A_99 : memref<1x!tpu.dma_semaphore, #tpu.memory_space<semaphore_mem>> -> memref<!tpu.dma_semaphore, #tpu.memory_space<semaphore_mem>>
      tpu.enqueue_indirect_dma source(%dma_start3A_98 : memref<10000x8xf32, #tpu.memory_space<vmem_shared>>) target(%dma_start3A_92 : memref<128x8xf32, #tpu.memory_space<vmem>>) offsets(%dma_start3A_95 : memref<128xi32, #tpu.memory_space<vmem>>) semaphore(%dma_start3A_100 : memref<!tpu.dma_semaphore, #tpu.memory_space<semaphore_mem>>)
    } else {
    }
    %gt3A_33 = arith.constant 4 : i32
    %gt3A_34 = arith.cmpi sgt, %max3A_8, %gt3A_33 : i32
    %convert_element_type3A_35 = arith.extui %gt3A_34 : i1 to i32
    %cond3A_36 = arith.constant 0 : i32
    %cond3A_37 = arith.cmpi ne, %convert_element_type3A_35, %cond3A_36 : i32
    scf.if %cond3A_37 {
      %rem3A = arith.constant 4 : i32
      %rem3A_86 = arith.constant 12 : i32
      %rem3A_87 = arith.remsi %rem3A, %rem3A_86 : i32
      %add3A_88 = arith.constant 4 : i32
      %add3A_89 = arith.addi %add3A_88, %sub3A_11 : i32
      %dma_start3A = arith.constant 0 : i32
      %dma_start3A_90 = arith.constant 0 : i32
      %dma_start3A_91 = tpu.memref_slice %arg11[%rem3A_87, %dma_start3A, %dma_start3A_90] : memref<12x128x8xf32, #tpu.memory_space<vmem>> -> memref<1x128x8xf32, #tpu.memory_space<vmem>>
      %dma_start3A_92 = tpu.memref_squeeze %dma_start3A_91 : memref<1x128x8xf32, #tpu.memory_space<vmem>> -> memref<128x8xf32, #tpu.memory_space<vmem>>
      %dma_start3A_93 = arith.constant 0 : i32
      %dma_start3A_94 = tpu.memref_slice %arg7[%add3A_89, %dma_start3A_93] : memref<97x128xi32, #tpu.memory_space<vmem>> -> memref<1x128xi32, #tpu.memory_space<vmem>>
      %dma_start3A_95 = tpu.memref_squeeze %dma_start3A_94 : memref<1x128xi32, #tpu.memory_space<vmem>> -> memref<128xi32, #tpu.memory_space<vmem>>
      %dma_start3A_96 = arith.constant 0 : i32
      %dma_start3A_97 = arith.constant 0 : i32
      %dma_start3A_98 = tpu.memref_slice %arg12[%dma_start3A_96, %dma_start3A_97] : memref<10000x8xf32, #tpu.memory_space<vmem_shared>> -> memref<10000x8xf32, #tpu.memory_space<vmem_shared>>
      %dma_start3A_99 = tpu.memref_slice %arg14[%rem3A_87] : memref<12x!tpu.dma_semaphore, #tpu.memory_space<semaphore_mem>> -> memref<1x!tpu.dma_semaphore, #tpu.memory_space<semaphore_mem>>
      %dma_start3A_100 = tpu.memref_squeeze %dma_start3A_99 : memref<1x!tpu.dma_semaphore, #tpu.memory_space<semaphore_mem>> -> memref<!tpu.dma_semaphore, #tpu.memory_space<semaphore_mem>>
      tpu.enqueue_indirect_dma source(%dma_start3A_98 : memref<10000x8xf32, #tpu.memory_space<vmem_shared>>) target(%dma_start3A_92 : memref<128x8xf32, #tpu.memory_space<vmem>>) offsets(%dma_start3A_95 : memref<128xi32, #tpu.memory_space<vmem>>) semaphore(%dma_start3A_100 : memref<!tpu.dma_semaphore, #tpu.memory_space<semaphore_mem>>)
    } else {
    }
    %gt3A_38 = arith.constant 5 : i32
    %gt3A_39 = arith.cmpi sgt, %max3A_8, %gt3A_38 : i32
    %convert_element_type3A_40 = arith.extui %gt3A_39 : i1 to i32
    %cond3A_41 = arith.constant 0 : i32
    %cond3A_42 = arith.cmpi ne, %convert_element_type3A_40, %cond3A_41 : i32
    scf.if %cond3A_42 {
      %rem3A = arith.constant 5 : i32
      %rem3A_86 = arith.constant 12 : i32
      %rem3A_87 = arith.remsi %rem3A, %rem3A_86 : i32
      %add3A_88 = arith.constant 5 : i32
      %add3A_89 = arith.addi %add3A_88, %sub3A_11 : i32
      %dma_start3A = arith.constant 0 : i32
      %dma_start3A_90 = arith.constant 0 : i32
      %dma_start3A_91 = tpu.memref_slice %arg11[%rem3A_87, %dma_start3A, %dma_start3A_90] : memref<12x128x8xf32, #tpu.memory_space<vmem>> -> memref<1x128x8xf32, #tpu.memory_space<vmem>>
      %dma_start3A_92 = tpu.memref_squeeze %dma_start3A_91 : memref<1x128x8xf32, #tpu.memory_space<vmem>> -> memref<128x8xf32, #tpu.memory_space<vmem>>
      %dma_start3A_93 = arith.constant 0 : i32
      %dma_start3A_94 = tpu.memref_slice %arg7[%add3A_89, %dma_start3A_93] : memref<97x128xi32, #tpu.memory_space<vmem>> -> memref<1x128xi32, #tpu.memory_space<vmem>>
      %dma_start3A_95 = tpu.memref_squeeze %dma_start3A_94 : memref<1x128xi32, #tpu.memory_space<vmem>> -> memref<128xi32, #tpu.memory_space<vmem>>
      %dma_start3A_96 = arith.constant 0 : i32
      %dma_start3A_97 = arith.constant 0 : i32
      %dma_start3A_98 = tpu.memref_slice %arg12[%dma_start3A_96, %dma_start3A_97] : memref<10000x8xf32, #tpu.memory_space<vmem_shared>> -> memref<10000x8xf32, #tpu.memory_space<vmem_shared>>
      %dma_start3A_99 = tpu.memref_slice %arg14[%rem3A_87] : memref<12x!tpu.dma_semaphore, #tpu.memory_space<semaphore_mem>> -> memref<1x!tpu.dma_semaphore, #tpu.memory_space<semaphore_mem>>
      %dma_start3A_100 = tpu.memref_squeeze %dma_start3A_99 : memref<1x!tpu.dma_semaphore, #tpu.memory_space<semaphore_mem>> -> memref<!tpu.dma_semaphore, #tpu.memory_space<semaphore_mem>>
      tpu.enqueue_indirect_dma source(%dma_start3A_98 : memref<10000x8xf32, #tpu.memory_space<vmem_shared>>) target(%dma_start3A_92 : memref<128x8xf32, #tpu.memory_space<vmem>>) offsets(%dma_start3A_95 : memref<128xi32, #tpu.memory_space<vmem>>) semaphore(%dma_start3A_100 : memref<!tpu.dma_semaphore, #tpu.memory_space<semaphore_mem>>)
    } else {
    }
    %sub3A_43 = arith.constant 0 : i32
    %sub3A_44 = arith.subi %max3A_8, %sub3A_43 : i32
    %sub3A_45 = arith.constant 1 : i32
    %sub3A_46 = arith.constant 1 : i32
    %sub3A_47 = arith.subi %sub3A_45, %sub3A_46 : i32
    %add3A_48 = arith.addi %sub3A_44, %sub3A_47 : i32
    %div3A = arith.constant 1 : i32
    %div3A_49 = arith.divsi %add3A_48, %div3A : i32
    %while3A = arith.constant 1 : i32
    %while3A_50 = arith.constant 0 : i32
    %while3A_51 = arith.constant 0 : i32
    %while3A_52 = arith.subi %div3A_49, %while3A_51 : i32
    %while3A_53 = arith.addi %while3A_51, %while3A_52 : i32
    %while3A_54 = arith.constant 1 : i32
    %while3A_55 = arith.divsi %while3A_52, %while3A_54 : i32
    %while3A_56 = arith.muli %while3A_55, %while3A_54 : i32
    %while3A_57 = arith.addi %while3A_51, %while3A_56 : i32
    %while3A_58 = arith.constant 1 : i32
    scf.for %while3A_86 = %while3A_51 to %while3A_57 step %while3A_58  : i32 {
      %mul3A_87 = arith.muli %while3A_86, %while3A : i32
      %add3A_88 = arith.addi %while3A_50, %mul3A_87 : i32
      %ge3A = arith.constant 6 : i32
      %ge3A_89 = arith.cmpi sge, %add3A_88, %ge3A : i32
      %convert_element_type3A_90 = arith.extui %ge3A_89 : i1 to i32
      %cond3A_91 = arith.constant 0 : i32
      %cond3A_92 = arith.cmpi ne, %convert_element_type3A_90, %cond3A_91 : i32
      scf.if %cond3A_92 {
        %sub3A_125 = arith.constant 6 : i32
        %sub3A_126 = arith.subi %add3A_88, %sub3A_125 : i32
        %rem3A_127 = arith.constant 12 : i32
        %rem3A_128 = arith.remsi %sub3A_126, %rem3A_127 : i32
        %add3A_129 = arith.addi %sub3A_126, %sub3A_11 : i32
        %dma_wait3A_130 = arith.constant 0 : i32
        %dma_wait3A_131 = arith.constant 0 : i32
        %dma_wait3A_132 = tpu.memref_slice %arg11[%rem3A_128, %dma_wait3A_130, %dma_wait3A_131] : memref<12x128x8xf32, #tpu.memory_space<vmem>> -> memref<1x128x8xf32, #tpu.memory_space<vmem>>
        %dma_wait3A_133 = tpu.memref_squeeze %dma_wait3A_132 : memref<1x128x8xf32, #tpu.memory_space<vmem>> -> memref<128x8xf32, #tpu.memory_space<vmem>>
        %dma_wait3A_134 = arith.constant 0 : i32
        %dma_wait3A_135 = tpu.memref_slice %arg8[%add3A_129, %dma_wait3A_134] : memref<97x128xi32, #tpu.memory_space<vmem>> -> memref<1x128xi32, #tpu.memory_space<vmem>>
        %dma_wait3A_136 = tpu.memref_squeeze %dma_wait3A_135 : memref<1x128xi32, #tpu.memory_space<vmem>> -> memref<128xi32, #tpu.memory_space<vmem>>
        %dma_wait3A_137 = arith.constant 0 : i32
        %dma_wait3A_138 = arith.constant 0 : i32
        %dma_wait3A_139 = tpu.memref_slice %arg13[%dma_wait3A_137, %dma_wait3A_138] : memref<10112x8xf32, #tpu.memory_space<vmem_shared>> -> memref<10112x8xf32, #tpu.memory_space<vmem_shared>>
        %dma_wait3A_140 = tpu.memref_slice %arg15[%rem3A_128] : memref<12x!tpu.dma_semaphore, #tpu.memory_space<semaphore_mem>> -> memref<1x!tpu.dma_semaphore, #tpu.memory_space<semaphore_mem>>
        %dma_wait3A_141 = tpu.memref_squeeze %dma_wait3A_140 : memref<1x!tpu.dma_semaphore, #tpu.memory_space<semaphore_mem>> -> memref<!tpu.dma_semaphore, #tpu.memory_space<semaphore_mem>>
        tpu.wait_indirect_dma semaphore(%dma_wait3A_141 : memref<!tpu.dma_semaphore, #tpu.memory_space<semaphore_mem>>) src(%dma_wait3A_133 : memref<128x8xf32, #tpu.memory_space<vmem>>) dst(%dma_wait3A_139 : memref<10112x8xf32, #tpu.memory_space<vmem_shared>>)
      } else {
      }
      %add3A_93 = arith.constant 6 : i32
      %add3A_94 = arith.addi %add3A_88, %add3A_93 : i32
      %lt3A = arith.cmpi slt, %add3A_94, %max3A_8 : i32
      %convert_element_type3A_95 = arith.extui %lt3A : i1 to i32
      %cond3A_96 = arith.constant 0 : i32
      %cond3A_97 = arith.cmpi ne, %convert_element_type3A_95, %cond3A_96 : i32
      scf.if %cond3A_97 {
        %add3A_125 = arith.constant 6 : i32
        %add3A_126 = arith.addi %add3A_88, %add3A_125 : i32
        %rem3A_127 = arith.constant 12 : i32
        %rem3A_128 = arith.remsi %add3A_126, %rem3A_127 : i32
        %add3A_129 = arith.addi %add3A_126, %sub3A_11 : i32
        %dma_start3A_130 = arith.constant 0 : i32
        %dma_start3A_131 = arith.constant 0 : i32
        %dma_start3A_132 = tpu.memref_slice %arg11[%rem3A_128, %dma_start3A_130, %dma_start3A_131] : memref<12x128x8xf32, #tpu.memory_space<vmem>> -> memref<1x128x8xf32, #tpu.memory_space<vmem>>
        %dma_start3A_133 = tpu.memref_squeeze %dma_start3A_132 : memref<1x128x8xf32, #tpu.memory_space<vmem>> -> memref<128x8xf32, #tpu.memory_space<vmem>>
        %dma_start3A_134 = arith.constant 0 : i32
        %dma_start3A_135 = tpu.memref_slice %arg7[%add3A_129, %dma_start3A_134] : memref<97x128xi32, #tpu.memory_space<vmem>> -> memref<1x128xi32, #tpu.memory_space<vmem>>
        %dma_start3A_136 = tpu.memref_squeeze %dma_start3A_135 : memref<1x128xi32, #tpu.memory_space<vmem>> -> memref<128xi32, #tpu.memory_space<vmem>>
        %dma_start3A_137 = arith.constant 0 : i32
        %dma_start3A_138 = arith.constant 0 : i32
        %dma_start3A_139 = tpu.memref_slice %arg12[%dma_start3A_137, %dma_start3A_138] : memref<10000x8xf32, #tpu.memory_space<vmem_shared>> -> memref<10000x8xf32, #tpu.memory_space<vmem_shared>>
        %dma_start3A_140 = tpu.memref_slice %arg14[%rem3A_128] : memref<12x!tpu.dma_semaphore, #tpu.memory_space<semaphore_mem>> -> memref<1x!tpu.dma_semaphore, #tpu.memory_space<semaphore_mem>>
        %dma_start3A_141 = tpu.memref_squeeze %dma_start3A_140 : memref<1x!tpu.dma_semaphore, #tpu.memory_space<semaphore_mem>> -> memref<!tpu.dma_semaphore, #tpu.memory_space<semaphore_mem>>
        tpu.enqueue_indirect_dma source(%dma_start3A_139 : memref<10000x8xf32, #tpu.memory_space<vmem_shared>>) target(%dma_start3A_133 : memref<128x8xf32, #tpu.memory_space<vmem>>) offsets(%dma_start3A_136 : memref<128xi32, #tpu.memory_space<vmem>>) semaphore(%dma_start3A_141 : memref<!tpu.dma_semaphore, #tpu.memory_space<semaphore_mem>>)
      } else {
      }
      %rem3A = arith.constant 12 : i32
      %rem3A_98 = arith.remsi %add3A_88, %rem3A : i32
      %add3A_99 = arith.addi %add3A_88, %sub3A_11 : i32
      %dma_wait3A = arith.constant 0 : i32
      %dma_wait3A_100 = arith.constant 0 : i32
      %dma_wait3A_101 = tpu.memref_slice %arg11[%rem3A_98, %dma_wait3A, %dma_wait3A_100] : memref<12x128x8xf32, #tpu.memory_space<vmem>> -> memref<1x128x8xf32, #tpu.memory_space<vmem>>
      %dma_wait3A_102 = tpu.memref_squeeze %dma_wait3A_101 : memref<1x128x8xf32, #tpu.memory_space<vmem>> -> memref<128x8xf32, #tpu.memory_space<vmem>>
      %dma_wait3A_103 = arith.constant 0 : i32
      %dma_wait3A_104 = tpu.memref_slice %arg7[%add3A_99, %dma_wait3A_103] : memref<97x128xi32, #tpu.memory_space<vmem>> -> memref<1x128xi32, #tpu.memory_space<vmem>>
      %dma_wait3A_105 = tpu.memref_squeeze %dma_wait3A_104 : memref<1x128xi32, #tpu.memory_space<vmem>> -> memref<128xi32, #tpu.memory_space<vmem>>
      %dma_wait3A_106 = arith.constant 0 : i32
      %dma_wait3A_107 = arith.constant 0 : i32
      %dma_wait3A_108 = tpu.memref_slice %arg12[%dma_wait3A_106, %dma_wait3A_107] : memref<10000x8xf32, #tpu.memory_space<vmem_shared>> -> memref<10000x8xf32, #tpu.memory_space<vmem_shared>>
      %dma_wait3A_109 = tpu.memref_slice %arg14[%rem3A_98] : memref<12x!tpu.dma_semaphore, #tpu.memory_space<semaphore_mem>> -> memref<1x!tpu.dma_semaphore, #tpu.memory_space<semaphore_mem>>
      %dma_wait3A_110 = tpu.memref_squeeze %dma_wait3A_109 : memref<1x!tpu.dma_semaphore, #tpu.memory_space<semaphore_mem>> -> memref<!tpu.dma_semaphore, #tpu.memory_space<semaphore_mem>>
      tpu.wait_indirect_dma semaphore(%dma_wait3A_110 : memref<!tpu.dma_semaphore, #tpu.memory_space<semaphore_mem>>) src(%dma_wait3A_108 : memref<10000x8xf32, #tpu.memory_space<vmem_shared>>) dst(%dma_wait3A_102 : memref<128x8xf32, #tpu.memory_space<vmem>>)
      %rem3A_111 = arith.constant 12 : i32
      %rem3A_112 = arith.remsi %add3A_88, %rem3A_111 : i32
      %add3A_113 = arith.addi %add3A_88, %sub3A_11 : i32
      %dma_start3A = arith.constant 0 : i32
      %dma_start3A_114 = arith.constant 0 : i32
      %dma_start3A_115 = tpu.memref_slice %arg11[%rem3A_112, %dma_start3A, %dma_start3A_114] : memref<12x128x8xf32, #tpu.memory_space<vmem>> -> memref<1x128x8xf32, #tpu.memory_space<vmem>>
      %dma_start3A_116 = tpu.memref_squeeze %dma_start3A_115 : memref<1x128x8xf32, #tpu.memory_space<vmem>> -> memref<128x8xf32, #tpu.memory_space<vmem>>
      %dma_start3A_117 = arith.constant 0 : i32
      %dma_start3A_118 = tpu.memref_slice %arg8[%add3A_113, %dma_start3A_117] : memref<97x128xi32, #tpu.memory_space<vmem>> -> memref<1x128xi32, #tpu.memory_space<vmem>>
      %dma_start3A_119 = tpu.memref_squeeze %dma_start3A_118 : memref<1x128xi32, #tpu.memory_space<vmem>> -> memref<128xi32, #tpu.memory_space<vmem>>
      %dma_start3A_120 = arith.constant 0 : i32
      %dma_start3A_121 = arith.constant 0 : i32
      %dma_start3A_122 = tpu.memref_slice %arg13[%dma_start3A_120, %dma_start3A_121] : memref<10112x8xf32, #tpu.memory_space<vmem_shared>> -> memref<10112x8xf32, #tpu.memory_space<vmem_shared>>
      %dma_start3A_123 = tpu.memref_slice %arg15[%rem3A_112] : memref<12x!tpu.dma_semaphore, #tpu.memory_space<semaphore_mem>> -> memref<1x!tpu.dma_semaphore, #tpu.memory_space<semaphore_mem>>
      %dma_start3A_124 = tpu.memref_squeeze %dma_start3A_123 : memref<1x!tpu.dma_semaphore, #tpu.memory_space<semaphore_mem>> -> memref<!tpu.dma_semaphore, #tpu.memory_space<semaphore_mem>>
      tpu.enqueue_indirect_dma source(%dma_start3A_116 : memref<128x8xf32, #tpu.memory_space<vmem>>) target(%dma_start3A_122 : memref<10112x8xf32, #tpu.memory_space<vmem_shared>>) offsets(%dma_start3A_119 : memref<128xi32, #tpu.memory_space<vmem>>) semaphore(%dma_start3A_124 : memref<!tpu.dma_semaphore, #tpu.memory_space<semaphore_mem>>) {add = true}
    }
    %while3A_59 = arith.constant 1 : i32
    scf.for %while3A_86 = %while3A_57 to %while3A_53 step %while3A_59  : i32 {
      %mul3A_87 = arith.muli %while3A_86, %while3A : i32
      %add3A_88 = arith.addi %while3A_50, %mul3A_87 : i32
      %ge3A = arith.constant 6 : i32
      %ge3A_89 = arith.cmpi sge, %add3A_88, %ge3A : i32
      %convert_element_type3A_90 = arith.extui %ge3A_89 : i1 to i32
      %cond3A_91 = arith.constant 0 : i32
      %cond3A_92 = arith.cmpi ne, %convert_element_type3A_90, %cond3A_91 : i32
      scf.if %cond3A_92 {
        %sub3A_125 = arith.constant 6 : i32
        %sub3A_126 = arith.subi %add3A_88, %sub3A_125 : i32
        %rem3A_127 = arith.constant 12 : i32
        %rem3A_128 = arith.remsi %sub3A_126, %rem3A_127 : i32
        %add3A_129 = arith.addi %sub3A_126, %sub3A_11 : i32
        %dma_wait3A_130 = arith.constant 0 : i32
        %dma_wait3A_131 = arith.constant 0 : i32
        %dma_wait3A_132 = tpu.memref_slice %arg11[%rem3A_128, %dma_wait3A_130, %dma_wait3A_131] : memref<12x128x8xf32, #tpu.memory_space<vmem>> -> memref<1x128x8xf32, #tpu.memory_space<vmem>>
        %dma_wait3A_133 = tpu.memref_squeeze %dma_wait3A_132 : memref<1x128x8xf32, #tpu.memory_space<vmem>> -> memref<128x8xf32, #tpu.memory_space<vmem>>
        %dma_wait3A_134 = arith.constant 0 : i32
        %dma_wait3A_135 = tpu.memref_slice %arg8[%add3A_129, %dma_wait3A_134] : memref<97x128xi32, #tpu.memory_space<vmem>> -> memref<1x128xi32, #tpu.memory_space<vmem>>
        %dma_wait3A_136 = tpu.memref_squeeze %dma_wait3A_135 : memref<1x128xi32, #tpu.memory_space<vmem>> -> memref<128xi32, #tpu.memory_space<vmem>>
        %dma_wait3A_137 = arith.constant 0 : i32
        %dma_wait3A_138 = arith.constant 0 : i32
        %dma_wait3A_139 = tpu.memref_slice %arg13[%dma_wait3A_137, %dma_wait3A_138] : memref<10112x8xf32, #tpu.memory_space<vmem_shared>> -> memref<10112x8xf32, #tpu.memory_space<vmem_shared>>
        %dma_wait3A_140 = tpu.memref_slice %arg15[%rem3A_128] : memref<12x!tpu.dma_semaphore, #tpu.memory_space<semaphore_mem>> -> memref<1x!tpu.dma_semaphore, #tpu.memory_space<semaphore_mem>>
        %dma_wait3A_141 = tpu.memref_squeeze %dma_wait3A_140 : memref<1x!tpu.dma_semaphore, #tpu.memory_space<semaphore_mem>> -> memref<!tpu.dma_semaphore, #tpu.memory_space<semaphore_mem>>
        tpu.wait_indirect_dma semaphore(%dma_wait3A_141 : memref<!tpu.dma_semaphore, #tpu.memory_space<semaphore_mem>>) src(%dma_wait3A_133 : memref<128x8xf32, #tpu.memory_space<vmem>>) dst(%dma_wait3A_139 : memref<10112x8xf32, #tpu.memory_space<vmem_shared>>)
      } else {
      }
      %add3A_93 = arith.constant 6 : i32
      %add3A_94 = arith.addi %add3A_88, %add3A_93 : i32
      %lt3A = arith.cmpi slt, %add3A_94, %max3A_8 : i32
      %convert_element_type3A_95 = arith.extui %lt3A : i1 to i32
      %cond3A_96 = arith.constant 0 : i32
      %cond3A_97 = arith.cmpi ne, %convert_element_type3A_95, %cond3A_96 : i32
      scf.if %cond3A_97 {
        %add3A_125 = arith.constant 6 : i32
        %add3A_126 = arith.addi %add3A_88, %add3A_125 : i32
        %rem3A_127 = arith.constant 12 : i32
        %rem3A_128 = arith.remsi %add3A_126, %rem3A_127 : i32
        %add3A_129 = arith.addi %add3A_126, %sub3A_11 : i32
        %dma_start3A_130 = arith.constant 0 : i32
        %dma_start3A_131 = arith.constant 0 : i32
        %dma_start3A_132 = tpu.memref_slice %arg11[%rem3A_128, %dma_start3A_130, %dma_start3A_131] : memref<12x128x8xf32, #tpu.memory_space<vmem>> -> memref<1x128x8xf32, #tpu.memory_space<vmem>>
        %dma_start3A_133 = tpu.memref_squeeze %dma_start3A_132 : memref<1x128x8xf32, #tpu.memory_space<vmem>> -> memref<128x8xf32, #tpu.memory_space<vmem>>
        %dma_start3A_134 = arith.constant 0 : i32
        %dma_start3A_135 = tpu.memref_slice %arg7[%add3A_129, %dma_start3A_134] : memref<97x128xi32, #tpu.memory_space<vmem>> -> memref<1x128xi32, #tpu.memory_space<vmem>>
        %dma_start3A_136 = tpu.memref_squeeze %dma_start3A_135 : memref<1x128xi32, #tpu.memory_space<vmem>> -> memref<128xi32, #tpu.memory_space<vmem>>
        %dma_start3A_137 = arith.constant 0 : i32
        %dma_start3A_138 = arith.constant 0 : i32
        %dma_start3A_139 = tpu.memref_slice %arg12[%dma_start3A_137, %dma_start3A_138] : memref<10000x8xf32, #tpu.memory_space<vmem_shared>> -> memref<10000x8xf32, #tpu.memory_space<vmem_shared>>
        %dma_start3A_140 = tpu.memref_slice %arg14[%rem3A_128] : memref<12x!tpu.dma_semaphore, #tpu.memory_space<semaphore_mem>> -> memref<1x!tpu.dma_semaphore, #tpu.memory_space<semaphore_mem>>
        %dma_start3A_141 = tpu.memref_squeeze %dma_start3A_140 : memref<1x!tpu.dma_semaphore, #tpu.memory_space<semaphore_mem>> -> memref<!tpu.dma_semaphore, #tpu.memory_space<semaphore_mem>>
        tpu.enqueue_indirect_dma source(%dma_start3A_139 : memref<10000x8xf32, #tpu.memory_space<vmem_shared>>) target(%dma_start3A_133 : memref<128x8xf32, #tpu.memory_space<vmem>>) offsets(%dma_start3A_136 : memref<128xi32, #tpu.memory_space<vmem>>) semaphore(%dma_start3A_141 : memref<!tpu.dma_semaphore, #tpu.memory_space<semaphore_mem>>)
      } else {
      }
      %rem3A = arith.constant 12 : i32
      %rem3A_98 = arith.remsi %add3A_88, %rem3A : i32
      %add3A_99 = arith.addi %add3A_88, %sub3A_11 : i32
      %dma_wait3A = arith.constant 0 : i32
      %dma_wait3A_100 = arith.constant 0 : i32
      %dma_wait3A_101 = tpu.memref_slice %arg11[%rem3A_98, %dma_wait3A, %dma_wait3A_100] : memref<12x128x8xf32, #tpu.memory_space<vmem>> -> memref<1x128x8xf32, #tpu.memory_space<vmem>>
      %dma_wait3A_102 = tpu.memref_squeeze %dma_wait3A_101 : memref<1x128x8xf32, #tpu.memory_space<vmem>> -> memref<128x8xf32, #tpu.memory_space<vmem>>
      %dma_wait3A_103 = arith.constant 0 : i32
      %dma_wait3A_104 = tpu.memref_slice %arg7[%add3A_99, %dma_wait3A_103] : memref<97x128xi32, #tpu.memory_space<vmem>> -> memref<1x128xi32, #tpu.memory_space<vmem>>
      %dma_wait3A_105 = tpu.memref_squeeze %dma_wait3A_104 : memref<1x128xi32, #tpu.memory_space<vmem>> -> memref<128xi32, #tpu.memory_space<vmem>>
      %dma_wait3A_106 = arith.constant 0 : i32
      %dma_wait3A_107 = arith.constant 0 : i32
      %dma_wait3A_108 = tpu.memref_slice %arg12[%dma_wait3A_106, %dma_wait3A_107] : memref<10000x8xf32, #tpu.memory_space<vmem_shared>> -> memref<10000x8xf32, #tpu.memory_space<vmem_shared>>
      %dma_wait3A_109 = tpu.memref_slice %arg14[%rem3A_98] : memref<12x!tpu.dma_semaphore, #tpu.memory_space<semaphore_mem>> -> memref<1x!tpu.dma_semaphore, #tpu.memory_space<semaphore_mem>>
      %dma_wait3A_110 = tpu.memref_squeeze %dma_wait3A_109 : memref<1x!tpu.dma_semaphore, #tpu.memory_space<semaphore_mem>> -> memref<!tpu.dma_semaphore, #tpu.memory_space<semaphore_mem>>
      tpu.wait_indirect_dma semaphore(%dma_wait3A_110 : memref<!tpu.dma_semaphore, #tpu.memory_space<semaphore_mem>>) src(%dma_wait3A_108 : memref<10000x8xf32, #tpu.memory_space<vmem_shared>>) dst(%dma_wait3A_102 : memref<128x8xf32, #tpu.memory_space<vmem>>)
      %rem3A_111 = arith.constant 12 : i32
      %rem3A_112 = arith.remsi %add3A_88, %rem3A_111 : i32
      %add3A_113 = arith.addi %add3A_88, %sub3A_11 : i32
      %dma_start3A = arith.constant 0 : i32
      %dma_start3A_114 = arith.constant 0 : i32
      %dma_start3A_115 = tpu.memref_slice %arg11[%rem3A_112, %dma_start3A, %dma_start3A_114] : memref<12x128x8xf32, #tpu.memory_space<vmem>> -> memref<1x128x8xf32, #tpu.memory_space<vmem>>
      %dma_start3A_116 = tpu.memref_squeeze %dma_start3A_115 : memref<1x128x8xf32, #tpu.memory_space<vmem>> -> memref<128x8xf32, #tpu.memory_space<vmem>>
      %dma_start3A_117 = arith.constant 0 : i32
      %dma_start3A_118 = tpu.memref_slice %arg8[%add3A_113, %dma_start3A_117] : memref<97x128xi32, #tpu.memory_space<vmem>> -> memref<1x128xi32, #tpu.memory_space<vmem>>
      %dma_start3A_119 = tpu.memref_squeeze %dma_start3A_118 : memref<1x128xi32, #tpu.memory_space<vmem>> -> memref<128xi32, #tpu.memory_space<vmem>>
      %dma_start3A_120 = arith.constant 0 : i32
      %dma_start3A_121 = arith.constant 0 : i32
      %dma_start3A_122 = tpu.memref_slice %arg13[%dma_start3A_120, %dma_start3A_121] : memref<10112x8xf32, #tpu.memory_space<vmem_shared>> -> memref<10112x8xf32, #tpu.memory_space<vmem_shared>>
      %dma_start3A_123 = tpu.memref_slice %arg15[%rem3A_112] : memref<12x!tpu.dma_semaphore, #tpu.memory_space<semaphore_mem>> -> memref<1x!tpu.dma_semaphore, #tpu.memory_space<semaphore_mem>>
      %dma_start3A_124 = tpu.memref_squeeze %dma_start3A_123 : memref<1x!tpu.dma_semaphore, #tpu.memory_space<semaphore_mem>> -> memref<!tpu.dma_semaphore, #tpu.memory_space<semaphore_mem>>
      tpu.enqueue_indirect_dma source(%dma_start3A_116 : memref<128x8xf32, #tpu.memory_space<vmem>>) target(%dma_start3A_122 : memref<10112x8xf32, #tpu.memory_space<vmem_shared>>) offsets(%dma_start3A_119 : memref<128xi32, #tpu.memory_space<vmem>>) semaphore(%dma_start3A_124 : memref<!tpu.dma_semaphore, #tpu.memory_space<semaphore_mem>>) {add = true}
    }
    %sub3A_60 = arith.constant 6 : i32
    %sub3A_61 = arith.subi %max3A_8, %sub3A_60 : i32
    %max3A_62 = arith.constant 0 : i32
    %max3A_63 = arith.maxsi %sub3A_61, %max3A_62 : i32
    %sub3A_64 = arith.subi %max3A_8, %max3A_63 : i32
    %sub3A_65 = arith.constant 1 : i32
    %sub3A_66 = arith.constant 1 : i32
    %sub3A_67 = arith.subi %sub3A_65, %sub3A_66 : i32
    %add3A_68 = arith.addi %sub3A_64, %sub3A_67 : i32
    %div3A_69 = arith.constant 1 : i32
    %div3A_70 = arith.divsi %add3A_68, %div3A_69 : i32
    %while3A_71 = arith.constant 1 : i32
    %while3A_72 = arith.constant 0 : i32
    %while3A_73 = arith.subi %div3A_70, %while3A_72 : i32
    %while3A_74 = arith.addi %while3A_72, %while3A_73 : i32
    %while3A_75 = arith.constant 1 : i32
    %while3A_76 = arith.divsi %while3A_73, %while3A_75 : i32
    %while3A_77 = arith.muli %while3A_76, %while3A_75 : i32
    %while3A_78 = arith.addi %while3A_72, %while3A_77 : i32
    %while3A_79 = arith.constant 1 : i32
    scf.for %while3A_86 = %while3A_72 to %while3A_78 step %while3A_79  : i32 {
      %mul3A_87 = arith.muli %while3A_86, %while3A_71 : i32
      %add3A_88 = arith.addi %max3A_63, %mul3A_87 : i32
      %rem3A = arith.constant 12 : i32
      %rem3A_89 = arith.remsi %add3A_88, %rem3A : i32
      %add3A_90 = arith.addi %add3A_88, %sub3A_11 : i32
      %dma_wait3A = arith.constant 0 : i32
      %dma_wait3A_91 = arith.constant 0 : i32
      %dma_wait3A_92 = tpu.memref_slice %arg11[%rem3A_89, %dma_wait3A, %dma_wait3A_91] : memref<12x128x8xf32, #tpu.memory_space<vmem>> -> memref<1x128x8xf32, #tpu.memory_space<vmem>>
      %dma_wait3A_93 = tpu.memref_squeeze %dma_wait3A_92 : memref<1x128x8xf32, #tpu.memory_space<vmem>> -> memref<128x8xf32, #tpu.memory_space<vmem>>
      %dma_wait3A_94 = arith.constant 0 : i32
      %dma_wait3A_95 = tpu.memref_slice %arg8[%add3A_90, %dma_wait3A_94] : memref<97x128xi32, #tpu.memory_space<vmem>> -> memref<1x128xi32, #tpu.memory_space<vmem>>
      %dma_wait3A_96 = tpu.memref_squeeze %dma_wait3A_95 : memref<1x128xi32, #tpu.memory_space<vmem>> -> memref<128xi32, #tpu.memory_space<vmem>>
      %dma_wait3A_97 = arith.constant 0 : i32
      %dma_wait3A_98 = arith.constant 0 : i32
      %dma_wait3A_99 = tpu.memref_slice %arg13[%dma_wait3A_97, %dma_wait3A_98] : memref<10112x8xf32, #tpu.memory_space<vmem_shared>> -> memref<10112x8xf32, #tpu.memory_space<vmem_shared>>
      %dma_wait3A_100 = tpu.memref_slice %arg15[%rem3A_89] : memref<12x!tpu.dma_semaphore, #tpu.memory_space<semaphore_mem>> -> memref<1x!tpu.dma_semaphore, #tpu.memory_space<semaphore_mem>>
      %dma_wait3A_101 = tpu.memref_squeeze %dma_wait3A_100 : memref<1x!tpu.dma_semaphore, #tpu.memory_space<semaphore_mem>> -> memref<!tpu.dma_semaphore, #tpu.memory_space<semaphore_mem>>
      tpu.wait_indirect_dma semaphore(%dma_wait3A_101 : memref<!tpu.dma_semaphore, #tpu.memory_space<semaphore_mem>>) src(%dma_wait3A_93 : memref<128x8xf32, #tpu.memory_space<vmem>>) dst(%dma_wait3A_99 : memref<10112x8xf32, #tpu.memory_space<vmem_shared>>)
    }
    %while3A_80 = arith.constant 1 : i32
    scf.for %while3A_86 = %while3A_78 to %while3A_74 step %while3A_80  : i32 {
      %mul3A_87 = arith.muli %while3A_86, %while3A_71 : i32
      %add3A_88 = arith.addi %max3A_63, %mul3A_87 : i32
      %rem3A = arith.constant 12 : i32
      %rem3A_89 = arith.remsi %add3A_88, %rem3A : i32
      %add3A_90 = arith.addi %add3A_88, %sub3A_11 : i32
      %dma_wait3A = arith.constant 0 : i32
      %dma_wait3A_91 = arith.constant 0 : i32
      %dma_wait3A_92 = tpu.memref_slice %arg11[%rem3A_89, %dma_wait3A, %dma_wait3A_91] : memref<12x128x8xf32, #tpu.memory_space<vmem>> -> memref<1x128x8xf32, #tpu.memory_space<vmem>>
      %dma_wait3A_93 = tpu.memref_squeeze %dma_wait3A_92 : memref<1x128x8xf32, #tpu.memory_space<vmem>> -> memref<128x8xf32, #tpu.memory_space<vmem>>
      %dma_wait3A_94 = arith.constant 0 : i32
      %dma_wait3A_95 = tpu.memref_slice %arg8[%add3A_90, %dma_wait3A_94] : memref<97x128xi32, #tpu.memory_space<vmem>> -> memref<1x128xi32, #tpu.memory_space<vmem>>
      %dma_wait3A_96 = tpu.memref_squeeze %dma_wait3A_95 : memref<1x128xi32, #tpu.memory_space<vmem>> -> memref<128xi32, #tpu.memory_space<vmem>>
      %dma_wait3A_97 = arith.constant 0 : i32
      %dma_wait3A_98 = arith.constant 0 : i32
      %dma_wait3A_99 = tpu.memref_slice %arg13[%dma_wait3A_97, %dma_wait3A_98] : memref<10112x8xf32, #tpu.memory_space<vmem_shared>> -> memref<10112x8xf32, #tpu.memory_space<vmem_shared>>
      %dma_wait3A_100 = tpu.memref_slice %arg15[%rem3A_89] : memref<12x!tpu.dma_semaphore, #tpu.memory_space<semaphore_mem>> -> memref<1x!tpu.dma_semaphore, #tpu.memory_space<semaphore_mem>>
      %dma_wait3A_101 = tpu.memref_squeeze %dma_wait3A_100 : memref<1x!tpu.dma_semaphore, #tpu.memory_space<semaphore_mem>> -> memref<!tpu.dma_semaphore, #tpu.memory_space<semaphore_mem>>
      tpu.wait_indirect_dma semaphore(%dma_wait3A_101 : memref<!tpu.dma_semaphore, #tpu.memory_space<semaphore_mem>>) src(%dma_wait3A_93 : memref<128x8xf32, #tpu.memory_space<vmem>>) dst(%dma_wait3A_99 : memref<10112x8xf32, #tpu.memory_space<vmem_shared>>)
    }
    %barrier3A_81 = arith.constant 0 : index
    tpu.barrier barrier_id(%barrier3A_81)
    %mul3A_82 = arith.constant 632 : i32
    %mul3A_83 = arith.muli %arg1, %mul3A_82 : i32
    "tpu.region"() ({
      %run_scoped3A = tpu.sem_alloc : memref<!tpu.dma_semaphore, #tpu.memory_space<semaphore_mem>>
      %dma_start3A = arith.constant 0 : i32
      %dma_start3A_86 = tpu.memref_slice %arg13[%mul3A_83, %dma_start3A] : memref<10112x8xf32, #tpu.memory_space<vmem_shared>> -> memref<632x8xf32, #tpu.memory_space<vmem_shared>>
      %dma_start3A_87 = arith.constant 0 : i32
      %dma_start3A_88 = tpu.memref_slice %arg13[%mul3A_83, %dma_start3A_87] : memref<10112x8xf32, #tpu.memory_space<vmem_shared>> -> memref<632x8xf32, #tpu.memory_space<vmem_shared>>
      tpu.enqueue_dma source(%dma_start3A_88 : memref<632x8xf32, #tpu.memory_space<vmem_shared>>) target(%arg9 : memref<632x8xf32, #tpu.memory_space<vmem>>) target_semaphore(%run_scoped3A : memref<!tpu.dma_semaphore, #tpu.memory_space<semaphore_mem>>)
      %dma_wait3A = arith.constant 0 : i32
      %dma_wait3A_89 = tpu.memref_slice %arg13[%mul3A_83, %dma_wait3A] : memref<10112x8xf32, #tpu.memory_space<vmem_shared>> -> memref<632x8xf32, #tpu.memory_space<vmem_shared>>
      %dma_wait3A_90 = arith.constant 0 : i32
      %dma_wait3A_91 = tpu.memref_slice %arg13[%mul3A_83, %dma_wait3A_90] : memref<10112x8xf32, #tpu.memory_space<vmem_shared>> -> memref<632x8xf32, #tpu.memory_space<vmem_shared>>
      tpu.wait_dma2 semaphore(%run_scoped3A : memref<!tpu.dma_semaphore, #tpu.memory_space<semaphore_mem>>) src(%dma_wait3A_91 : memref<632x8xf32, #tpu.memory_space<vmem_shared>>) dst(%arg9 : memref<632x8xf32, #tpu.memory_space<vmem>>)
      tpu.yield
    }) : () -> ()
    %mul3A_84 = arith.constant 632 : i32
    %mul3A_85 = arith.muli %arg1, %mul3A_84 : i32
    "tpu.region"() ({
      %run_scoped3A = tpu.sem_alloc : memref<!tpu.dma_semaphore, #tpu.memory_space<semaphore_mem>>
      %dma_start3A = arith.constant 0 : i32
      %dma_start3A_86 = tpu.memref_slice %arg6[%arg0, %mul3A_85, %dma_start3A] : memref<2x10112x8xf32, #tpu.memory_space<hbm>> -> memref<1x632x8xf32, #tpu.memory_space<hbm>>
      %dma_start3A_87 = tpu.memref_squeeze %dma_start3A_86 : memref<1x632x8xf32, #tpu.memory_space<hbm>> -> memref<632x8xf32, #tpu.memory_space<hbm>>
      %dma_start3A_88 = arith.constant 0 : i32
      %dma_start3A_89 = tpu.memref_slice %arg6[%arg0, %mul3A_85, %dma_start3A_88] : memref<2x10112x8xf32, #tpu.memory_space<hbm>> -> memref<1x632x8xf32, #tpu.memory_space<hbm>>
      %dma_start3A_90 = tpu.memref_squeeze %dma_start3A_89 : memref<1x632x8xf32, #tpu.memory_space<hbm>> -> memref<632x8xf32, #tpu.memory_space<hbm>>
      tpu.enqueue_dma source(%arg9 : memref<632x8xf32, #tpu.memory_space<vmem>>) target(%dma_start3A_90 : memref<632x8xf32, #tpu.memory_space<hbm>>) target_semaphore(%run_scoped3A : memref<!tpu.dma_semaphore, #tpu.memory_space<semaphore_mem>>)
      %dma_wait3A = arith.constant 0 : i32
      %dma_wait3A_91 = tpu.memref_slice %arg6[%arg0, %mul3A_85, %dma_wait3A] : memref<2x10112x8xf32, #tpu.memory_space<hbm>> -> memref<1x632x8xf32, #tpu.memory_space<hbm>>
      %dma_wait3A_92 = tpu.memref_squeeze %dma_wait3A_91 : memref<1x632x8xf32, #tpu.memory_space<hbm>> -> memref<632x8xf32, #tpu.memory_space<hbm>>
      %dma_wait3A_93 = arith.constant 0 : i32
      %dma_wait3A_94 = tpu.memref_slice %arg6[%arg0, %mul3A_85, %dma_wait3A_93] : memref<2x10112x8xf32, #tpu.memory_space<hbm>> -> memref<1x632x8xf32, #tpu.memory_space<hbm>>
      %dma_wait3A_95 = tpu.memref_squeeze %dma_wait3A_94 : memref<1x632x8xf32, #tpu.memory_space<hbm>> -> memref<632x8xf32, #tpu.memory_space<hbm>>
      tpu.wait_dma2 semaphore(%run_scoped3A : memref<!tpu.dma_semaphore, #tpu.memory_space<semaphore_mem>>) src(%arg9 : memref<632x8xf32, #tpu.memory_space<vmem>>) dst(%dma_wait3A_95 : memref<632x8xf32, #tpu.memory_space<hbm>>)
      tpu.yield
    }) : () -> ()
    return
  }
}

module attributes {stable_mosaic.version = 14 : i64} {
  func.func @_tc1_body(%arg0: i32, %arg1: memref<2528x128xf32, #tpu.memory_space<vmem>>, %arg2: memref<2x2528x8xf32, #tpu.memory_space<vmem>>, %arg3: memref<128x20xf32, #tpu.memory_space<vmem>>, %arg4: memref<2528x24xf32, #tpu.memory_space<vmem>>) attributes {dimension_semantics = [#tpu.dimension_semantics<arbitrary>], iteration_bounds = array<i64: 4>, scalar_prefetch = 0 : i64, scratch_operands = 0 : i64, tpu.core_type = #tpu.core_type<tc>, window_params = [{transform_indices = @transform_0, window_bounds = array<i64: 2528, 128>}, {transform_indices = @transform_1, window_bounds = array<i64: 2, 2528, 8>}, {pipeline_mode = #tpu.pipeline_mode<synchronous>, transform_indices = @transform_2, window_bounds = array<i64: 128, 20>}, {transform_indices = @transform_3, window_bounds = array<i64: 2528, 24>}]} {
    %get3A = arith.constant 0 : index
    %get3A_0 = arith.constant 0 : index
    %get3A_1 = vector.load %arg1[%get3A, %get3A_0] : memref<2528x128xf32, #tpu.memory_space<vmem>>, vector<2528x128xf32>
    %get3A_2 = arith.constant 0 : index
    %get3A_3 = arith.constant 0 : index
    %get3A_4 = vector.load %arg3[%get3A_2, %get3A_3] : memref<128x20xf32, #tpu.memory_space<vmem>>, vector<128x20xf32>
    %dot_general3A = arith.constant dense<0.000000e+00> : vector<2528x20xf32>
    %dot_general3A_5 = tpu.matmul %get3A_1, %get3A_4, %dot_general3A {dimension_numbers = #tpu.dot_dimension_numbers<[1], [0], [0], [1], [0, 0, 1, 1], [], []>, transpose_lhs_hint = false} : vector<2528x128xf32>, vector<128x20xf32>, vector<2528x20xf32> -> vector<2528x20xf32>
    %get3A_6 = arith.constant 0 : index
    %get3A_7 = arith.constant 0 : index
    %get3A_8 = arith.constant 0 : index
    %get3A_9 = vector.load %arg2[%get3A_6, %get3A_7, %get3A_8] : memref<2x2528x8xf32, #tpu.memory_space<vmem>>, vector<1x2528x8xf32>
    %get3A_10 = vector.shape_cast %get3A_9 : vector<1x2528x8xf32> to vector<2528x8xf32>
    %slice3A = vector.extract_strided_slice %get3A_10 {offsets = [0, 0], sizes = [2528, 1], strides = [1, 1]} : vector<2528x8xf32> to vector<2528x1xf32>
    %get3A_11 = arith.constant 1 : index
    %get3A_12 = arith.constant 0 : index
    %get3A_13 = arith.constant 0 : index
    %get3A_14 = vector.load %arg2[%get3A_11, %get3A_12, %get3A_13] : memref<2x2528x8xf32, #tpu.memory_space<vmem>>, vector<1x2528x8xf32>
    %get3A_15 = vector.shape_cast %get3A_14 : vector<1x2528x8xf32> to vector<2528x8xf32>
    %slice3A_16 = vector.extract_strided_slice %get3A_15 {offsets = [0, 0], sizes = [2528, 1], strides = [1, 1]} : vector<2528x8xf32> to vector<2528x1xf32>
    %add3A = arith.addf %slice3A, %slice3A_16 : vector<2528x1xf32>
    %add3A_17 = arith.constant 1.000000e+00 : f32
    %add3A_18 = vector.broadcast %add3A_17 : f32 to vector<2528x1xf32>
    %add3A_19 = arith.addf %add3A, %add3A_18 : vector<2528x1xf32>
    %rsqrt3A = math.rsqrt %add3A_19 : vector<2528x1xf32>
    %mul3A = vector.broadcast %rsqrt3A : vector<2528x1xf32> to vector<2528x20xf32>
    %mul3A_20 = arith.mulf %dot_general3A_5, %mul3A : vector<2528x20xf32>
    %broadcast_in_dim3A = arith.constant 0.000000e+00 : f32
    %broadcast_in_dim3A_21 = vector.broadcast %broadcast_in_dim3A : f32 to vector<2528x4xf32>
    %concatenate3A = tpu.concatenate %mul3A_20, %broadcast_in_dim3A_21 in 1 : vector<2528x20xf32>, vector<2528x4xf32> -> vector<2528x24xf32>
    %swap3A = arith.constant 0 : index
    %swap3A_22 = arith.constant 0 : index
    %swap3A_23 = vector.load %arg4[%swap3A, %swap3A_22] : memref<2528x24xf32, #tpu.memory_space<vmem>>, vector<2528x24xf32>
    tpu.vector_store %arg4[%swap3A, %swap3A_22], %concatenate3A {strides = array<i32>} : memref<2528x24xf32, #tpu.memory_space<vmem>>, vector<2528x24xf32>,
    return
  }
  func.func @transform_0(%arg0: i32) -> (i32, i32) {
    %c0_i32 = arith.constant 0 : i32
    %c0_i32_0 = arith.constant 0 : i32
    return %arg0, %c0_i32 : i32, i32
  }
  func.func @transform_1(%arg0: i32) -> (i32, i32, i32) {
    %c0_i32 = arith.constant 0 : i32
    %c0_i32_0 = arith.constant 0 : i32
    %c0_i32_1 = arith.constant 0 : i32
    return %c0_i32, %arg0, %c0_i32_0 : i32, i32, i32
  }
  func.func @transform_2(%arg0: i32) -> (i32, i32) {
    %c0_i32 = arith.constant 0 : i32
    %c0_i32_0 = arith.constant 0 : i32
    %c0_i32_1 = arith.constant 0 : i32
    return %c0_i32, %c0_i32_0 : i32, i32
  }
  func.func @transform_3(%arg0: i32) -> (i32, i32) {
    %c0_i32 = arith.constant 0 : i32
    %c0_i32_0 = arith.constant 0 : i32
    return %arg0, %c0_i32 : i32, i32
  }
}

module attributes {stable_mosaic.version = 14 : i64} {
  func.func @_tc2_body(%arg0: i32, %arg1: memref<2x2528x24xf32, #tpu.memory_space<vmem>>, %arg2: memref<2528x24xf32, #tpu.memory_space<vmem>>, %arg3: memref<2x2528x8xf32, #tpu.memory_space<vmem>>, %arg4: memref<1x20xf32, #tpu.memory_space<vmem>>, %arg5: memref<20x7xf32, #tpu.memory_space<vmem>>, %arg6: memref<2528x8xf32, #tpu.memory_space<vmem>>) attributes {dimension_semantics = [#tpu.dimension_semantics<arbitrary>], iteration_bounds = array<i64: 4>, scalar_prefetch = 0 : i64, scratch_operands = 0 : i64, tpu.core_type = #tpu.core_type<tc>, window_params = [{transform_indices = @transform_0, window_bounds = array<i64: 2, 2528, 24>}, {transform_indices = @transform_1, window_bounds = array<i64: 2528, 24>}, {transform_indices = @transform_2, window_bounds = array<i64: 2, 2528, 8>}, {pipeline_mode = #tpu.pipeline_mode<synchronous>, transform_indices = @transform_3, window_bounds = array<i64: 1, 20>}, {pipeline_mode = #tpu.pipeline_mode<synchronous>, transform_indices = @transform_4, window_bounds = array<i64: 20, 7>}, {transform_indices = @transform_5, window_bounds = array<i64: 2528, 8>}]} {
    %get3A = arith.constant 0 : index
    %get3A_0 = arith.constant 0 : index
    %get3A_1 = arith.constant 0 : index
    %get3A_2 = vector.load %arg3[%get3A, %get3A_0, %get3A_1] : memref<2x2528x8xf32, #tpu.memory_space<vmem>>, vector<1x2528x8xf32>
    %get3A_3 = vector.shape_cast %get3A_2 : vector<1x2528x8xf32> to vector<2528x8xf32>
    %slice3A = vector.extract_strided_slice %get3A_3 {offsets = [0, 0], sizes = [2528, 1], strides = [1, 1]} : vector<2528x8xf32> to vector<2528x1xf32>
    %get3A_4 = arith.constant 1 : index
    %get3A_5 = arith.constant 0 : index
    %get3A_6 = arith.constant 0 : index
    %get3A_7 = vector.load %arg3[%get3A_4, %get3A_5, %get3A_6] : memref<2x2528x8xf32, #tpu.memory_space<vmem>>, vector<1x2528x8xf32>
    %get3A_8 = vector.shape_cast %get3A_7 : vector<1x2528x8xf32> to vector<2528x8xf32>
    %slice3A_9 = vector.extract_strided_slice %get3A_8 {offsets = [0, 0], sizes = [2528, 1], strides = [1, 1]} : vector<2528x8xf32> to vector<2528x1xf32>
    %add3A = arith.addf %slice3A, %slice3A_9 : vector<2528x1xf32>
    %add3A_10 = arith.constant 1.000000e+00 : f32
    %add3A_11 = vector.broadcast %add3A_10 : f32 to vector<2528x1xf32>
    %add3A_12 = arith.addf %add3A, %add3A_11 : vector<2528x1xf32>
    %rsqrt3A = math.rsqrt %add3A_12 : vector<2528x1xf32>
    %get3A_13 = arith.constant 0 : index
    %get3A_14 = arith.constant 0 : index
    %get3A_15 = arith.constant 0 : index
    %get3A_16 = vector.load %arg1[%get3A_13, %get3A_14, %get3A_15] : memref<2x2528x24xf32, #tpu.memory_space<vmem>>, vector<1x2528x24xf32>
    %get3A_17 = vector.shape_cast %get3A_16 : vector<1x2528x24xf32> to vector<2528x24xf32>
    %get3A_18 = arith.constant 1 : index
    %get3A_19 = arith.constant 0 : index
    %get3A_20 = arith.constant 0 : index
    %get3A_21 = vector.load %arg1[%get3A_18, %get3A_19, %get3A_20] : memref<2x2528x24xf32, #tpu.memory_space<vmem>>, vector<1x2528x24xf32>
    %get3A_22 = vector.shape_cast %get3A_21 : vector<1x2528x24xf32> to vector<2528x24xf32>
    %add3A_23 = arith.addf %get3A_17, %get3A_22 : vector<2528x24xf32>
    %get3A_24 = arith.constant 0 : index
    %get3A_25 = arith.constant 0 : index
    %get3A_26 = vector.load %arg2[%get3A_24, %get3A_25] : memref<2528x24xf32, #tpu.memory_space<vmem>>, vector<2528x24xf32>
    %add3A_27 = arith.addf %add3A_23, %get3A_26 : vector<2528x24xf32>
    %slice3A_28 = vector.extract_strided_slice %add3A_27 {offsets = [0, 0], sizes = [2528, 20], strides = [1, 1]} : vector<2528x24xf32> to vector<2528x20xf32>
    %mul3A = vector.broadcast %rsqrt3A : vector<2528x1xf32> to vector<2528x20xf32>
    %mul3A_29 = arith.mulf %mul3A, %slice3A_28 : vector<2528x20xf32>
    %get3A_30 = arith.constant 0 : index
    %get3A_31 = arith.constant 0 : index
    %get3A_32 = vector.load %arg4[%get3A_30, %get3A_31] : memref<1x20xf32, #tpu.memory_space<vmem>>, vector<1x20xf32>
    %add3A_33 = vector.broadcast %get3A_32 : vector<1x20xf32> to vector<2528x20xf32>
    %add3A_34 = arith.addf %mul3A_29, %add3A_33 : vector<2528x20xf32>
    %max3A = arith.constant 0.000000e+00 : f32
    %max3A_35 = vector.broadcast %max3A : f32 to vector<2528x20xf32>
    %max3A_36 = arith.maximumf %add3A_34, %max3A_35 : vector<2528x20xf32>
    %get3A_37 = arith.constant 0 : index
    %get3A_38 = arith.constant 0 : index
    %get3A_39 = vector.load %arg5[%get3A_37, %get3A_38] : memref<20x7xf32, #tpu.memory_space<vmem>>, vector<20x7xf32>
    %dot_general3A = arith.constant dense<0.000000e+00> : vector<2528x7xf32>
    %dot_general3A_40 = tpu.matmul %max3A_36, %get3A_39, %dot_general3A {dimension_numbers = #tpu.dot_dimension_numbers<[1], [0], [0], [1], [0, 0, 1, 1], [], []>, transpose_lhs_hint = false} : vector<2528x20xf32>, vector<20x7xf32>, vector<2528x7xf32> -> vector<2528x7xf32>
    %mul3A_41 = vector.broadcast %rsqrt3A : vector<2528x1xf32> to vector<2528x7xf32>
    %mul3A_42 = arith.mulf %dot_general3A_40, %mul3A_41 : vector<2528x7xf32>
    %broadcast_in_dim3A = arith.constant 0.000000e+00 : f32
    %broadcast_in_dim3A_43 = vector.broadcast %broadcast_in_dim3A : f32 to vector<2528x1xf32>
    %concatenate3A = tpu.concatenate %mul3A_42, %broadcast_in_dim3A_43 in 1 : vector<2528x7xf32>, vector<2528x1xf32> -> vector<2528x8xf32>
    %swap3A = arith.constant 0 : index
    %swap3A_44 = arith.constant 0 : index
    %swap3A_45 = vector.load %arg6[%swap3A, %swap3A_44] : memref<2528x8xf32, #tpu.memory_space<vmem>>, vector<2528x8xf32>
    tpu.vector_store %arg6[%swap3A, %swap3A_44], %concatenate3A {strides = array<i32>} : memref<2528x8xf32, #tpu.memory_space<vmem>>, vector<2528x8xf32>,
    return
  }
  func.func @transform_0(%arg0: i32) -> (i32, i32, i32) {
    %c0_i32 = arith.constant 0 : i32
    %c0_i32_0 = arith.constant 0 : i32
    %c0_i32_1 = arith.constant 0 : i32
    return %c0_i32, %arg0, %c0_i32_0 : i32, i32, i32
  }
  func.func @transform_1(%arg0: i32) -> (i32, i32) {
    %c0_i32 = arith.constant 0 : i32
    %c0_i32_0 = arith.constant 0 : i32
    return %arg0, %c0_i32 : i32, i32
  }
  func.func @transform_2(%arg0: i32) -> (i32, i32, i32) {
    %c0_i32 = arith.constant 0 : i32
    %c0_i32_0 = arith.constant 0 : i32
    %c0_i32_1 = arith.constant 0 : i32
    return %c0_i32, %arg0, %c0_i32_0 : i32, i32, i32
  }
  func.func @transform_3(%arg0: i32) -> (i32, i32) {
    %c0_i32 = arith.constant 0 : i32
    %c0_i32_0 = arith.constant 0 : i32
    %c0_i32_1 = arith.constant 0 : i32
    return %c0_i32, %c0_i32_0 : i32, i32
  }
  func.func @transform_4(%arg0: i32) -> (i32, i32) {
    %c0_i32 = arith.constant 0 : i32
    %c0_i32_0 = arith.constant 0 : i32
    %c0_i32_1 = arith.constant 0 : i32
    return %c0_i32, %c0_i32_0 : i32, i32
  }
  func.func @transform_5(%arg0: i32) -> (i32, i32) {
    %c0_i32 = arith.constant 0 : i32
    %c0_i32_0 = arith.constant 0 : i32
    return %arg0, %c0_i32 : i32, i32
  }
}

module attributes {stable_mosaic.version = 14 : i64} {
  func.func @_tc3_body(%arg0: i32, %arg1: memref<2x2528x8xf32, #tpu.memory_space<vmem>>, %arg2: memref<2528x8xf32, #tpu.memory_space<vmem>>, %arg3: memref<2x2528x8xf32, #tpu.memory_space<vmem>>, %arg4: memref<1x7xf32, #tpu.memory_space<vmem>>, %arg5: memref<2528x7xf32, #tpu.memory_space<vmem>>) attributes {dimension_semantics = [#tpu.dimension_semantics<arbitrary>], iteration_bounds = array<i64: 4>, scalar_prefetch = 0 : i64, scratch_operands = 0 : i64, tpu.core_type = #tpu.core_type<tc>, window_params = [{transform_indices = @transform_0, window_bounds = array<i64: 2, 2528, 8>}, {transform_indices = @transform_1, window_bounds = array<i64: 2528, 8>}, {transform_indices = @transform_2, window_bounds = array<i64: 2, 2528, 8>}, {pipeline_mode = #tpu.pipeline_mode<synchronous>, transform_indices = @transform_3, window_bounds = array<i64: 1, 7>}, {transform_indices = @transform_4, window_bounds = array<i64: 2528, 7>}]} {
    %get3A = arith.constant 0 : index
    %get3A_0 = arith.constant 0 : index
    %get3A_1 = arith.constant 0 : index
    %get3A_2 = vector.load %arg3[%get3A, %get3A_0, %get3A_1] : memref<2x2528x8xf32, #tpu.memory_space<vmem>>, vector<1x2528x8xf32>
    %get3A_3 = vector.shape_cast %get3A_2 : vector<1x2528x8xf32> to vector<2528x8xf32>
    %slice3A = vector.extract_strided_slice %get3A_3 {offsets = [0, 0], sizes = [2528, 1], strides = [1, 1]} : vector<2528x8xf32> to vector<2528x1xf32>
    %get3A_4 = arith.constant 1 : index
    %get3A_5 = arith.constant 0 : index
    %get3A_6 = arith.constant 0 : index
    %get3A_7 = vector.load %arg3[%get3A_4, %get3A_5, %get3A_6] : memref<2x2528x8xf32, #tpu.memory_space<vmem>>, vector<1x2528x8xf32>
    %get3A_8 = vector.shape_cast %get3A_7 : vector<1x2528x8xf32> to vector<2528x8xf32>
    %slice3A_9 = vector.extract_strided_slice %get3A_8 {offsets = [0, 0], sizes = [2528, 1], strides = [1, 1]} : vector<2528x8xf32> to vector<2528x1xf32>
    %add3A = arith.addf %slice3A, %slice3A_9 : vector<2528x1xf32>
    %add3A_10 = arith.constant 1.000000e+00 : f32
    %add3A_11 = vector.broadcast %add3A_10 : f32 to vector<2528x1xf32>
    %add3A_12 = arith.addf %add3A, %add3A_11 : vector<2528x1xf32>
    %rsqrt3A = math.rsqrt %add3A_12 : vector<2528x1xf32>
    %get3A_13 = arith.constant 0 : index
    %get3A_14 = arith.constant 0 : index
    %get3A_15 = arith.constant 0 : index
    %get3A_16 = vector.load %arg1[%get3A_13, %get3A_14, %get3A_15] : memref<2x2528x8xf32, #tpu.memory_space<vmem>>, vector<1x2528x8xf32>
    %get3A_17 = vector.shape_cast %get3A_16 : vector<1x2528x8xf32> to vector<2528x8xf32>
    %get3A_18 = arith.constant 1 : index
    %get3A_19 = arith.constant 0 : index
    %get3A_20 = arith.constant 0 : index
    %get3A_21 = vector.load %arg1[%get3A_18, %get3A_19, %get3A_20] : memref<2x2528x8xf32, #tpu.memory_space<vmem>>, vector<1x2528x8xf32>
    %get3A_22 = vector.shape_cast %get3A_21 : vector<1x2528x8xf32> to vector<2528x8xf32>
    %add3A_23 = arith.addf %get3A_17, %get3A_22 : vector<2528x8xf32>
    %get3A_24 = arith.constant 0 : index
    %get3A_25 = arith.constant 0 : index
    %get3A_26 = vector.load %arg2[%get3A_24, %get3A_25] : memref<2528x8xf32, #tpu.memory_space<vmem>>, vector<2528x8xf32>
    %add3A_27 = arith.addf %add3A_23, %get3A_26 : vector<2528x8xf32>
    %slice3A_28 = vector.extract_strided_slice %add3A_27 {offsets = [0, 0], sizes = [2528, 7], strides = [1, 1]} : vector<2528x8xf32> to vector<2528x7xf32>
    %mul3A = vector.broadcast %rsqrt3A : vector<2528x1xf32> to vector<2528x7xf32>
    %mul3A_29 = arith.mulf %mul3A, %slice3A_28 : vector<2528x7xf32>
    %get3A_30 = arith.constant 0 : index
    %get3A_31 = arith.constant 0 : index
    %get3A_32 = vector.load %arg4[%get3A_30, %get3A_31] : memref<1x7xf32, #tpu.memory_space<vmem>>, vector<1x7xf32>
    %add3A_33 = vector.broadcast %get3A_32 : vector<1x7xf32> to vector<2528x7xf32>
    %add3A_34 = arith.addf %mul3A_29, %add3A_33 : vector<2528x7xf32>
    %reduce_max3A = arith.constant dense<0xFF800000> : vector<2528xf32>
    %reduce_max3A_35 = vector.multi_reduction <maximumf>, %add3A_34, %reduce_max3A [1] : vector<2528x7xf32> to vector<2528xf32>
    %broadcast_in_dim3A = vector.shape_cast %reduce_max3A_35 : vector<2528xf32> to vector<2528x1xf32>
    %sub3A = vector.broadcast %broadcast_in_dim3A : vector<2528x1xf32> to vector<2528x7xf32>
    %sub3A_36 = arith.subf %add3A_34, %sub3A : vector<2528x7xf32>
    %exp3A = math.exp %sub3A_36 : vector<2528x7xf32>
    %reduce_sum3A = arith.constant dense<0.000000e+00> : vector<2528xf32>
    %reduce_sum3A_37 = vector.multi_reduction <add>, %exp3A, %reduce_sum3A [1] : vector<2528x7xf32> to vector<2528xf32>
    %broadcast_in_dim3A_38 = vector.shape_cast %reduce_sum3A_37 : vector<2528xf32> to vector<2528x1xf32>
    %log3A = math.log %broadcast_in_dim3A_38 : vector<2528x1xf32>
    %add3A_39 = arith.addf %log3A, %broadcast_in_dim3A : vector<2528x1xf32>
    %sub3A_40 = vector.broadcast %add3A_39 : vector<2528x1xf32> to vector<2528x7xf32>
    %sub3A_41 = arith.subf %add3A_34, %sub3A_40 : vector<2528x7xf32>
    %swap3A = arith.constant 0 : index
    %swap3A_42 = arith.constant 0 : index
    %swap3A_43 = vector.load %arg5[%swap3A, %swap3A_42] : memref<2528x7xf32, #tpu.memory_space<vmem>>, vector<2528x7xf32>
    tpu.vector_store %arg5[%swap3A, %swap3A_42], %sub3A_41 {strides = array<i32>} : memref<2528x7xf32, #tpu.memory_space<vmem>>, vector<2528x7xf32>,
    return
  }
  func.func @transform_0(%arg0: i32) -> (i32, i32, i32) {
    %c0_i32 = arith.constant 0 : i32
    %c0_i32_0 = arith.constant 0 : i32
    %c0_i32_1 = arith.constant 0 : i32
    return %c0_i32, %arg0, %c0_i32_0 : i32, i32, i32
  }
  func.func @transform_1(%arg0: i32) -> (i32, i32) {
    %c0_i32 = arith.constant 0 : i32
    %c0_i32_0 = arith.constant 0 : i32
    return %arg0, %c0_i32 : i32, i32
  }
  func.func @transform_2(%arg0: i32) -> (i32, i32, i32) {
    %c0_i32 = arith.constant 0 : i32
    %c0_i32_0 = arith.constant 0 : i32
    %c0_i32_1 = arith.constant 0 : i32
    return %c0_i32, %arg0, %c0_i32_0 : i32, i32, i32
  }
  func.func @transform_3(%arg0: i32) -> (i32, i32) {
    %c0_i32 = arith.constant 0 : i32
    %c0_i32_0 = arith.constant 0 : i32
    %c0_i32_1 = arith.constant 0 : i32
    return %c0_i32, %c0_i32_0 : i32, i32
  }
  func.func @transform_4(%arg0: i32) -> (i32, i32) {
    %c0_i32 = arith.constant 0 : i32
    %c0_i32_0 = arith.constant 0 : i32
    return %arg0, %c0_i32 : i32, i32
  }
}

</mosaic_0001>

<sc_bundles>
// kernel: kernel.11.cloned.1.call-start
scs
__scs_entry_jumppad:
0x0: {  	(pc) =	sbr.rel $0x88, $3  }
0x1: {  	(tag) =	ssettag $0x0;
	lr =	simm.s32 $0x1  }
0x2: {  	[smem:$0x3F9B] =	sst lr;
	_ =	strace $0xD0000000  }
0x3: {  	_ = 	snop  }
0x4: {  	_ = 	snop  }
0x5: {  	_ = 	snop  }
0x6: {  	_ = 	snop  }
0x7: {  	_ = 	snop  }
__scs_overlays_trampoline_lowered:
0x8: {  	[smem:$0x3FAA] =	sst s0  }
0x9: {  	[smem:$0x3FAB] =	sst s1  }
0xa: {  	[smem:$0x3FAC] =	sst s2  }
0xb: {  	[smem:$0x3FAD] =	sst s3  }
0xc: {  	[smem:$0x3FAE] =	sst s4  }
0xd: {  	[smem:$0x3FAF] =	sst s5  }
0xe: {  	[smem:$0x3FB0] =	sst s6  }
0xf: {  	[smem:$0x3FB1] =	sst s7  }
0x10: {  	[smem:$0x3FB2] =	sst s8  }
0x11: {  	[smem:$0x3FB3] =	sst s9;
	s0 =	simm.s32 @!p0 $0x0  }
0x12: {  	s1 =	sld [smem:$0x3F99];
	s0 =	simm.s32 @p0 $0x1  }
0x13: {  	[smem:$0x3FB4] =	sst s0;
	s0 =	simm.s32 @!p1 $0x0  }
0x14: {  	s2 =	sld [smem:$0x3F98];
	s0 =	simm.s32 @p1 $0x1  }
0x15: {  	[smem:$0x3FB5] =	sst s0;
	s0 =	simm.s32 @!p2 $0x0  }
0x16: {  	s3 =	sld [smem:$0x3FDB];
	s0 =	simm.s32 @p2 $0x1  }
0x17: {  	s4 =	simm.s32 $0x1BF5;
	[smem:$0x3FB7] =	sst s0  }
0x18: {  	s0 =	sld [smem:$0x3F9A];
	_ =	swait.ge [sflag:s4], $0x0  }
0x19: {  	s7 =	sld [smem:$0x3F9B]  }
0x1a: {  	s8 =	sadd.s32 $0xFFFFE003, lr  }
0x1b: {  	s9 =	sadd.s32 $0xFFFFFEF7, lr;
	s5 =	simm.s32 $0xFFFFFFFF;
	p2 =	slt.u32 s8, $0xFFFFF086  }
0x1c: {  	p1 =	slt.u32 s9, $0xF7A;
	s5 =	simm.s32 @!p2 $0x0  }
0x1d: {  	s5 =	simm.s32 @p1 $0x1;
	p0 =	seq.s32 s7, s2  }
0x1e: {  	s7 =	smul.u32 @!p0 $0xF7A, s2;
	p2 =	seq.s32 @!p0 s5, $0x0  }
0x1f: {  	s9 =	smul.u32 $0xF7A, s1;
	s8 =	simm.s32 @!p0 $0x1BF5;
	p2 =	por !p2, p0  }
0x20: {  	[sflag:s8] =	ssyncset.s32 @!p0 $0xFFFFF086;
	s6 =	sadd.s32 @!p0 s3, s7;
	s7 =	simm.s32 @!p0 $0x108  }
0x21: {  	s3 =	sadd.s32 s3, s9;
	s6 =	sadd.s32 @!p0 $0x88, s6;
	s7 =	simm.s32 @p2 $0x1082  }
0x22: {  	[simem:s7], [sflag:s8] =	dma.local @!p0 [hbm:s6], $0xF7A  }
0x23: {  	s9 =	sor.u32 $0xD0000000, s2;
	s6 =	simm.s32 $0x108;
	_ =	swait.ge @!p0 [sflag:s8], $0x0  }
0x24: {  	s3 =	sadd.s32 $0x88, s3;
	s6 =	simm.s32 @!p1 $0x1082;
	[sflag:s4] =	ssyncset.s32 $0xFFFFF086  }
0x25: {  	[simem:s6], [sflag:s4] =	dma.local [hbm:s3], $0xF7A  }
0x26: {  	[smem:$0x3F9B] =	sst s1;
	(tag) =	ssettag s2;
	_ =	strace s9  }
0x27: {  	s1 =	sld [smem:$0x3FAB]  }
0x28: {  	s2 =	sld [smem:$0x3FAC]  }
0x29: {  	s4 =	sld [smem:$0x3FAE]  }
0x2a: {  	p0 =	seq.s32 s5, $0x0;
	s5 =	sld [smem:$0x3FAF]  }
0x2b: {  	s6 =	sld [smem:$0x3FB0]  }
0x2c: {  	s7 =	sld [smem:$0x3FB1]  }
0x2d: {  	s3 =	simm.s32 $0x108;
	s8 =	sld [smem:$0x3FB2]  }
0x2e: {  	s3 =	simm.s32 @!p0 $0x1082;
	s9 =	sld [smem:$0x3FB3]  }
0x2f: {  	lr =	sadd.s32 s0, s3;
	s0 =	sld [smem:$0x3FAA]  }
0x30: {  	s3 =	sld [smem:$0x3FAD]  }
0x31: {  	[smem:$0x3FB6] =	sst s10  }
0x32: {  	s10 =	sld [smem:$0x3FB4];
	_ =	sdelay $0x3  }
0x33: {  	p0 =	seq.s32 s10, $0x1;
	s10 =	sld [smem:$0x3FB6];
	_ =	sdelay $0x3  }
0x34: {  	[smem:$0x3FB6] =	sst s10  }
0x35: {  	s10 =	sld [smem:$0x3FB5];
	_ =	sdelay $0x3  }
0x36: {  	p1 =	seq.s32 s10, $0x1;
	s10 =	sld [smem:$0x3FB6];
	_ =	sdelay $0x3  }
0x37: {  	[smem:$0x3FB6] =	sst s10  }
0x38: {  	s10 =	sld [smem:$0x3FB7]  }
0x39: {  	_ = 	snop;
	(pc) =	sbr.ind lr, $3  }
0x3a: {  	_ = 	snop  }
0x3b: {  	_ = 	snop  }
0x3c: {  	p2 =	seq.s32 s10, $0x1;
	s10 =	sld [smem:$0x3FB6]  }
0x3d: {  	_ =	shalt  }
0x3e: {  	_ =	shalt  }
0x3f: {  	_ =	shalt  }
0x40: {  	_ =	shalt  }
0x41: {  	_ =	shalt  }
0x42: {  	_ =	shalt  }
0x43: {  	_ =	shalt  }
0x44: {  	_ =	shalt  }
0x45: {  	_ =	shalt  }
0x46: {  	_ =	shalt  }
0x47: {  	_ =	shalt  }
0x48: {  	_ =	shalt  }
0x49: {  	_ =	shalt  }
0x4a: {  	_ =	shalt  }
0x4b: {  	_ =	shalt  }
0x4c: {  	_ =	shalt  }
0x4d: {  	_ =	shalt  }
0x4e: {  	_ =	shalt  }
0x4f: {  	_ =	shalt  }
0x50: {  	_ =	shalt  }
0x51: {  	_ =	shalt  }
0x52: {  	_ =	shalt  }
0x53: {  	_ =	shalt  }
0x54: {  	_ =	shalt  }
0x55: {  	_ =	shalt  }
0x56: {  	_ =	shalt  }
0x57: {  	_ =	shalt  }
0x58: {  	_ =	shalt  }
0x59: {  	_ =	shalt  }
0x5a: {  	_ =	shalt  }
0x5b: {  	_ =	shalt  }
0x5c: {  	_ =	shalt  }
0x5d: {  	_ =	shalt  }
0x5e: {  	_ =	shalt  }
0x5f: {  	_ =	shalt  }
0x60: {  	_ =	shalt  }
0x61: {  	_ =	shalt  }
0x62: {  	_ =	shalt  }
0x63: {  	_ =	shalt  }
0x64: {  	_ =	shalt  }
0x65: {  	_ =	shalt  }
0x66: {  	_ =	shalt  }
0x67: {  	_ =	shalt  }
0x68: {  	_ =	shalt  }
0x69: {  	_ =	shalt  }
0x6a: {  	_ =	shalt  }
0x6b: {  	_ =	shalt  }
0x6c: {  	_ =	shalt  }
0x6d: {  	_ =	shalt  }
0x6e: {  	_ =	shalt  }
0x6f: {  	_ =	shalt  }
0x70: {  	_ =	shalt  }
0x71: {  	_ =	shalt  }
0x72: {  	_ =	shalt  }
0x73: {  	_ =	shalt  }
0x74: {  	_ =	shalt  }
0x75: {  	_ =	shalt  }
0x76: {  	_ =	shalt  }
0x77: {  	_ =	shalt  }
0x78: {  	_ =	shalt  }
0x79: {  	_ =	shalt  }
0x7a: {  	_ =	shalt  }
0x7b: {  	_ =	shalt  }
0x7c: {  	_ =	shalt  }
0x7d: {  	_ =	shalt  }
0x7e: {  	_ =	shalt  }
0x7f: {  	_ =	shalt  }
0x80: {  	_ =	shalt  }
0x81: {  	_ =	shalt  }
0x82: {  	_ =	shalt  }
0x83: {  	_ =	shalt  }
0x84: {  	_ =	shalt  }
0x85: {  	_ =	shalt  }
0x86: {  	_ =	shalt  }
0x87: {  	_ =	shalt  }
.Lfunc_end0:
.L_simem_size_0:
called_computation.1_lowered:
.L_overlay_start_0:
0x88: {  	s2 =	sld [smem:$0x3FD9]  }
0x89: {  	s3 =	sld [smem:$0x3FFE];
	_ =	sdelay $0x1  }
0x8a: {  	s1 =	srdreg.scid  }
0x8b: {  	s0 =	sand.u32 $0x1, s1  }
0x8c: {  	s17 =	sshll.u32 s0, $0xA;
	s2 =	sadd.s32 s3, s2  }
0x8d: {  	s2 =	sadd.s32 s2, s17  }
0x8e: {  	[smem:$0x3FC2] =	sst s2  }
0x8f: {  	_ = 	snop  }
0x90: {  	s2 =	sld [smem:$0x3FD0];
	(tm) =	ssettm $0x1  }
0x91: {  	s18 =	sld [smem:$0x3FFB];
	_ =	sdelay $0x3  }
0x92: {  	_ =	strace s18  }
0x93: {  	s3 =	sld [smem:$0x3FFC];
	_ =	sdelay $0x3  }
0x94: {  	_ =	strace s3  }
0x95: {  	s3 =	sld [smem:$0x3FFD];
	_ =	sdelay $0x3  }
0x96: {  	_ =	strace s3  }
0x97: {  	_ =	strace $0x8FFFFFFF  }
0x98: {  	s19 =	sld [smem:$0x3FDB];
	_ =	sdelay $0x1  }
0x99: {  	s4 =	simm.s32 $_scs_section_size  }
0x9a: {  	s5 =	simm.s32 $_size__tile_overlayer_lowered;
	s6 =	simm.s32 $_tile_overlayer_lowered  }
0x9b: {  	s22 =	simm.s32 $0x1BFF;
	s21 =	sshll.u32 s6, $0x1;
	s3 =	sadd.s32 s4, s19  }
0x9c: {  	s7 =	simm.s32 $0x0;
	s20 =	sshll.u32 s5, $0x1;
	s5 =	sadd.s32 s21, s3  }
0x9d: {  	[timem:s7], [sflag:s22] =	dma.local [hbm:s5], s20  }
0x9e: {  	_ =	swait.ge [sflag:s22], s20  }
0x9f: {  	s4 =	ssub.s32 $0x0, s20;
	[sflag:s22] =	ssyncset.done $0x0  }
0xa0: {  	[sflag:s22] =	ssyncadd.s32 s4;
	_ =	sdelay $0x1  }
0xa1: {  	s23 =	simm.s32 $0x1B8B  }
0xa2: {  	_ =	swait.ge [sflag:s23], $0x1  }
0xa3: {  	[sflag:s23] =	ssyncset.done $0x0  }
0xa4: {  	s25 =	simm.s32 $0x1B8E;
	s24 =	sld [smem:$0x3FFE];
	[sflag:s23] =	ssyncadd.s32 $0xFFFFFFFF  }
0xa5: {  	s26 =	simm.s32 $execute0_lowered;
	[smem:$0x3FD2] =	sst s25  }
0xa6: {  	s5 =	sshll.u32 s26, $0x1;
	_ =	strace $0x80000049;
	[dreg:$0x1] =	wrdreg $0xFFFFFFFF  }
0xa7: {  	s28 =	simm.s32 $_size_execute0_lowered;
	s3 =	sadd.s32 s3, s5;
	[dreg:$0x0] =	wrdreg $0x0  }
0xa8: {  	s5 =	sshll.u32 s28, $0x1;
	[dreg:$0x2] =	wrdreg s3  }
0xa9: {  	[dreg:$0x3] =	wrdreg s5  }
0xaa: {  	[dreg:$0x4] =	wrdreg $0xC0  }
0xab: {  	_ =	task [dreg:s7], $0x5FFFF  }
0xac: {  	[dreg:$0x1] =	wrdreg $0xFFFFFFFF  }
0xad: {  	[dreg:$0x0] =	wrdreg $0x60  }
0xae: {  	[dreg:$0x2] =	wrdreg s24  }
0xaf: {  	[dreg:$0x3] =	wrdreg s2  }
0xb0: {  	[dreg:$0x4] =	wrdreg $0x15DD80  }
0xb1: {  	[dreg:$0x5] =	wrdreg $0x198700  }
0xb2: {  	[dreg:$0x6] =	wrdreg $0x9  }
0xb3: {  	_ =	task.clear_ibuf [dreg:s7], $0x7FFFF;
	_ =	strace $0x90000049  }
0xb4: {  	s29 =	simm.s32 $0x9;
	_ =	strace $0x8000004B  }
0xb5: {  	_ =	swait.ge [sflag:s29], $0x1  }
0xb6: {  	[sflag:s29] =	ssyncadd.s32 $0xFFFFFFFF  }
0xb7: {  	_ =	strace $0x9000004B  }
0xb8: {  	_ =	sfence  }
0xb9: {  	s30 =	sld [smem:$0x0];
	_ =	sdelay $0x2  }
0xba: {  	s31 =	sshll.u32 s1, $0xD;
	s1 =	sshrl.u32 s1, $0x2  }
0xbb: {  	s3 =	sand.u32 $0x4000, s31;
	s1 =	sadd.s32 s1, s30  }
0xbc: {  	s0 =	sor.u32 s3, s0;
	s1 =	sshll.u32 s1, $0x11  }
0xbd: {  	s0 =	sor.u32 s1, s0  }
0xbe: {  	s0 =	sadd.s32 $0x8F2B, s0  }
0xbf: {  	[sflag:s0] =	ssyncadd.remote.s32 $0x1  }
0xc0: {  	_ =	sfence.sel $0xFFFF  }
0xc1: {  	[dreg:$0x0] =	wrdreg $0xFFFFFFFF;
	(pc) =	sbr.abs _section_cstart, $3  }
0xc2: {  	[dreg:$0x1] =	wrdreg $0xFFFFFFFF  }
0xc3: {  	_ =	task.clear_ibuf [dreg:s7], $0x2FFFF;
	_ =	strace $0x9FFFFFFF  }
0xc4: {  	(tm) =	ssettm $0x7FFFFFFF  }
0xc5: {  	_ =	shalt  }
tec
execute0_lowered:
.L_overlay_start_1:
0x0: {  	(tag) =	ssettag $0x1  }
0x1: {  	s0 =	rddreg [dreg:$0x0]  }
0x2: {  	s3 =	rddreg [dreg:$0x2]  }
0x3: {  	s4 =	rddreg [dreg:$0x3];
	s8 =	stileid.u32  }
0x4: {  	s1 =	srdreg.scid;
	s2 =	smul.u32 $0x48, s8  }
0x5: {  	s5 =	simm.s32 $0x0;
	s12 =	simm.s32 $0x58;
	s6 =	smul.u32 $0x58, s8  }
0x6: {  	s28 =	simm.s32 $0x5800;
	s29 =	simm.s32 $0x80;
	s7 =	smul.u32 $0x3A98, s8  }
0x7: {  	s1 =	sand.u32 $0x1, s1;
	s8 =	smul.u32 $0x3B40, s8;
	[smem:$0x7FF] =	sst s5  }
0x8: {  	p0 =	seq.s32 s1, $0x0;
	s15 =	smul.u32 $0x3B400, s1;
	_ =	strace $0x8000004A  }
0x9: {  	s1 =	ssub.s32 $0x2, s1;
	s2 =	sadd.s32 $0x580, s2;
	s10 =	sshrl.u32 s7, $0x3  }
0xa: {  	s13 =	sshrl.u32 s1, $0x1;
	s12 =	simm.s32 @!p0 $0x48;
	s7 =	sadd.s32 s7, s3  }
0xb: {  	s2 =	smov.u32 @p0 s6;
	s10 =	sadd.s32 s10, s0;
	s6 =	sadd.s32 s8, s15  }
0xc: {  	s1 =	ssub.s32 s1, s13;
	[dreg:$0x8] =	wrdreg s7;
	s8 =	sadd.s32 s8, s4  }
0xd: {  	s9 =	smin.u32 s2, $0x96C;
	s6 =	sshrl.u32 s6, $0x3;
	s14 =	ssub.s32 $0x9C4, s2  }
0xe: {  	s10 =	sadd.s32 $0x8BC00, s10;
	s1 =	smax.u32 s1, $0x1;
	s11 =	sshll.u32 s9, $0x4  }
0xf: {  	s16 =	ssub.s32 s2, s9;
	[dreg:$0x7] =	wrdreg s10;
	s11 =	sadd.s32 s11, s0  }
0x10: {  	s2 =	sshll.u32 s2, $0x9;
	[dreg:$0x11] =	wrdreg s1;
	s17 =	sadd.s32 $0x1A00, s11  }
0x11: {  	s20 =	sshll.u32 s16, $0x7;
	s11 =	sadd.s32 $0xB800, s11;
	[dreg:$0x5] =	wrdreg s17  }
0x12: {  	s24 =	sshll.u32 s9, $0x9;
	s21 =	sor.u32 $0x80, s20;
	[dreg:$0x6] =	wrdreg s11  }
0x13: {  	s0 =	sadd.s32 s6, s0;
	s22 =	sor.u32 $0x100, s20;
	[dreg:$0xa] =	wrdreg s21  }
0x14: {  	s18 =	sshll.u32 s16, $0x9;
	s7 =	sor.u32 $0x180, s20;
	[dreg:$0xb] =	wrdreg s22  }
0x15: {  	s6 =	smin.u32 s12, s14;
	s19 =	sshra.s32 s18, $0x2;
	[dreg:$0xc] =	wrdreg s7  }
0x16: {  	s2 =	ssub.s32 s2, s24;
	s26 =	sadd.s32 $0xFFFFFFFA, s6;
	[dreg:$0x9] =	wrdreg s19  }
0x17: {  	s24 =	simm.s32 $0x19;
	s0 =	sadd.s32 $0x93200, s0;
	[dreg:$0xf] =	wrdreg s26  }
0x18: {  	s30 =	sshra.s32 s2, $0x2;
	s31 =	sadd.s32 $0x7, s6;
	[dreg:$0x10] =	wrdreg s0  }
0x19: {  	s2 =	sadd.s32 $0xC00, s2;
	s23 =	sadd.s32 $0x200, s19;
	[dreg:$0x12] =	wrdreg s31  }
0x1a: {  	s25 =	sadd.s32 $0x280, s19;
	s13 =	sadd.s32 $0x2C00, s30;
	[dreg:$0xd] =	wrdreg s23  }
0x1b: {  	s22 =	sshra.s32 s2, $0x2;
	[dreg:$0xe] =	wrdreg s25;
	s25 =	simm.s32 $0x0  }
.LBB2_1:
0x1c: {  	s0 =	rddreg [dreg:$0x5]  }
0x1d: {  	[tilespmem:s5], [sflag:$0x19] =	stream.linear.gather [hbm4b:s0+s5], $0x2C00, $0x38;
	[tilespmem:$0x1D3B0] =	vst v63  }
0x1e: {  	_ =	swait.ge [sflag:s24], $0x2C00  }
0x1f: {  	[sflag:s24] =	ssyncset.done $0x0  }
0x20: {  	s1 =	simm.s32 $0x2C00;
	s21 =	rddreg [dreg:$0x6];
	[sflag:s24] =	ssyncadd.s32 $0xFFFFD400  }
0x21: {  	[tilespmem:s1], [sflag:$0x19] =	stream.linear.gather [hbm4b:s21+s5], $0x2C00, $0x38;
	[tilespmem:$0x1D3B0] =	vst v63  }
0x22: {  	_ =	swait.ge [sflag:s24], $0x2C00  }
0x23: {  	[sflag:s24] =	ssyncset.done $0x0  }
0x24: {  	s26 =	simm.s32 $0x9340;
	s23 =	rddreg [dreg:$0x7];
	[sflag:s24] =	ssyncadd.s32 $0xFFFFD400  }
0x25: {  	[tilespmem:s26], [sflag:$0x19] =	stream.linear.gather [hbm4b:s23+s5], $0x3A98, $0x38;
	[tilespmem:$0x1D3B0] =	vst v63  }
0x26: {  	_ =	swait.ge [sflag:s24], $0x3A98  }
0x27: {  	[sflag:s24] =	ssyncset.done $0x0  }
0x28: {  	s2 =	rddreg [dreg:$0x8];
	[sflag:s24] =	ssyncadd.s32 $0xFFFFC568  }
0x29: {  	[spmem:s2] =	stream.linear.scatter [tilespmem:s26], [sflag:$0x19], $0x3A98, $0x38;
	[tilespmem:$0x1D3B0] =	vst v63  }
0x2a: {  	_ =	swait.ge [sflag:s24], $0x3A98  }
0x2b: {  	[sflag:s24] =	ssyncset.done $0x0  }
0x2c: {  	[sflag:s24] =	ssyncadd.s32 $0xFFFFC568  }
0x2d: {  	s7 =	rddreg [dreg:$0x1]  }
0x2e: {  	[tilespmem:s28], [sflag:$0x19] =	stream.linear.gather [hbm4b:s7+s5], $0x3B40, $0x38;
	[tilespmem:$0x1D3B0] =	vst v63  }
0x2f: {  	_ =	swait.ge [sflag:s24], $0x3B40  }
0x30: {  	[sflag:s24] =	ssyncset.done $0x0  }
0x31: {  	[sflag:s24] =	ssyncadd.s32 $0xFFFFC4C0  }
0x32: {  	[spmem:s8] =	stream.linear.scatter [tilespmem:s28], [sflag:$0x19], $0x3B40, $0x38;
	[tilespmem:$0x1D3B0] =	vst v63  }
0x33: {  	_ =	swait.ge [sflag:s24], $0x3B40  }
0x34: {  	s18 =	smov.u32 s8;
	[sflag:s24] =	ssyncset.done $0x0  }
0x35: {  	s30 =	simm.s32 $0xCDD8;
	s10 =	simm.s32 $0xD9D8;
	[sflag:s24] =	ssyncadd.s32 $0xFFFFC4C0  }
0x36: {  	s12 =	simm.s32 $0xE5D8;
	s15 =	simm.s32 $0xF1D8;
	[bflag:$0x0] =	sbarrier.arrive $0xFFFF  }
0x37: {  	s17 =	simm.s32 $0xFDD8;
	s20 =	simm.s32 $0x109D8;
	s8 =	rddreg [dreg:$0x9]  }
0x38: {  	s31 =	simm.s32 $0xFFFFFFFA;
	p0 =	por $0x1, $0x1;
	s9 =	rddreg [dreg:$0xa]  }
0x39: {  	p1 =	sle.u32 s6, $0x6;
	s21 =	simm.s32 $0x6;
	s11 =	rddreg [dreg:$0xb]  }
0x3a: {  	[tilespmem:s30], [sflag:$0x1] =	stream.indirect.gather [spmem:s3], $0x18, s8, s29, $0xb8;
	[tilespmem:$0x1D3B0] =	vst v63  }
0x3b: {  	s0 =	simm.s32 $0x7;
	s23 =	smulhi.u32 $0xAAAAAAAB, s21;
	s14 =	rddreg [dreg:$0xc]  }
0x3c: {  	[tilespmem:s10], [sflag:$0x2] =	stream.indirect.gather [spmem:s3], $0x18, s9, s29, $0xb8;
	[tilespmem:$0x1D3B0] =	vst v63  }
0x3d: {  	s1 =	simm.s32 $0xD9D8;
	s7 =	smulhi.u32 $0xAAAAAAAB, s31;
	s16 =	rddreg [dreg:$0xd]  }
0x3e: {  	[tilespmem:s12], [sflag:$0x3] =	stream.indirect.gather [spmem:s3], $0x18, s11, s29, $0xb8;
	[tilespmem:$0x1D3B0] =	vst v63  }
0x3f: {  	s2 =	simm.s32 $0x121D8;
	s19 =	rddreg [dreg:$0xe];
	s9 =	sshrl.u32 s7, $0x3  }
0x40: {  	[tilespmem:s15], [sflag:$0x4] =	stream.indirect.gather [spmem:s3], $0x18, s14, s29, $0xb8;
	[tilespmem:$0x1D3B0] =	vst v63  }
0x41: {  	s8 =	sadd.s32 $0x80, s13;
	s9 =	smul.u32 $0xFFFFFFD0, s9;
	s14 =	sshrl.u32 s23, $0x3  }
0x42: {  	[tilespmem:s17], [sflag:$0x5] =	stream.indirect.gather [spmem:s3], $0x18, s16, s29, $0xb8;
	[tilespmem:$0x1D3B0] =	vst v63  }
0x43: {  	s7 =	sadd.s32 $0x80, s22;
	s15 =	smul.u32 $0xFFFFFFD0, s14;
	s17 =	sshra.s32 s9, $0x2  }
0x44: {  	s10 =	simm.s32 $0x0;
	s14 =	smul.u32 $0xFFFDC000, s14;
	s17 =	sadd.s32 $0x7, s17  }
0x45: {  	[tilespmem:s20], [sflag:$0x6] =	stream.indirect.gather [spmem:s3], $0x18, s19, s29, $0xb8;
	[tilespmem:$0x1D3B0] =	vst v63  }
0x46: {  	s16 =	smulhi.u32 $0xAAAAAAAB, s5;
	s9 =	simm.s32 $0x1;
	s17 =	sadd.s32 @!p0 $0x0, s17  }
0x47: {  	s15 =	sshra.s32 s15, $0x2;
	s14 =	sshra.s32 s14, $0x2;
	_ =	swait.ge @!p0 [sflag:s17], $0xC00  }
0x48: {  	s15 =	sadd.s32 $0x7, s15;
	s16 =	sshrl.u32 s16, $0x3;
	[sflag:s17] =	ssyncset.done @!p0 $0x0  }
0x49: {  	s21 =	smul.u32 $0xFFFFFFD0, s16;
	[sflag:s17] =	ssyncadd.s32 @!p0 $0xFFFFF400;
	p0 =	sne.s32 s6, $0x1  }
.Ltmp0:
0x4a: {  	s14 =	sadd.s32 $0x115D8, s14;
	s15 =	sadd.s32 @!p1 $0x0, s15;
	(pc) =	sbr.rel @!p0 .LBB2_3-.Ltmp0, $4  }
0x4b: {  	s16 =	smul.u32 $0xFFFDC000, s16;
	s21 =	sshra.s32 s21, $0x2;
	s17 =	simm.s32 @!p1 $0x80  }
0x4c: {  	[tilespmem:s14], [sflag:s15] =	stream.indirect.gather @!p1 [spmem:s3], $0x18, s22, s17, $0xb8;
	[tilespmem:$0x1D3B0] =	vst v63  }
0x4d: {  	s16 =	sshra.s32 s16, $0x2;
	s26 =	sor.u32 $0x1, s21;
	s15 =	sadd.s32 $0xD, s21  }
0x4e: {  	s14 =	simm.s32 $0x0;
	s21 =	smov.u32 s13;
	s17 =	sadd.s32 $0x0, s26  }
.LBB2_2:
0x4f: {  	_ =	swait.ge [sflag:s17], $0xC00  }
0x50: {  	s31 =	sadd.s32 $0x1, s31;
	s14 =	sadd.s32 $0x4, s14;
	s19 =	smov.u32 s0  }
0x51: {  	s20 =	smov.u32 s2;
	s16 =	sadd.s32 s16, s30;
	[sflag:s17] =	ssyncset.done $0x0  }
0x52: {  	s10 =	sadd.s32 s10, s15;
	s30 =	smov.u32 s1;
	[sflag:s17] =	ssyncadd.s32 $0xFFFFF400  }
0x53: {  	[spmem:s4] =	stream.indirect.scatter.add.f32 [tilespmem:s16], [sflag:s10], $0x18, s21, s29, $0xb8;
	[tilespmem:$0x1D3B0] =	vst v63  }
0x54: {  	s12 =	smov.u32 s7;
	s1 =	sadd.s32 $0xC00, s1;
	s21 =	smov.u32 s8  }
0x55: {  	s0 =	sadd.s32 $0x1, s0;
	s2 =	sadd.s32 $0xC00, s2;
	s10 =	smulhi.u32 $0xAAAAAAAB, s31  }
0x56: {  	s7 =	sadd.s32 $0x80, s7;
	p0 =	slt.u32 s9, $0x6;
	s15 =	smulhi.u32 $0xAAAAAAAB, s19  }
0x57: {  	s17 =	smulhi.u32 $0xAAAAAAAB, s9;
	s8 =	sadd.s32 $0x80, s8;
	s10 =	sshrl.u32 s10, $0x3  }
0x58: {  	s19 =	sadd.s32 $0x6, s9;
	s16 =	smul.u32 $0xFFFFFFD0, s10;
	s10 =	sshra.s32 s14, $0x2  }
0x59: {  	s9 =	sadd.s32 $0xFFFFFFFB, s19;
	p1 =	sge.u32 s19, s6;
	s15 =	sshrl.u32 s15, $0x3  }
0x5a: {  	s23 =	sshra.s32 @!p1 s14, $0x2;
	s26 =	smul.u32 $0xFFFFFFD0, s15;
	s16 =	sshra.s32 s16, $0x2  }
0x5b: {  	p2 =	sne.s32 s9, s6;
	s15 =	smul.u32 $0xFFFDC000, s15;
	s16 =	sadd.s32 $0x7, s16  }
0x5c: {  	s17 =	sshrl.u32 s17, $0x3;
	s19 =	sshra.s32 s26, $0x2;
	s26 =	sshra.s32 @!p0 s14, $0x2  }
0x5d: {  	s11 =	smul.u32 $0xFFFFFFD0, s17;
	s15 =	sshra.s32 s15, $0x2;
	s19 =	sadd.s32 $0x7, s19  }
0x5e: {  	s19 =	sadd.s32 @!p1 s23, s19;
	s26 =	sadd.s32 @!p0 s26, s16;
	s16 =	smul.u32 $0xFFFDC000, s17  }
.Ltmp1:
0x5f: {  	s20 =	sadd.s32 s15, s20;
	_ =	swait.ge @!p0 [sflag:s26], $0xC00;
	(pc) =	sbr.rel @p2 .LBB2_2-.Ltmp1, $4  }
0x60: {  	s11 =	sshra.s32 s11, $0x2;
	[sflag:s26] =	ssyncset.done @!p0 $0x0  }
0x61: {  	s15 =	sadd.s32 $0xD, s11;
	s17 =	sor.u32 $0x1, s11;
	s16 =	sshra.s32 s16, $0x2  }
0x62: {  	s11 =	simm.s32 @!p1 $0x80;
	s17 =	sadd.s32 s10, s17;
	[sflag:s26] =	ssyncadd.s32 @!p0 $0xFFFFF400  }
0x63: {  	[tilespmem:s20], [sflag:s19] =	stream.indirect.gather @!p1 [spmem:s3], $0x18, s12, s11, $0xb8;
	[tilespmem:$0x1D3B0] =	vst v63  }
.LBB2_3:
0x64: {  	_ =	swait.ge [sflag:s17], $0xC00  }
0x65: {  	s0 =	sadd.s32 s16, s30;
	[sflag:s17] =	ssyncset.done $0x0;
	s8 =	rddreg [dreg:$0xf]  }
0x66: {  	s1 =	sadd.s32 s10, s15;
	[sflag:s17] =	ssyncadd.s32 $0xFFFFF400;
	s2 =	smulhi.u32 $0xAAAAAAAB, s8  }
0x67: {  	[spmem:s4] =	stream.indirect.scatter.add.f32 [tilespmem:s0], [sflag:s1], $0x18, s21, s29, $0xb8;
	[tilespmem:$0x1D3B0] =	vst v63  }
0x68: {  	s30 =	sshrl.u32 s2, $0x3  }
0x69: {  	s31 =	smul.u32 $0xFFFFFFD0, s30  }
0x6a: {  	s0 =	simm.s32 $0x5  }
0x6b: {  	s1 =	rddreg [dreg:$0x12];
	s2 =	sadd.s32 $0x1, s8;
	s7 =	sshra.s32 s31, $0x2  }
.LBB2_4:
0x6c: {  	s8 =	smulhi.u32 $0xAAAAAAAB, s2;
	s7 =	sadd.s32 s7, s1;
	p0 =	sne.s32 s0, $0x1  }
.Ltmp2:
0x6d: {  	s0 =	sadd.s32 $0xFFFFFFFF, s0;
	_ =	swait.ge [sflag:s7], $0xC00;
	(pc) =	sbr.rel @p0 .LBB2_4-.Ltmp2, $3  }
0x6e: {  	s8 =	sshrl.u32 s8, $0x3;
	[sflag:s7] =	ssyncset.done $0x0  }
0x6f: {  	s8 =	smul.u32 $0xFFFFFFD0, s8;
	[sflag:s7] =	ssyncadd.s32 $0xFFFFF400;
	_ =	sdelay $0x1  }
0x70: {  	s2 =	sadd.s32 $0x1, s2;
	s1 =	sadd.s32 $0x1, s1;
	s7 =	sshra.s32 s8, $0x2  }
0x71: {  	s0 =	sadd.s32 s7, s1  }
0x72: {  	_ =	swait.ge [sflag:s0], $0xC00  }
0x73: {  	[sflag:s0] =	ssyncset.done $0x0  }
0x74: {  	[sflag:s0] =	ssyncadd.s32 $0xFFFFF400  }
0x75: {  	[bflag:$0x0] =	sbarrier.arrive $0xFFFF  }
0x76: {  	[tilespmem:s28], [sflag:$0x19] =	stream.linear.gather [spmem:s18], $0x3B40, $0x38;
	[tilespmem:$0x1D3B0] =	vst v63  }
0x77: {  	_ =	swait.ge [sflag:s24], $0x3B40  }
0x78: {  	[sflag:s24] =	ssyncset.done $0x0  }
0x79: {  	s30 =	rddreg [dreg:$0x10];
	[sflag:s24] =	ssyncadd.s32 $0xFFFFC4C0  }
0x7a: {  	[hbm4b:s30+s5] =	stream.linear.scatter [tilespmem:s28], [sflag:$0x19], $0x3B40, $0x38;
	[tilespmem:$0x1D3B0] =	vst v63  }
0x7b: {  	_ =	swait.ge [sflag:s24], $0x3B40  }
0x7c: {  	s25 =	sadd.s32 $0x1, s25;
	s31 =	rddreg [dreg:$0x11]  }
0x7d: {  	p0 =	sne.s32 s25, s31  }
.Ltmp3:
0x7e: {  	_ = 	snop;
	(pc) =	sbr.rel @p0 .LBB2_1-.Ltmp3, $3  }
0x7f: {  	_ =	sdelay $0x1  }
0x80: {  	[sflag:s24] =	ssyncset.done $0x0  }
0x81: {  	s8 =	smov.u32 s18;
	[sflag:s24] =	ssyncadd.s32 $0xFFFFC4C0  }
0x82: {  	_ =	sfence.sel $0x180000  }
0x83: {  	[bflag:$0x0] =	sbarrier.arrive $0xFFFF  }
0x84: {  	_ =	strace $0x9000004A  }
0x85: {  	s0 =	stileid.u32;
	[bflag:$0x2] =	sbarrier.arrive $0xFFFF  }
0x86: {  	p0 =	sne.s32 s0, $0x0;
	s0 =	rddreg [dreg:$0x4]  }
0x87: {  	s0 =	sadd.s32 @!p0 $0x100000, s0  }
0x88: {  	[sflag:s0] =	ssyncadd.tile.s32 @!p0 $0x1;
	_ =	shalt  }
.Lfunc_end2:
_tile_overlayer_lowered:
.L_overlay_start_2:
0x89: {  	(tag) =	ssettag $0x2  }
0x8a: {  	s0 =	rddreg [dreg:$0x0];
	s2 =	stileid.u32  }
0x8b: {  	s1 =	rddreg [dreg:$0x1];
	p0 =	sne.s32 s2, $0x0  }
0x8c: {  	s3 =	rddreg [dreg:$0x2];
	[bflag:$0x3] =	sbarrier.arrive $0xFFFF;
	s2 =	simm.s32 @!p0 $0x1C19  }
0x8d: {  	[timem:s3], [sflag:s2] =	dma.local @!p0 [hbm:s0], s1  }
0x8e: {  	s0 =	simm.s32 @!p0 $0x19  }
0x8f: {  	_ =	swait.ge @!p0 [sflag:s0], s1  }
0x90: {  	s1 =	ssub.s32 @!p0 $0x0, s1;
	[sflag:s0] =	ssyncset.done @!p0 $0x0  }
0x91: {  	[sflag:s0] =	ssyncadd.s32 @!p0 s1  }
0x92: {  	[bflag:$0x3] =	sbarrier.arrive $0xFFFF  }
0x93: {  	_ =	shalt  }

// kernel: kernel.14.cloned.1.call-start
scs
__scs_entry_jumppad:
0x0: {  	(pc) =	sbr.rel $0x88, $3  }
0x1: {  	(tag) =	ssettag $0x0;
	lr =	simm.s32 $0x1  }
0x2: {  	[smem:$0x3F9B] =	sst lr;
	_ =	strace $0xD0000000  }
0x3: {  	_ = 	snop  }
0x4: {  	_ = 	snop  }
0x5: {  	_ = 	snop  }
0x6: {  	_ = 	snop  }
0x7: {  	_ = 	snop  }
__scs_overlays_trampoline_lowered:
0x8: {  	[smem:$0x3FAA] =	sst s0  }
0x9: {  	[smem:$0x3FAB] =	sst s1  }
0xa: {  	[smem:$0x3FAC] =	sst s2  }
0xb: {  	[smem:$0x3FAD] =	sst s3  }
0xc: {  	[smem:$0x3FAE] =	sst s4  }
0xd: {  	[smem:$0x3FAF] =	sst s5  }
0xe: {  	[smem:$0x3FB0] =	sst s6  }
0xf: {  	[smem:$0x3FB1] =	sst s7  }
0x10: {  	[smem:$0x3FB2] =	sst s8  }
0x11: {  	[smem:$0x3FB3] =	sst s9;
	s0 =	simm.s32 @!p0 $0x0  }
0x12: {  	s1 =	sld [smem:$0x3F99];
	s0 =	simm.s32 @p0 $0x1  }
0x13: {  	[smem:$0x3FB4] =	sst s0;
	s0 =	simm.s32 @!p1 $0x0  }
0x14: {  	s2 =	sld [smem:$0x3F98];
	s0 =	simm.s32 @p1 $0x1  }
0x15: {  	[smem:$0x3FB5] =	sst s0;
	s0 =	simm.s32 @!p2 $0x0  }
0x16: {  	s3 =	sld [smem:$0x3FDB];
	s0 =	simm.s32 @p2 $0x1  }
0x17: {  	s4 =	simm.s32 $0x1BF5;
	[smem:$0x3FB7] =	sst s0  }
0x18: {  	s0 =	sld [smem:$0x3F9A];
	_ =	swait.ge [sflag:s4], $0x0  }
0x19: {  	s7 =	sld [smem:$0x3F9B]  }
0x1a: {  	s8 =	sadd.s32 $0xFFFFE003, lr  }
0x1b: {  	s9 =	sadd.s32 $0xFFFFFEF7, lr;
	s5 =	simm.s32 $0xFFFFFFFF;
	p2 =	slt.u32 s8, $0xFFFFF086  }
0x1c: {  	p1 =	slt.u32 s9, $0xF7A;
	s5 =	simm.s32 @!p2 $0x0  }
0x1d: {  	s5 =	simm.s32 @p1 $0x1;
	p0 =	seq.s32 s7, s2  }
0x1e: {  	s7 =	smul.u32 @!p0 $0xF7A, s2;
	p2 =	seq.s32 @!p0 s5, $0x0  }
0x1f: {  	s9 =	smul.u32 $0xF7A, s1;
	s8 =	simm.s32 @!p0 $0x1BF5;
	p2 =	por !p2, p0  }
0x20: {  	[sflag:s8] =	ssyncset.s32 @!p0 $0xFFFFF086;
	s6 =	sadd.s32 @!p0 s3, s7;
	s7 =	simm.s32 @!p0 $0x108  }
0x21: {  	s3 =	sadd.s32 s3, s9;
	s6 =	sadd.s32 @!p0 $0x88, s6;
	s7 =	simm.s32 @p2 $0x1082  }
0x22: {  	[simem:s7], [sflag:s8] =	dma.local @!p0 [hbm:s6], $0xF7A  }
0x23: {  	s9 =	sor.u32 $0xD0000000, s2;
	s6 =	simm.s32 $0x108;
	_ =	swait.ge @!p0 [sflag:s8], $0x0  }
0x24: {  	s3 =	sadd.s32 $0x88, s3;
	s6 =	simm.s32 @!p1 $0x1082;
	[sflag:s4] =	ssyncset.s32 $0xFFFFF086  }
0x25: {  	[simem:s6], [sflag:s4] =	dma.local [hbm:s3], $0xF7A  }
0x26: {  	[smem:$0x3F9B] =	sst s1;
	(tag) =	ssettag s2;
	_ =	strace s9  }
0x27: {  	s1 =	sld [smem:$0x3FAB]  }
0x28: {  	s2 =	sld [smem:$0x3FAC]  }
0x29: {  	s4 =	sld [smem:$0x3FAE]  }
0x2a: {  	p0 =	seq.s32 s5, $0x0;
	s5 =	sld [smem:$0x3FAF]  }
0x2b: {  	s6 =	sld [smem:$0x3FB0]  }
0x2c: {  	s7 =	sld [smem:$0x3FB1]  }
0x2d: {  	s3 =	simm.s32 $0x108;
	s8 =	sld [smem:$0x3FB2]  }
0x2e: {  	s3 =	simm.s32 @!p0 $0x1082;
	s9 =	sld [smem:$0x3FB3]  }
0x2f: {  	lr =	sadd.s32 s0, s3;
	s0 =	sld [smem:$0x3FAA]  }
0x30: {  	s3 =	sld [smem:$0x3FAD]  }
0x31: {  	[smem:$0x3FB6] =	sst s10  }
0x32: {  	s10 =	sld [smem:$0x3FB4];
	_ =	sdelay $0x3  }
0x33: {  	p0 =	seq.s32 s10, $0x1;
	s10 =	sld [smem:$0x3FB6];
	_ =	sdelay $0x3  }
0x34: {  	[smem:$0x3FB6] =	sst s10  }
0x35: {  	s10 =	sld [smem:$0x3FB5];
	_ =	sdelay $0x3  }
0x36: {  	p1 =	seq.s32 s10, $0x1;
	s10 =	sld [smem:$0x3FB6];
	_ =	sdelay $0x3  }
0x37: {  	[smem:$0x3FB6] =	sst s10  }
0x38: {  	s10 =	sld [smem:$0x3FB7]  }
0x39: {  	_ = 	snop;
	(pc) =	sbr.ind lr, $3  }
0x3a: {  	_ = 	snop  }
0x3b: {  	_ = 	snop  }
0x3c: {  	p2 =	seq.s32 s10, $0x1;
	s10 =	sld [smem:$0x3FB6]  }
0x3d: {  	_ =	shalt  }
0x3e: {  	_ =	shalt  }
0x3f: {  	_ =	shalt  }
0x40: {  	_ =	shalt  }
0x41: {  	_ =	shalt  }
0x42: {  	_ =	shalt  }
0x43: {  	_ =	shalt  }
0x44: {  	_ =	shalt  }
0x45: {  	_ =	shalt  }
0x46: {  	_ =	shalt  }
0x47: {  	_ =	shalt  }
0x48: {  	_ =	shalt  }
0x49: {  	_ =	shalt  }
0x4a: {  	_ =	shalt  }
0x4b: {  	_ =	shalt  }
0x4c: {  	_ =	shalt  }
0x4d: {  	_ =	shalt  }
0x4e: {  	_ =	shalt  }
0x4f: {  	_ =	shalt  }
0x50: {  	_ =	shalt  }
0x51: {  	_ =	shalt  }
0x52: {  	_ =	shalt  }
0x53: {  	_ =	shalt  }
0x54: {  	_ =	shalt  }
0x55: {  	_ =	shalt  }
0x56: {  	_ =	shalt  }
0x57: {  	_ =	shalt  }
0x58: {  	_ =	shalt  }
0x59: {  	_ =	shalt  }
0x5a: {  	_ =	shalt  }
0x5b: {  	_ =	shalt  }
0x5c: {  	_ =	shalt  }
0x5d: {  	_ =	shalt  }
0x5e: {  	_ =	shalt  }
0x5f: {  	_ =	shalt  }
0x60: {  	_ =	shalt  }
0x61: {  	_ =	shalt  }
0x62: {  	_ =	shalt  }
0x63: {  	_ =	shalt  }
0x64: {  	_ =	shalt  }
0x65: {  	_ =	shalt  }
0x66: {  	_ =	shalt  }
0x67: {  	_ =	shalt  }
0x68: {  	_ =	shalt  }
0x69: {  	_ =	shalt  }
0x6a: {  	_ =	shalt  }
0x6b: {  	_ =	shalt  }
0x6c: {  	_ =	shalt  }
0x6d: {  	_ =	shalt  }
0x6e: {  	_ =	shalt  }
0x6f: {  	_ =	shalt  }
0x70: {  	_ =	shalt  }
0x71: {  	_ =	shalt  }
0x72: {  	_ =	shalt  }
0x73: {  	_ =	shalt  }
0x74: {  	_ =	shalt  }
0x75: {  	_ =	shalt  }
0x76: {  	_ =	shalt  }
0x77: {  	_ =	shalt  }
0x78: {  	_ =	shalt  }
0x79: {  	_ =	shalt  }
0x7a: {  	_ =	shalt  }
0x7b: {  	_ =	shalt  }
0x7c: {  	_ =	shalt  }
0x7d: {  	_ =	shalt  }
0x7e: {  	_ =	shalt  }
0x7f: {  	_ =	shalt  }
0x80: {  	_ =	shalt  }
0x81: {  	_ =	shalt  }
0x82: {  	_ =	shalt  }
0x83: {  	_ =	shalt  }
0x84: {  	_ =	shalt  }
0x85: {  	_ =	shalt  }
0x86: {  	_ =	shalt  }
0x87: {  	_ =	shalt  }
.Lfunc_end0:
.L_simem_size_0:
called_computation.2_lowered:
.L_overlay_start_0:
0x88: {  	s2 =	sld [smem:$0x3FD9]  }
0x89: {  	s3 =	sld [smem:$0x3FFE];
	_ =	sdelay $0x1  }
0x8a: {  	s1 =	srdreg.scid  }
0x8b: {  	s0 =	sand.u32 $0x1, s1  }
0x8c: {  	s17 =	sshll.u32 s0, $0xA;
	s2 =	sadd.s32 s3, s2  }
0x8d: {  	s2 =	sadd.s32 s2, s17  }
0x8e: {  	[smem:$0x3FC2] =	sst s2  }
0x8f: {  	_ = 	snop  }
0x90: {  	s2 =	sld [smem:$0x3FD0];
	(tm) =	ssettm $0x1  }
0x91: {  	s18 =	sld [smem:$0x3FFB];
	_ =	sdelay $0x3  }
0x92: {  	_ =	strace s18  }
0x93: {  	s3 =	sld [smem:$0x3FFC];
	_ =	sdelay $0x3  }
0x94: {  	_ =	strace s3  }
0x95: {  	s3 =	sld [smem:$0x3FFD];
	_ =	sdelay $0x3  }
0x96: {  	_ =	strace s3  }
0x97: {  	_ =	strace $0x8FFFFFFF  }
0x98: {  	s19 =	sld [smem:$0x3FDB];
	_ =	sdelay $0x1  }
0x99: {  	s4 =	simm.s32 $_scs_section_size  }
0x9a: {  	s5 =	simm.s32 $_size__tile_overlayer_lowered;
	s6 =	simm.s32 $_tile_overlayer_lowered  }
0x9b: {  	s22 =	simm.s32 $0x1BFF;
	s21 =	sshll.u32 s6, $0x1;
	s3 =	sadd.s32 s4, s19  }
0x9c: {  	s7 =	simm.s32 $0x0;
	s20 =	sshll.u32 s5, $0x1;
	s5 =	sadd.s32 s21, s3  }
0x9d: {  	[timem:s7], [sflag:s22] =	dma.local [hbm:s5], s20  }
0x9e: {  	_ =	swait.ge [sflag:s22], s20  }
0x9f: {  	s4 =	ssub.s32 $0x0, s20;
	[sflag:s22] =	ssyncset.done $0x0  }
0xa0: {  	[sflag:s22] =	ssyncadd.s32 s4;
	_ =	sdelay $0x1  }
0xa1: {  	s23 =	simm.s32 $0x1B8B  }
0xa2: {  	_ =	swait.ge [sflag:s23], $0x1  }
0xa3: {  	[sflag:s23] =	ssyncset.done $0x0  }
0xa4: {  	s25 =	simm.s32 $0x1B8E;
	s24 =	sld [smem:$0x3FFE];
	[sflag:s23] =	ssyncadd.s32 $0xFFFFFFFF  }
0xa5: {  	s26 =	simm.s32 $execute0_lowered;
	[smem:$0x3FD2] =	sst s25  }
0xa6: {  	s5 =	sshll.u32 s26, $0x1;
	_ =	strace $0x8000004C;
	[dreg:$0x1] =	wrdreg $0xFFFFFFFF  }
0xa7: {  	s28 =	simm.s32 $_size_execute0_lowered;
	s3 =	sadd.s32 s3, s5;
	[dreg:$0x0] =	wrdreg $0x0  }
0xa8: {  	s5 =	sshll.u32 s28, $0x1;
	[dreg:$0x2] =	wrdreg s3  }
0xa9: {  	[dreg:$0x3] =	wrdreg s5  }
0xaa: {  	[dreg:$0x4] =	wrdreg $0xC0  }
0xab: {  	_ =	task [dreg:s7], $0x5FFFF  }
0xac: {  	[dreg:$0x1] =	wrdreg $0xFFFFFFFF  }
0xad: {  	[dreg:$0x0] =	wrdreg $0x60  }
0xae: {  	[dreg:$0x2] =	wrdreg s2  }
0xaf: {  	[dreg:$0x3] =	wrdreg s24  }
0xb0: {  	[dreg:$0x4] =	wrdreg $0xB8480  }
0xb1: {  	[dreg:$0x5] =	wrdreg $0xCBD00  }
0xb2: {  	[dreg:$0x6] =	wrdreg $0x9  }
0xb3: {  	_ =	task.clear_ibuf [dreg:s7], $0x7FFFF;
	_ =	strace $0x9000004C  }
0xb4: {  	s29 =	simm.s32 $0x9;
	_ =	strace $0x8000004E  }
0xb5: {  	_ =	swait.ge [sflag:s29], $0x1  }
0xb6: {  	[sflag:s29] =	ssyncadd.s32 $0xFFFFFFFF  }
0xb7: {  	_ =	strace $0x9000004E  }
0xb8: {  	_ =	sfence  }
0xb9: {  	s30 =	sld [smem:$0x0];
	_ =	sdelay $0x2  }
0xba: {  	s31 =	sshll.u32 s1, $0xD;
	s1 =	sshrl.u32 s1, $0x2  }
0xbb: {  	s3 =	sand.u32 $0x4000, s31;
	s1 =	sadd.s32 s1, s30  }
0xbc: {  	s0 =	sor.u32 s3, s0;
	s1 =	sshll.u32 s1, $0x11  }
0xbd: {  	s0 =	sor.u32 s1, s0  }
0xbe: {  	s0 =	sadd.s32 $0x8F2B, s0  }
0xbf: {  	[sflag:s0] =	ssyncadd.remote.s32 $0x1  }
0xc0: {  	_ =	sfence.sel $0xFFFF  }
0xc1: {  	[dreg:$0x0] =	wrdreg $0xFFFFFFFF;
	(pc) =	sbr.abs _section_cstart, $3  }
0xc2: {  	[dreg:$0x1] =	wrdreg $0xFFFFFFFF  }
0xc3: {  	_ =	task.clear_ibuf [dreg:s7], $0x2FFFF;
	_ =	strace $0x9FFFFFFF  }
0xc4: {  	(tm) =	ssettm $0x7FFFFFFF  }
0xc5: {  	_ =	shalt  }
tec
execute0_lowered:
.L_overlay_start_1:
0x0: {  	(tag) =	ssettag $0x1  }
0x1: {  	s0 =	rddreg [dreg:$0x0]  }
0x2: {  	s2 =	rddreg [dreg:$0x1]  }
0x3: {  	s1 =	rddreg [dreg:$0x2]  }
0x4: {  	s12 =	stileid.u32;
	s4 =	srdreg.scid  }
0x5: {  	s3 =	rddreg [dreg:$0x3];
	s5 =	smul.u32 $0x3F, s12  }
0x6: {  	s29 =	simm.s32 $0x6100;
	s30 =	simm.s32 $0x80;
	s7 =	smul.u32 $0x61, s12  }
0x7: {  	s6 =	sand.u32 $0x1, s4;
	s4 =	simm.s32 $0x0;
	s23 =	smul.u32 $0x13C0, s12  }
0x8: {  	s11 =	sadd.s32 $0x15600, s2;
	s12 =	smul.u32 $0x1388, s12;
	p0 =	seq.s32 s6, $0x0  }
0x9: {  	[smem:$0x7FF] =	sst s4;
	s9 =	smul.u32 $0x13C00, s6;
	s6 =	ssub.s32 $0x2, s6  }
0xa: {  	s5 =	sadd.s32 $0x610, s5;
	_ =	strace $0x8000004D;
	[dreg:$0x5] =	wrdreg s11  }
0xb: {  	s24 =	sshrl.u32 s6, $0x1;
	s31 =	sshrl.u32 s12, $0x3;
	s12 =	sadd.s32 s12, s1  }
0xc: {  	s5 =	smov.u32 @p0 s7;
	s9 =	sadd.s32 s23, s9;
	s25 =	ssub.s32 s6, s24  }
0xd: {  	s6 =	simm.s32 $0x61;
	s0 =	sadd.s32 s0, s31;
	[dreg:$0x9] =	wrdreg s12  }
0xe: {  	s12 =	sadd.s32 s23, s3;
	s8 =	smin.u32 s5, $0x963;
	s9 =	sshrl.u32 s9, $0x3  }
0xf: {  	s6 =	simm.s32 @!p0 $0x3F;
	s26 =	ssub.s32 $0x9C4, s5;
	[dreg:$0x8] =	wrdreg s0  }
0x10: {  	s22 =	sshll.u32 s5, $0x9;
	s24 =	smax.u32 s25, $0x1;
	p0 =	sgt.u32 s5, $0x9C0  }
0x11: {  	s10 =	sshll.u32 s8, $0x4;
	s6 =	smin.u32 s6, s26;
	s28 =	ssub.s32 s5, s8  }
0x12: {  	s23 =	sshll.u32 s8, $0x9;
	[dreg:$0x13] =	wrdreg s24;
	p2 =	seq.s32 @!p0 s5, $0x9C0  }
0x13: {  	s10 =	sadd.s32 s10, s2;
	s2 =	sadd.s32 s9, s2;
	s11 =	sshll.u32 s28, $0x9  }
0x14: {  	s15 =	smax.u32 s6, $0x6;
	s25 =	sshll.u32 s6, $0x2;
	s13 =	sadd.s32 $0x1A00, s10  }
0x15: {  	p1 =	por p2, p0;
	s10 =	sadd.s32 $0xB800, s10;
	[dreg:$0x6] =	wrdreg s13  }
0x16: {  	s0 =	sadd.s32 $0xFFFFFFFA, s15;
	s21 =	sadd.s32 $0x64A00, s2;
	[dreg:$0x7] =	wrdreg s10  }
0x17: {  	p3 =	sgt.u32 @!p1 s5, $0x9BE;
	s13 =	sshra.s32 s11, $0x2;
	[dreg:$0xe] =	wrdreg s0  }
0x18: {  	s20 =	ssub.s32 s6, s0;
	[dreg:$0x12] =	wrdreg s21;
	s0 =	ssub.s32 s22, s23  }
0x19: {  	p2 =	por @!p0 p3, p2;
	s14 =	sadd.s32 $0x80, s13;
	[dreg:$0xa] =	wrdreg s13  }
0x1a: {  	s16 =	sadd.s32 $0x100, s13;
	s17 =	sadd.s32 $0x180, s13;
	[dreg:$0x11] =	wrdreg s20  }
0x1b: {  	s18 =	sadd.s32 $0x200, s13;
	s19 =	sadd.s32 $0x280, s13;
	[dreg:$0xb] =	wrdreg s14  }
0x1c: {  	s26 =	sshll.u32 s20, $0x2;
	s28 =	sshra.s32 s0, $0x2;
	[dreg:$0xc] =	wrdreg s16  }
.Ltmp0:
0x1d: {  	s0 =	sadd.s32 $0xC00, s0;
	[dreg:$0xd] =	wrdreg s17;
	(pc) =	sbr.rel .LBB2_1-.Ltmp0, $4  }
0x1e: {  	p2 =	por p2, p0;
	[dreg:$0xf] =	wrdreg s18;
	s2 =	ssub.s32 s25, s26  }
0x1f: {  	p3 =	slt.s32 s20, $0x1;
	[dreg:$0x10] =	wrdreg s19;
	s31 =	sshra.s32 s2, $0x2  }
0x20: {  	s10 =	sadd.s32 $0x3080, s28;
	s23 =	sshra.s32 s0, $0x2;
	s0 =	sadd.s32 $0xD, s31  }
0x21: {  	s25 =	simm.s32 $0x19;
	s26 =	simm.s32 $0x0;
	[dreg:$0x14] =	wrdreg s0  }
.LBB2_6:
0x22: {  	s0 =	sadd.s32 s7, s2  }
0x23: {  	_ =	swait.ge [sflag:s0], $0x400  }
0x24: {  	[sflag:s0] =	ssyncset.done $0x0  }
0x25: {  	[sflag:s0] =	ssyncadd.s32 $0xFFFFFC00  }
.LBB2_7:
0x26: {  	[bflag:$0x0] =	sbarrier.arrive $0xFFFF  }
0x27: {  	[tilespmem:s29], [sflag:$0x19] =	stream.linear.gather [spmem:s12], $0x13C0, $0x38;
	[tilespmem:$0xDF90] =	vst v63  }
0x28: {  	_ =	swait.ge [sflag:s25], $0x13C0  }
0x29: {  	[sflag:s25] =	ssyncset.done $0x0  }
0x2a: {  	s0 =	rddreg [dreg:$0x12];
	[sflag:s25] =	ssyncadd.s32 $0xFFFFEC40  }
0x2b: {  	[hbm4b:s0+s4] =	stream.linear.scatter [tilespmem:s29], [sflag:$0x19], $0x13C0, $0x38;
	[tilespmem:$0xDF90] =	vst v63  }
0x2c: {  	_ =	swait.ge [sflag:s25], $0x13C0  }
0x2d: {  	s26 =	sadd.s32 $0x1, s26;
	s31 =	rddreg [dreg:$0x13]  }
0x2e: {  	p4 =	sne.s32 s26, s31  }
.Ltmp1:
0x2f: {  	_ = 	snop;
	(pc) =	sbr.rel @!p4 .LBB2_8-.Ltmp1, $3  }
0x30: {  	_ =	sdelay $0x1  }
0x31: {  	[sflag:s25] =	ssyncset.done $0x0  }
0x32: {  	[sflag:s25] =	ssyncadd.s32 $0xFFFFEC40  }
.LBB2_1:
0x33: {  	s0 =	rddreg [dreg:$0x6]  }
0x34: {  	[tilespmem:s4], [sflag:$0x19] =	stream.linear.gather [hbm4b:s0+s4], $0x3080, $0x38;
	[tilespmem:$0xDF90] =	vst v63  }
0x35: {  	_ =	swait.ge [sflag:s25], $0x3080  }
0x36: {  	[sflag:s25] =	ssyncset.done $0x0  }
0x37: {  	s2 =	simm.s32 $0x3080;
	s11 =	rddreg [dreg:$0x7];
	[sflag:s25] =	ssyncadd.s32 $0xFFFFCF80  }
0x38: {  	[tilespmem:s2], [sflag:$0x19] =	stream.linear.gather [hbm4b:s11+s4], $0x3080, $0x38;
	[tilespmem:$0xDF90] =	vst v63  }
0x39: {  	_ =	swait.ge [sflag:s25], $0x3080  }
0x3a: {  	[sflag:s25] =	ssyncset.done $0x0  }
0x3b: {  	s14 =	simm.s32 $0x74C0;
	s13 =	rddreg [dreg:$0x8];
	[sflag:s25] =	ssyncadd.s32 $0xFFFFCF80  }
0x3c: {  	[tilespmem:s14], [sflag:$0x19] =	stream.linear.gather [hbm4b:s13+s4], $0x1388, $0x38;
	[tilespmem:$0xDF90] =	vst v63  }
0x3d: {  	s18 =	simm.s32 $0x8848;
	_ =	swait.ge [sflag:s25], $0x1388  }
0x3e: {  	s20 =	simm.s32 $0x8C48;
	s22 =	simm.s32 $0x9048;
	[sflag:s25] =	ssyncset.done $0x0  }
0x3f: {  	s31 =	simm.s32 $0xFFFFFFFA;
	s15 =	rddreg [dreg:$0x9];
	[sflag:s25] =	ssyncadd.s32 $0xFFFFEC78  }
0x40: {  	[spmem:s15] =	stream.linear.scatter [tilespmem:s14], [sflag:$0x19], $0x1388, $0x38;
	[tilespmem:$0xDF90] =	vst v63  }
0x41: {  	s24 =	simm.s32 $0x6;
	p4 =	por $0x1, $0x1;
	_ =	swait.ge [sflag:s25], $0x1388  }
0x42: {  	p5 =	sle.u32 s6, $0x6;
	p6 =	sne.s32 s6, $0x1;
	[sflag:s25] =	ssyncset.done $0x0  }
0x43: {  	s7 =	smulhi.u32 $0xAAAAAAAB, s31;
	s16 =	rddreg [dreg:$0x5];
	[sflag:s25] =	ssyncadd.s32 $0xFFFFEC78  }
0x44: {  	[tilespmem:s29], [sflag:$0x19] =	stream.linear.gather [hbm4b:s16+s4], $0x13C0, $0x38;
	[tilespmem:$0xDF90] =	vst v63  }
0x45: {  	s0 =	simm.s32 @!p0 $0x80;
	s8 =	smulhi.u32 $0xAAAAAAAB, s24;
	_ =	swait.ge [sflag:s25], $0x13C0  }
0x46: {  	s24 =	simm.s32 $0xA448;
	s9 =	sshrl.u32 s7, $0x3;
	[sflag:s25] =	ssyncset.done $0x0  }
0x47: {  	s7 =	sadd.s32 $0x80, s10;
	s13 =	smul.u32 $0xFFFFFFD0, s9;
	[sflag:s25] =	ssyncadd.s32 $0xFFFFEC40  }
0x48: {  	[spmem:s12] =	stream.linear.scatter [tilespmem:s29], [sflag:$0x19], $0x13C0, $0x38;
	[tilespmem:$0xDF90] =	vst v63  }
0x49: {  	s2 =	simm.s32 @!p0 $0x9448;
	s9 =	simm.s32 $0x0;
	_ =	swait.ge [sflag:s25], $0x13C0  }
0x4a: {  	s13 =	sshra.s32 s13, $0x2;
	s14 =	sshrl.u32 s8, $0x3;
	[sflag:s25] =	ssyncset.done $0x0  }
0x4b: {  	s13 =	sadd.s32 $0x7, s13;
	s15 =	smul.u32 $0xFFFFFFD0, s14;
	[sflag:s25] =	ssyncadd.s32 $0xFFFFEC40  }
0x4c: {  	s8 =	simm.s32 $0x1;
	s13 =	sadd.s32 @!p4 $0x0, s13;
	[bflag:$0x0] =	sbarrier.arrive $0xFFFF  }
0x4d: {  	s14 =	smul.u32 $0xFFFF4000, s14;
	s15 =	sshra.s32 s15, $0x2;
	s17 =	rddreg [dreg:$0xa]  }
0x4e: {  	[tilespmem:s18], [sflag:$0x1] =	stream.indirect.gather [spmem:s1], $0x8, s17, s30, $0xb8;
	[tilespmem:$0xDF90] =	vst v63  }
0x4f: {  	s14 =	sshra.s32 s14, $0x2;
	s19 =	rddreg [dreg:$0xb];
	s17 =	smulhi.u32 $0xAAAAAAAB, s4  }
0x50: {  	[tilespmem:s20], [sflag:$0x2] =	stream.indirect.gather [spmem:s1], $0x8, s19, s30, $0xb8;
	[tilespmem:$0xDF90] =	vst v63  }
0x51: {  	s15 =	sadd.s32 $0x7, s15;
	s14 =	sadd.s32 $0xA048, s14;
	s17 =	sshrl.u32 s17, $0x3  }
0x52: {  	s15 =	sadd.s32 @!p5 $0x0, s15;
	s21 =	rddreg [dreg:$0xc];
	s18 =	smul.u32 $0xFFFFFFD0, s17  }
0x53: {  	[tilespmem:s22], [sflag:$0x3] =	stream.indirect.gather [spmem:s1], $0x8, s21, s30, $0xb8;
	[tilespmem:$0xDF90] =	vst v63  }
0x54: {  	s5 =	rddreg [dreg:$0xd];
	s17 =	smul.u32 $0xFFFF4000, s17;
	s22 =	smov.u32 s10  }
0x55: {  	[tilespmem:s2], [sflag:$0x4] =	stream.indirect.gather @!p0 [spmem:s1], $0x8, s5, s0, $0xb8;
	[tilespmem:$0xDF90] =	vst v63  }
0x56: {  	s0 =	simm.s32 @!p1 $0x80;
	s2 =	simm.s32 @!p1 $0x9848;
	s5 =	rddreg [dreg:$0xf]  }
0x57: {  	[tilespmem:s2], [sflag:$0x5] =	stream.indirect.gather @!p1 [spmem:s1], $0x8, s5, s0, $0xb8;
	[tilespmem:$0xDF90] =	vst v63  }
0x58: {  	s0 =	simm.s32 @!p2 $0x80;
	s2 =	simm.s32 @!p2 $0x9C48;
	s5 =	rddreg [dreg:$0x10]  }
0x59: {  	[tilespmem:s2], [sflag:$0x6] =	stream.indirect.gather @!p2 [spmem:s1], $0x8, s5, s0, $0xb8;
	[tilespmem:$0xDF90] =	vst v63  }
0x5a: {  	s18 =	sshra.s32 s18, $0x2;
	s17 =	sshra.s32 s17, $0x2;
	_ =	swait.ge @!p4 [sflag:s13], $0x400  }
.Ltmp2:
0x5b: {  	s28 =	sor.u32 $0x1, s18;
	[sflag:s13] =	ssyncset.done @!p4 $0x0;
	(pc) =	sbr.rel @!p6 .LBB2_3-.Ltmp2, $4  }
0x5c: {  	s2 =	simm.s32 $0x8C48;
	[sflag:s13] =	ssyncadd.s32 @!p4 $0xFFFFFC00;
	s13 =	simm.s32 @!p5 $0x80  }
0x5d: {  	[tilespmem:s14], [sflag:s15] =	stream.indirect.gather @!p5 [spmem:s1], $0x8, s23, s13, $0xb8;
	[tilespmem:$0xDF90] =	vst v63  }
0x5e: {  	s0 =	simm.s32 $0x7;
	s5 =	sadd.s32 $0x80, s23;
	s15 =	sadd.s32 $0xD, s18  }
0x5f: {  	s18 =	sadd.s32 $0x0, s28;
	s13 =	simm.s32 $0x0;
	s14 =	simm.s32 $0x8848  }
.LBB2_2:
0x60: {  	_ =	swait.ge [sflag:s18], $0x400  }
0x61: {  	s31 =	sadd.s32 $0x1, s31;
	s13 =	sadd.s32 $0x4, s13;
	s20 =	smov.u32 s0  }
0x62: {  	s21 =	smov.u32 s24;
	s14 =	sadd.s32 s17, s14;
	[sflag:s18] =	ssyncset.done $0x0  }
0x63: {  	s9 =	sadd.s32 s9, s15;
	s28 =	smov.u32 s5;
	[sflag:s18] =	ssyncadd.s32 $0xFFFFFC00  }
0x64: {  	[spmem:s3] =	stream.indirect.scatter.add.f32 [tilespmem:s14], [sflag:s9], $0x8, s22, s30, $0xb8;
	[tilespmem:$0xDF90] =	vst v63  }
0x65: {  	s0 =	sadd.s32 $0x1, s0;
	s14 =	smov.u32 s2;
	s22 =	smov.u32 s7  }
0x66: {  	s24 =	sadd.s32 $0x400, s24;
	s9 =	smulhi.u32 $0xAAAAAAAB, s31;
	s2 =	sadd.s32 $0x400, s2  }
0x67: {  	s5 =	sadd.s32 $0x80, s5;
	p4 =	slt.u32 s8, $0x6;
	s15 =	smulhi.u32 $0xAAAAAAAB, s20  }
0x68: {  	s18 =	smulhi.u32 $0xAAAAAAAB, s8;
	s7 =	sadd.s32 $0x80, s7;
	s9 =	sshrl.u32 s9, $0x3  }
0x69: {  	s20 =	sadd.s32 $0x6, s8;
	s17 =	smul.u32 $0xFFFFFFD0, s9;
	s9 =	sshra.s32 s13, $0x2  }
0x6a: {  	s8 =	sadd.s32 $0xFFFFFFFB, s20;
	p5 =	sge.u32 s20, s6;
	s15 =	sshrl.u32 s15, $0x3  }
0x6b: {  	s20 =	sshra.s32 @!p4 s13, $0x2;
	s11 =	smul.u32 $0xFFFFFFD0, s15;
	s17 =	sshra.s32 s17, $0x2  }
0x6c: {  	s16 =	sshra.s32 @!p5 s13, $0x2;
	s15 =	smul.u32 $0xFFFF4000, s15;
	s17 =	sadd.s32 $0x7, s17  }
0x6d: {  	p6 =	sne.s32 s8, s6;
	s18 =	sshrl.u32 s18, $0x3;
	s11 =	sshra.s32 s11, $0x2  }
0x6e: {  	s19 =	smul.u32 $0xFFFFFFD0, s18;
	s15 =	sshra.s32 s15, $0x2;
	s11 =	sadd.s32 $0x7, s11  }
0x6f: {  	s11 =	sadd.s32 @!p5 s16, s11;
	s20 =	sadd.s32 @!p4 s20, s17;
	s17 =	smul.u32 $0xFFFF4000, s18  }
.Ltmp3:
0x70: {  	s16 =	sadd.s32 s15, s21;
	_ =	swait.ge @!p4 [sflag:s20], $0x400;
	(pc) =	sbr.rel @p6 .LBB2_2-.Ltmp3, $4  }
0x71: {  	s15 =	sshra.s32 s19, $0x2;
	[sflag:s20] =	ssyncset.done @!p4 $0x0  }
0x72: {  	s18 =	sor.u32 $0x1, s15;
	s15 =	sadd.s32 $0xD, s15;
	s17 =	sshra.s32 s17, $0x2  }
0x73: {  	s19 =	simm.s32 @!p5 $0x80;
	s18 =	sadd.s32 s9, s18;
	[sflag:s20] =	ssyncadd.s32 @!p4 $0xFFFFFC00  }
0x74: {  	[tilespmem:s16], [sflag:s11] =	stream.indirect.gather @!p5 [spmem:s1], $0x8, s28, s19, $0xb8;
	[tilespmem:$0xDF90] =	vst v63  }
.LBB2_3:
.Ltmp4:
0x75: {  	(pc) =	sbr.rel @p3 .LBB2_7-.Ltmp4, $4  }
0x76: {  	_ =	swait.ge [sflag:s18], $0x400  }
0x77: {  	[sflag:s18] =	ssyncset.done $0x0  }
0x78: {  	s0 =	sadd.s32 s17, s14;
	s2 =	sadd.s32 s9, s15;
	[sflag:s18] =	ssyncadd.s32 $0xFFFFFC00  }
0x79: {  	[spmem:s3] =	stream.indirect.scatter.add.f32 [tilespmem:s0], [sflag:s2], $0x8, s22, s30, $0xb8;
	[tilespmem:$0xDF90] =	vst v63  }
0x7a: {  	s5 =	rddreg [dreg:$0xe]  }
0x7b: {  	s31 =	rddreg [dreg:$0x11]  }
0x7c: {  	s0 =	smulhi.u32 $0xAAAAAAAB, s5;
	p4 =	sne.s32 s31, $0x1  }
.Ltmp5:
0x7d: {  	_ = 	snop;
	(pc) =	sbr.rel @!p4 .LBB2_6-.Ltmp5, $4  }
0x7e: {  	s0 =	sshrl.u32 s0, $0x3  }
0x7f: {  	s2 =	smul.u32 $0xFFFFFFD0, s0  }
0x80: {  	s5 =	sadd.s32 $0x1, s5  }
0x81: {  	s0 =	sadd.s32 $0xFFFFFFFF, s31;
	s7 =	sshra.s32 s2, $0x2;
	s2 =	rddreg [dreg:$0x14]  }
.LBB2_5:
0x82: {  	s8 =	smulhi.u32 $0xAAAAAAAB, s5;
	s7 =	sadd.s32 s7, s2;
	p4 =	sne.s32 s0, $0x1  }
.Ltmp6:
0x83: {  	s0 =	sadd.s32 $0xFFFFFFFF, s0;
	_ =	swait.ge [sflag:s7], $0x400;
	(pc) =	sbr.rel @p4 .LBB2_5-.Ltmp6, $3  }
0x84: {  	s8 =	sshrl.u32 s8, $0x3;
	[sflag:s7] =	ssyncset.done $0x0  }
0x85: {  	s8 =	smul.u32 $0xFFFFFFD0, s8;
	[sflag:s7] =	ssyncadd.s32 $0xFFFFFC00;
	_ =	sdelay $0x1  }
0x86: {  	s5 =	sadd.s32 $0x1, s5;
	s2 =	sadd.s32 $0x1, s2;
	s7 =	sshra.s32 s8, $0x2  }
.Ltmp7:
0x87: {  	_ = 	snop;
	(pc) =	sbr.rel .LBB2_6-.Ltmp7, $1  }
0x88: {  	_ =	sdelay $0x3  }
.LBB2_8:
0x89: {  	_ =	sfence.sel $0x180000  }
0x8a: {  	[bflag:$0x0] =	sbarrier.arrive $0xFFFF  }
0x8b: {  	_ =	strace $0x9000004D  }
0x8c: {  	s0 =	stileid.u32;
	[bflag:$0x2] =	sbarrier.arrive $0xFFFF  }
0x8d: {  	p0 =	sne.s32 s0, $0x0;
	s0 =	rddreg [dreg:$0x4]  }
0x8e: {  	s0 =	sadd.s32 @!p0 $0x100000, s0  }
0x8f: {  	[sflag:s0] =	ssyncadd.tile.s32 @!p0 $0x1;
	_ =	shalt  }
.Lfunc_end2:
_tile_overlayer_lowered:
.L_overlay_start_2:
0x90: {  	(tag) =	ssettag $0x2  }
0x91: {  	s0 =	rddreg [dreg:$0x0];
	s2 =	stileid.u32  }
0x92: {  	s1 =	rddreg [dreg:$0x1];
	p0 =	sne.s32 s2, $0x0  }
0x93: {  	s3 =	rddreg [dreg:$0x2];
	[bflag:$0x3] =	sbarrier.arrive $0xFFFF;
	s2 =	simm.s32 @!p0 $0x1C19  }
0x94: {  	[timem:s3], [sflag:s2] =	dma.local @!p0 [hbm:s0], s1  }
0x95: {  	s0 =	simm.s32 @!p0 $0x19  }
0x96: {  	_ =	swait.ge @!p0 [sflag:s0], s1  }
0x97: {  	s1 =	ssub.s32 @!p0 $0x0, s1;
	[sflag:s0] =	ssyncset.done @!p0 $0x0  }
0x98: {  	[sflag:s0] =	ssyncadd.s32 @!p0 s1  }
0x99: {  	[bflag:$0x3] =	sbarrier.arrive $0xFFFF  }
0x9a: {  	_ =	shalt  }

// kernel: kernel.8.cloned.1.call-start
scs
__scs_entry_jumppad:
0x0: {  	(pc) =	sbr.rel $0x88, $3  }
0x1: {  	(tag) =	ssettag $0x0;
	lr =	simm.s32 $0x1  }
0x2: {  	[smem:$0x3F9B] =	sst lr;
	_ =	strace $0xD0000000  }
0x3: {  	_ = 	snop  }
0x4: {  	_ = 	snop  }
0x5: {  	_ = 	snop  }
0x6: {  	_ = 	snop  }
0x7: {  	_ = 	snop  }
__scs_overlays_trampoline_lowered:
0x8: {  	[smem:$0x3FAA] =	sst s0  }
0x9: {  	[smem:$0x3FAB] =	sst s1  }
0xa: {  	[smem:$0x3FAC] =	sst s2  }
0xb: {  	[smem:$0x3FAD] =	sst s3  }
0xc: {  	[smem:$0x3FAE] =	sst s4  }
0xd: {  	[smem:$0x3FAF] =	sst s5  }
0xe: {  	[smem:$0x3FB0] =	sst s6  }
0xf: {  	[smem:$0x3FB1] =	sst s7  }
0x10: {  	[smem:$0x3FB2] =	sst s8  }
0x11: {  	[smem:$0x3FB3] =	sst s9;
	s0 =	simm.s32 @!p0 $0x0  }
0x12: {  	s1 =	sld [smem:$0x3F99];
	s0 =	simm.s32 @p0 $0x1  }
0x13: {  	[smem:$0x3FB4] =	sst s0;
	s0 =	simm.s32 @!p1 $0x0  }
0x14: {  	s2 =	sld [smem:$0x3F98];
	s0 =	simm.s32 @p1 $0x1  }
0x15: {  	[smem:$0x3FB5] =	sst s0;
	s0 =	simm.s32 @!p2 $0x0  }
0x16: {  	s3 =	sld [smem:$0x3FDB];
	s0 =	simm.s32 @p2 $0x1  }
0x17: {  	s4 =	simm.s32 $0x1BF5;
	[smem:$0x3FB7] =	sst s0  }
0x18: {  	s0 =	sld [smem:$0x3F9A];
	_ =	swait.ge [sflag:s4], $0x0  }
0x19: {  	s7 =	sld [smem:$0x3F9B]  }
0x1a: {  	s8 =	sadd.s32 $0xFFFFE003, lr  }
0x1b: {  	s9 =	sadd.s32 $0xFFFFFEF7, lr;
	s5 =	simm.s32 $0xFFFFFFFF;
	p2 =	slt.u32 s8, $0xFFFFF086  }
0x1c: {  	p1 =	slt.u32 s9, $0xF7A;
	s5 =	simm.s32 @!p2 $0x0  }
0x1d: {  	s5 =	simm.s32 @p1 $0x1;
	p0 =	seq.s32 s7, s2  }
0x1e: {  	s7 =	smul.u32 @!p0 $0xF7A, s2;
	p2 =	seq.s32 @!p0 s5, $0x0  }
0x1f: {  	s9 =	smul.u32 $0xF7A, s1;
	s8 =	simm.s32 @!p0 $0x1BF5;
	p2 =	por !p2, p0  }
0x20: {  	[sflag:s8] =	ssyncset.s32 @!p0 $0xFFFFF086;
	s6 =	sadd.s32 @!p0 s3, s7;
	s7 =	simm.s32 @!p0 $0x108  }
0x21: {  	s3 =	sadd.s32 s3, s9;
	s6 =	sadd.s32 @!p0 $0x88, s6;
	s7 =	simm.s32 @p2 $0x1082  }
0x22: {  	[simem:s7], [sflag:s8] =	dma.local @!p0 [hbm:s6], $0xF7A  }
0x23: {  	s9 =	sor.u32 $0xD0000000, s2;
	s6 =	simm.s32 $0x108;
	_ =	swait.ge @!p0 [sflag:s8], $0x0  }
0x24: {  	s3 =	sadd.s32 $0x88, s3;
	s6 =	simm.s32 @!p1 $0x1082;
	[sflag:s4] =	ssyncset.s32 $0xFFFFF086  }
0x25: {  	[simem:s6], [sflag:s4] =	dma.local [hbm:s3], $0xF7A  }
0x26: {  	[smem:$0x3F9B] =	sst s1;
	(tag) =	ssettag s2;
	_ =	strace s9  }
0x27: {  	s1 =	sld [smem:$0x3FAB]  }
0x28: {  	s2 =	sld [smem:$0x3FAC]  }
0x29: {  	s4 =	sld [smem:$0x3FAE]  }
0x2a: {  	p0 =	seq.s32 s5, $0x0;
	s5 =	sld [smem:$0x3FAF]  }
0x2b: {  	s6 =	sld [smem:$0x3FB0]  }
0x2c: {  	s7 =	sld [smem:$0x3FB1]  }
0x2d: {  	s3 =	simm.s32 $0x108;
	s8 =	sld [smem:$0x3FB2]  }
0x2e: {  	s3 =	simm.s32 @!p0 $0x1082;
	s9 =	sld [smem:$0x3FB3]  }
0x2f: {  	lr =	sadd.s32 s0, s3;
	s0 =	sld [smem:$0x3FAA]  }
0x30: {  	s3 =	sld [smem:$0x3FAD]  }
0x31: {  	[smem:$0x3FB6] =	sst s10  }
0x32: {  	s10 =	sld [smem:$0x3FB4];
	_ =	sdelay $0x3  }
0x33: {  	p0 =	seq.s32 s10, $0x1;
	s10 =	sld [smem:$0x3FB6];
	_ =	sdelay $0x3  }
0x34: {  	[smem:$0x3FB6] =	sst s10  }
0x35: {  	s10 =	sld [smem:$0x3FB5];
	_ =	sdelay $0x3  }
0x36: {  	p1 =	seq.s32 s10, $0x1;
	s10 =	sld [smem:$0x3FB6];
	_ =	sdelay $0x3  }
0x37: {  	[smem:$0x3FB6] =	sst s10  }
0x38: {  	s10 =	sld [smem:$0x3FB7]  }
0x39: {  	_ = 	snop;
	(pc) =	sbr.ind lr, $3  }
0x3a: {  	_ = 	snop  }
0x3b: {  	_ = 	snop  }
0x3c: {  	p2 =	seq.s32 s10, $0x1;
	s10 =	sld [smem:$0x3FB6]  }
0x3d: {  	_ =	shalt  }
0x3e: {  	_ =	shalt  }
0x3f: {  	_ =	shalt  }
0x40: {  	_ =	shalt  }
0x41: {  	_ =	shalt  }
0x42: {  	_ =	shalt  }
0x43: {  	_ =	shalt  }
0x44: {  	_ =	shalt  }
0x45: {  	_ =	shalt  }
0x46: {  	_ =	shalt  }
0x47: {  	_ =	shalt  }
0x48: {  	_ =	shalt  }
0x49: {  	_ =	shalt  }
0x4a: {  	_ =	shalt  }
0x4b: {  	_ =	shalt  }
0x4c: {  	_ =	shalt  }
0x4d: {  	_ =	shalt  }
0x4e: {  	_ =	shalt  }
0x4f: {  	_ =	shalt  }
0x50: {  	_ =	shalt  }
0x51: {  	_ =	shalt  }
0x52: {  	_ =	shalt  }
0x53: {  	_ =	shalt  }
0x54: {  	_ =	shalt  }
0x55: {  	_ =	shalt  }
0x56: {  	_ =	shalt  }
0x57: {  	_ =	shalt  }
0x58: {  	_ =	shalt  }
0x59: {  	_ =	shalt  }
0x5a: {  	_ =	shalt  }
0x5b: {  	_ =	shalt  }
0x5c: {  	_ =	shalt  }
0x5d: {  	_ =	shalt  }
0x5e: {  	_ =	shalt  }
0x5f: {  	_ =	shalt  }
0x60: {  	_ =	shalt  }
0x61: {  	_ =	shalt  }
0x62: {  	_ =	shalt  }
0x63: {  	_ =	shalt  }
0x64: {  	_ =	shalt  }
0x65: {  	_ =	shalt  }
0x66: {  	_ =	shalt  }
0x67: {  	_ =	shalt  }
0x68: {  	_ =	shalt  }
0x69: {  	_ =	shalt  }
0x6a: {  	_ =	shalt  }
0x6b: {  	_ =	shalt  }
0x6c: {  	_ =	shalt  }
0x6d: {  	_ =	shalt  }
0x6e: {  	_ =	shalt  }
0x6f: {  	_ =	shalt  }
0x70: {  	_ =	shalt  }
0x71: {  	_ =	shalt  }
0x72: {  	_ =	shalt  }
0x73: {  	_ =	shalt  }
0x74: {  	_ =	shalt  }
0x75: {  	_ =	shalt  }
0x76: {  	_ =	shalt  }
0x77: {  	_ =	shalt  }
0x78: {  	_ =	shalt  }
0x79: {  	_ =	shalt  }
0x7a: {  	_ =	shalt  }
0x7b: {  	_ =	shalt  }
0x7c: {  	_ =	shalt  }
0x7d: {  	_ =	shalt  }
0x7e: {  	_ =	shalt  }
0x7f: {  	_ =	shalt  }
0x80: {  	_ =	shalt  }
0x81: {  	_ =	shalt  }
0x82: {  	_ =	shalt  }
0x83: {  	_ =	shalt  }
0x84: {  	_ =	shalt  }
0x85: {  	_ =	shalt  }
0x86: {  	_ =	shalt  }
0x87: {  	_ =	shalt  }
.Lfunc_end0:
.L_simem_size_0:
called_computation_lowered:
.L_overlay_start_0:
0x88: {  	s2 =	sld [smem:$0x3FD9]  }
0x89: {  	s3 =	sld [smem:$0x3FFE];
	_ =	sdelay $0x1  }
0x8a: {  	s1 =	srdreg.scid  }
0x8b: {  	s0 =	sand.u32 $0x1, s1  }
0x8c: {  	s17 =	sshll.u32 s0, $0xA;
	s2 =	sadd.s32 s3, s2  }
0x8d: {  	s2 =	sadd.s32 s2, s17  }
0x8e: {  	[smem:$0x3FC2] =	sst s2  }
0x8f: {  	_ = 	snop  }
0x90: {  	s2 =	sld [smem:$0x3FD0];
	(tm) =	ssettm $0x1  }
0x91: {  	s18 =	sld [smem:$0x3FFB];
	_ =	sdelay $0x3  }
0x92: {  	_ =	strace s18  }
0x93: {  	s3 =	sld [smem:$0x3FFC];
	_ =	sdelay $0x3  }
0x94: {  	_ =	strace s3  }
0x95: {  	s3 =	sld [smem:$0x3FFD];
	_ =	sdelay $0x3  }
0x96: {  	_ =	strace s3  }
0x97: {  	_ =	strace $0x8FFFFFFF  }
0x98: {  	s19 =	sld [smem:$0x3FDB];
	_ =	sdelay $0x1  }
0x99: {  	s4 =	simm.s32 $_scs_section_size  }
0x9a: {  	s5 =	simm.s32 $_size__tile_overlayer_lowered;
	s6 =	simm.s32 $_tile_overlayer_lowered  }
0x9b: {  	s22 =	simm.s32 $0x1BFF;
	s21 =	sshll.u32 s6, $0x1;
	s3 =	sadd.s32 s4, s19  }
0x9c: {  	s7 =	simm.s32 $0x0;
	s20 =	sshll.u32 s5, $0x1;
	s5 =	sadd.s32 s21, s3  }
0x9d: {  	[timem:s7], [sflag:s22] =	dma.local [hbm:s5], s20  }
0x9e: {  	_ =	swait.ge [sflag:s22], s20  }
0x9f: {  	s4 =	ssub.s32 $0x0, s20;
	[sflag:s22] =	ssyncset.done $0x0  }
0xa0: {  	[sflag:s22] =	ssyncadd.s32 s4;
	_ =	sdelay $0x1  }
0xa1: {  	s23 =	simm.s32 $0x1B8B  }
0xa2: {  	_ =	swait.ge [sflag:s23], $0x1  }
0xa3: {  	[sflag:s23] =	ssyncset.done $0x0  }
0xa4: {  	s25 =	simm.s32 $0x1B8E;
	s24 =	sld [smem:$0x3FFE];
	[sflag:s23] =	ssyncadd.s32 $0xFFFFFFFF  }
0xa5: {  	s26 =	simm.s32 $execute0_lowered;
	[smem:$0x3FD2] =	sst s25  }
0xa6: {  	s5 =	sshll.u32 s26, $0x1;
	_ =	strace $0x80000046;
	[dreg:$0x1] =	wrdreg $0xFFFFFFFF  }
0xa7: {  	s28 =	simm.s32 $_size_execute0_lowered;
	s3 =	sadd.s32 s3, s5;
	[dreg:$0x0] =	wrdreg $0x0  }
0xa8: {  	s5 =	sshll.u32 s28, $0x1;
	[dreg:$0x2] =	wrdreg s3  }
0xa9: {  	[dreg:$0x3] =	wrdreg s5  }
0xaa: {  	[dreg:$0x4] =	wrdreg $0xC0  }
0xab: {  	_ =	task [dreg:s7], $0x5FFFF  }
0xac: {  	[dreg:$0x1] =	wrdreg $0xFFFFFFFF  }
0xad: {  	[dreg:$0x0] =	wrdreg $0x60  }
0xae: {  	[dreg:$0x2] =	wrdreg s24  }
0xaf: {  	[dreg:$0x3] =	wrdreg s2  }
0xb0: {  	[dreg:$0x4] =	wrdreg $0x4C400  }
0xb1: {  	[dreg:$0x5] =	wrdreg $0x9  }
0xb2: {  	_ =	task.clear_ibuf [dreg:s7], $0x6FFFF;
	_ =	strace $0x90000046  }
0xb3: {  	s29 =	simm.s32 $0x9;
	_ =	strace $0x80000048  }
0xb4: {  	_ =	swait.ge [sflag:s29], $0x1  }
0xb5: {  	[sflag:s29] =	ssyncadd.s32 $0xFFFFFFFF  }
0xb6: {  	_ =	strace $0x90000048  }
0xb7: {  	_ =	sfence  }
0xb8: {  	s30 =	sld [smem:$0x0];
	_ =	sdelay $0x2  }
0xb9: {  	s31 =	sshll.u32 s1, $0xD;
	s1 =	sshrl.u32 s1, $0x2  }
0xba: {  	s3 =	sand.u32 $0x4000, s31;
	s1 =	sadd.s32 s1, s30  }
0xbb: {  	s0 =	sor.u32 s3, s0;
	s1 =	sshll.u32 s1, $0x11  }
0xbc: {  	s0 =	sor.u32 s1, s0  }
0xbd: {  	s0 =	sadd.s32 $0x8F2B, s0  }
0xbe: {  	[sflag:s0] =	ssyncadd.remote.s32 $0x1  }
0xbf: {  	_ =	sfence.sel $0xFFFF  }
0xc0: {  	[dreg:$0x0] =	wrdreg $0xFFFFFFFF;
	(pc) =	sbr.abs _section_cstart, $3  }
0xc1: {  	[dreg:$0x1] =	wrdreg $0xFFFFFFFF  }
0xc2: {  	_ =	task.clear_ibuf [dreg:s7], $0x2FFFF;
	_ =	strace $0x9FFFFFFF  }
0xc3: {  	(tm) =	ssettm $0x7FFFFFFF  }
tec
execute0_lowered:
.L_overlay_start_1:
0x0: {  	(tag) =	ssettag $0x1  }
0x1: {  	s7 =	rddreg [dreg:$0x0];
	s0 =	stileid.u32  }
0x2: {  	s1 =	srdreg.scid;
	s2 =	rddreg [dreg:$0x1]  }
0x3: {  	s3 =	rddreg [dreg:$0x2];
	s4 =	smul.u32 $0x37, s0  }
0x4: {  	s13 =	simm.s32 $0x69;
	s16 =	simm.s32 $0x1;
	s5 =	smul.u32 $0x69, s0  }
0x5: {  	s17 =	simm.s32 $0x0;
	s6 =	sand.u32 $0x1, s1;
	s9 =	smul.u32 $0x13C0, s0  }
0x6: {  	s1 =	rddreg [dreg:$0x3];
	p0 =	seq.s32 s6, $0x0;
	s10 =	smul.u32 $0x13C00, s6  }
0x7: {  	s14 =	ssub.s32 $0x2, s6;
	s12 =	sadd.s32 $0x690, s4;
	s4 =	simm.s32 $0x0  }
0x8: {  	s13 =	simm.s32 @!p0 $0x37;
	s15 =	sshrl.u32 s14, $0x1;
	s12 =	smov.u32 @p0 s5  }
0x9: {  	[smem:$0x7FF] =	sst s4;
	s5 =	sadd.s32 $0x15600, s7;
	s10 =	sadd.s32 s9, s10  }
0xa: {  	s14 =	ssub.s32 s14, s15;
	s15 =	simm.s32 $0x80;
	s8 =	smin.u32 s12, $0x95B  }
0xb: {  	_ =	strace $0x80000047;
	s6 =	ssub.s32 $0x9C4, s12;
	s10 =	sshrl.u32 s10, $0x3  }
0xc: {  	s30 =	sshll.u32 s12, $0x9;
	s29 =	sshll.u32 s8, $0x4;
	p0 =	slt.s32 s13, s6  }
.Ltmp0:
0xd: {  	s10 =	sadd.s32 s10, s7;
	s31 =	sshll.u32 s8, $0x9;
	(pc) =	sbr.rel .LBB2_1-.Ltmp0, $4  }
0xe: {  	s8 =	sadd.s32 s9, s3;
	s11 =	sadd.s32 s29, s7;
	s6 =	smov.u32 @p0 s13  }
0xf: {  	s9 =	sadd.s32 $0x15A00, s10;
	s10 =	smax.u32 s14, $0x1;
	p0 =	sgt.u32 s12, $0x9C3  }
0x10: {  	s12 =	simm.s32 $0x2;
	s7 =	sadd.s32 $0xB800, s11;
	s11 =	ssub.s32 s30, s31  }
0x11: {  	s13 =	simm.s32 $0x4840;
	s14 =	simm.s32 $0x3480;
	s11 =	sshra.s32 s11, $0x2  }
.LBB2_6:
0x12: {  	[sflag:s16] =	ssyncadd.s32 $0xFFFFFC00  }
.LBB2_7:
0x13: {  	[bflag:$0x0] =	sbarrier.arrive $0xFFFF  }
0x14: {  	[tilespmem:s14], [sflag:$0x2] =	stream.linear.gather [spmem:s8], $0x13C0, $0x38;
	[tilespmem:$0x6000] =	vst v63  }
0x15: {  	s17 =	sadd.s32 $0x1, s17;
	_ =	swait.ge [sflag:s12], $0x13C0  }
0x16: {  	p1 =	sne.s32 s17, s10;
	[sflag:s12] =	ssyncset.done $0x0  }
.Ltmp1:
0x17: {  	[sflag:s12] =	ssyncadd.s32 $0xFFFFEC40;
	(pc) =	sbr.rel @!p1 .LBB2_8-.Ltmp1, $4  }
0x18: {  	[hbm4b:s9+s4] =	stream.linear.scatter [tilespmem:s14], [sflag:$0x2], $0x13C0, $0x38;
	[tilespmem:$0x6000] =	vst v63  }
0x19: {  	_ =	swait.ge [sflag:s12], $0x13C0  }
0x1a: {  	[sflag:s12] =	ssyncset.done $0x0  }
0x1b: {  	[sflag:s12] =	ssyncadd.s32 $0xFFFFEC40  }
.LBB2_1:
0x1c: {  	[tilespmem:s4], [sflag:$0x2] =	stream.linear.gather [hbm4b:s7+s4], $0x3480, $0x38;
	[tilespmem:$0x6000] =	vst v63  }
0x1d: {  	_ =	swait.ge [sflag:s12], $0x3480  }
0x1e: {  	[sflag:s12] =	ssyncset.done $0x0  }
0x1f: {  	[sflag:s12] =	ssyncadd.s32 $0xFFFFCB80  }
0x20: {  	[tilespmem:s13], [sflag:$0x2] =	stream.linear.gather [hbm4b:s2+s4], $0x400, $0x38;
	[tilespmem:$0x6000] =	vst v63  }
0x21: {  	_ =	swait.ge [sflag:s12], $0x400  }
0x22: {  	[sflag:s12] =	ssyncset.done $0x0  }
0x23: {  	[sflag:s12] =	ssyncadd.s32 $0xFFFFFC00  }
0x24: {  	[tilespmem:s14], [sflag:$0x2] =	stream.linear.gather [hbm4b:s5+s4], $0x13C0, $0x38;
	[tilespmem:$0x6000] =	vst v63  }
0x25: {  	_ =	swait.ge [sflag:s12], $0x13C0  }
0x26: {  	[sflag:s12] =	ssyncset.done $0x0  }
0x27: {  	[sflag:s12] =	ssyncadd.s32 $0xFFFFEC40  }
0x28: {  	[spmem:s8] =	stream.linear.scatter [tilespmem:s14], [sflag:$0x2], $0x13C0, $0x38;
	[tilespmem:$0x6000] =	vst v63  }
.Ltmp2:
0x29: {  	_ =	swait.ge [sflag:s12], $0x13C0;
	(pc) =	sbr.rel @p0 .LBB2_7-.Ltmp2, $3  }
0x2a: {  	[sflag:s12] =	ssyncset.done $0x0  }
0x2b: {  	[sflag:s12] =	ssyncadd.s32 $0xFFFFEC40  }
0x2c: {  	[bflag:$0x0] =	sbarrier.arrive $0xFFFF;
	_ =	sdelay $0x1  }
0x2d: {  	p1 =	sne.s32 s6, $0x1  }
.Ltmp3:
0x2e: {  	_ = 	snop;
	(pc) =	sbr.rel @!p1 .LBB2_4-.Ltmp3, $3  }
0x2f: {  	_ =	sdelay $0x1  }
0x30: {  	[spmem:s3] =	stream.indirect.scatter.add.f32 [tilespmem:s13], [sflag:$0x1], $0x8, s11, s15, $0xb8;
	[tilespmem:$0x6000] =	vst v63  }
0x31: {  	s18 =	sadd.s32 $0xFFFFFFFF, s6;
	s19 =	smov.u32 s11  }
.LBB2_3:
0x32: {  	p1 =	sne.s32 s18, $0x1  }
.Ltmp4:
0x33: {  	_ = 	snop;
	(pc) =	sbr.rel @p1 .LBB2_3-.Ltmp4, $3  }
0x34: {  	_ = 	snop  }
0x35: {  	s18 =	sadd.s32 $0xFFFFFFFF, s18;
	s19 =	sadd.s32 $0x80, s19;
	_ =	sdelay $0x1  }
0x36: {  	[spmem:s3] =	stream.indirect.scatter.add.f32 [tilespmem:s13], [sflag:$0x1], $0x8, s19, s15, $0xb8;
	[tilespmem:$0x6000] =	vst v63  }
.LBB2_4:
0x37: {  	p1 =	sne.s32 s6, $0x1  }
.Ltmp5:
0x38: {  	_ = 	snop;
	(pc) =	sbr.rel @!p1 .LBB2_6-.Ltmp5, $3  }
0x39: {  	_ =	sdelay $0x1  }
0x3a: {  	_ =	swait.ge [sflag:s16], $0x400  }
0x3b: {  	s18 =	sadd.s32 $0xFFFFFFFF, s6;
	[sflag:s16] =	ssyncset.done $0x0  }
.LBB2_5:
0x3c: {  	p1 =	sne.s32 s18, $0x1;
	s18 =	sadd.s32 $0xFFFFFFFF, s18;
	[sflag:s16] =	ssyncadd.s32 $0xFFFFFC00  }
.Ltmp6:
0x3d: {  	(pc) =	sbr.rel @p1 .LBB2_5-.Ltmp6, $3  }
0x3e: {  	_ =	sdelay $0x1  }
0x3f: {  	_ =	swait.ge [sflag:s16], $0x400  }
0x40: {  	[sflag:s16] =	ssyncset.done $0x0  }
.Ltmp7:
0x41: {  	_ = 	snop;
	(pc) =	sbr.rel .LBB2_6-.Ltmp7, $1  }
0x42: {  	_ =	sdelay $0x3  }
.LBB2_8:
0x43: {  	_ =	sfence.sel $0x180000  }
0x44: {  	[bflag:$0x0] =	sbarrier.arrive $0xFFFF  }
0x45: {  	p0 =	sne.s32 s0, $0x0;
	_ =	strace $0x90000047  }
0x46: {  	s0 =	sadd.s32 @!p0 $0x100000, s1;
	[bflag:$0x2] =	sbarrier.arrive $0xFFFF  }
0x47: {  	[sflag:s0] =	ssyncadd.tile.s32 @!p0 $0x1;
	_ =	shalt  }
.Lfunc_end2:
_tile_overlayer_lowered:
.L_overlay_start_2:
0x48: {  	(tag) =	ssettag $0x2  }
0x49: {  	s0 =	rddreg [dreg:$0x0];
	s2 =	stileid.u32  }
0x4a: {  	s1 =	rddreg [dreg:$0x1];
	p0 =	sne.s32 s2, $0x0  }
0x4b: {  	s3 =	rddreg [dreg:$0x2];
	[bflag:$0x3] =	sbarrier.arrive $0xFFFF;
	s2 =	simm.s32 @!p0 $0x1C02  }
0x4c: {  	[timem:s3], [sflag:s2] =	dma.local @!p0 [hbm:s0], s1  }
0x4d: {  	s0 =	simm.s32 @!p0 $0x2  }
0x4e: {  	_ =	swait.ge @!p0 [sflag:s0], s1  }
0x4f: {  	s1 =	ssub.s32 @!p0 $0x0, s1;
	[sflag:s0] =	ssyncset.done @!p0 $0x0  }
0x50: {  	[sflag:s0] =	ssyncadd.s32 @!p0 s1  }
0x51: {  	[bflag:$0x3] =	sbarrier.arrive $0xFFFF  }
0x52: {  	_ =	shalt  }

</sc_bundles>
